<compile_context>
chip_gen: v7x
topology: tpu7x:2x2x1
jax: 0.10.2.dev20260603
libtpu: 0.0.44.dev20260713+nightly
codegen_flags: <defaults>
</compile_context>

<pallas_src>
import functools

import jax
import jax.numpy as jnp
import numpy as np
from jax import lax
from jax.experimental import pallas as pl
from jax.experimental.pallas import tpu as pltpu
from jax.experimental.pallas import tpu_sc as plsc

B = 256
TS_LEN = 1024
SEG_LEN = 8
DIM_SEQ = 128
DIM_MODEL = 768
N_BUCKETS = 128
WORDS = 64
NSEG = B * DIM_SEQ
VOCAB = N_BUCKETS * WORDS


def _build_haar_w():
    a = np.eye(TS_LEN, dtype=np.float64)
    details = []
    while a.shape[1] > 1:
        d = (a[:, 0::2] - a[:, 1::2]) / np.sqrt(2.0)
        a = (a[:, 0::2] + a[:, 1::2]) / np.sqrt(2.0)
        details.append(d)
    coeffs = ([a] + details[::-1])[: SEG_LEN]
    rows = [np.repeat(c, DIM_SEQ // c.shape[1], axis=1) for c in coeffs]
    w = np.stack(rows, axis=2).reshape(TS_LEN, DIM_SEQ * SEG_LEN)
    return w.astype(np.float32)


_HAAR_W = _build_haar_w()



def _coef_body(x_ref, w_ref, coef_ref):
    coef_ref[...] = jnp.dot(x_ref[...], w_ref[...],
                            preferred_element_type=jnp.float32,
                            precision=lax.Precision.HIGHEST)


def _tc_coeffs(x):
    return pl.pallas_call(
        _coef_body,
        grid=(4,),
        in_specs=[
            pl.BlockSpec((B // 4, TS_LEN), lambda i: (i, 0)),
            pl.BlockSpec((TS_LEN, TS_LEN), lambda i: (0, 0)),
        ],
        out_specs=pl.BlockSpec((B // 4, TS_LEN), lambda i: (i, 0)),
        out_shape=jax.ShapeDtypeStruct((B, TS_LEN), jnp.float32),
    )(x, _HAAR_W)


def _idx_body(xseg_ref, vf_ref, idx_ref):
    segs = xseg_ref[...]
    diffs = segs[:, 1:] - segs[:, :-1]
    e7 = lax.broadcasted_iota(jnp.int32, (diffs.shape[0], 7), 1)
    bits = jnp.where(diffs > 0, jnp.int32(1) << e7, 0)
    bucket = jnp.sum(bits, axis=1, keepdims=True)
    smin = jnp.min(segs, axis=1, keepdims=True)
    smax = jnp.max(segs, axis=1, keepdims=True)
    narr = (segs - smin) / (smax - smin + 1e-08)
    lanes = lax.broadcasted_iota(jnp.int32, (segs.shape[0], N_BUCKETS), 1)
    oh = (bucket == lanes).astype(jnp.bfloat16)
    nw = SEG_LEN * WORDS
    bw3 = jnp.dot(oh, vf_ref[...], preferred_element_type=jnp.float32)
    bw = (bw3[:, :nw] + bw3[:, nw:2 * nw]) + bw3[:, 2 * nw:]
    d = [jnp.abs(bw[:, e * WORDS:(e + 1) * WORDS] - narr[:, e:e + 1])
         for e in range(SEG_LEN)]
    dist = ((d[0] + d[1]) + (d[2] + d[3])) + ((d[4] + d[5]) + (d[6] + d[7]))
    best = jnp.argmin(dist, axis=1).astype(jnp.int32)
    idx_ref[...] = bucket * WORDS + best[:, None]


def _split_limbs3(v):
    def trunc16(x):
        u = lax.bitcast_convert_type(x, jnp.uint32)
        return lax.bitcast_convert_type(u & jnp.uint32(0xFFFF0000),
                                        jnp.float32)

    hi = trunc16(v)
    r1 = v - hi
    mid = trunc16(r1)
    lo = r1 - mid
    return (hi.astype(jnp.bfloat16), mid.astype(jnp.bfloat16),
            lo.astype(jnp.bfloat16))


def _tc_index(xseg, vf_limbs):
    nseg = xseg.shape[0]
    sb = 2048
    return pl.pallas_call(
        _idx_body,
        grid=(nseg // sb,),
        in_specs=[
            pl.BlockSpec((sb, SEG_LEN), lambda i: (i, 0)),
            pl.BlockSpec((N_BUCKETS, 3 * SEG_LEN * WORDS), lambda i: (0, 0)),
        ],
        out_specs=pl.BlockSpec((sb, 1), lambda i: (i, 0)),
        out_shape=jax.ShapeDtypeStruct((nseg, 1), jnp.int32),
    )(xseg, vf_limbs)



_NC, _NS = 2, 16
_NW = _NC * _NS
_BPW = NSEG // _NW
_CHUNK = 64
_NCH = _BPW // _CHUNK


@functools.cache
def _make_sc_gather(nrows):
    bpw = nrows // _NW
    nch = bpw // _CHUNK

    @functools.partial(
        pl.kernel,
        mesh=plsc.VectorSubcoreMesh(core_axis_name="c", subcore_axis_name="s"),
        out_type=jax.ShapeDtypeStruct((nrows, DIM_MODEL), jnp.float32),
        scratch_types=[
            pltpu.VMEM((bpw,), jnp.int32),
            pltpu.VMEM((_CHUNK, DIM_MODEL), jnp.float32),
            pltpu.VMEM((_CHUNK, DIM_MODEL), jnp.float32),
            pltpu.SemaphoreType.DMA,
            pltpu.SemaphoreType.DMA,
            pltpu.SemaphoreType.DMA,
            pltpu.SemaphoreType.DMA,
        ],
    )
    def _sc_gather(table_hbm, idx_hbm, out_hbm, idx_v, buf0, buf1,
                   gsem0, gsem1, ssem0, ssem1):
        wid = lax.axis_index("s") * _NC + lax.axis_index("c")
        base = pl.multiple_of(wid * bpw, _CHUNK)
        bufs = (buf0, buf1)
        gsems = (gsem0, gsem1)
        ssems = (ssem0, ssem1)
        pltpu.sync_copy(idx_hbm.at[pl.ds(base, bpw)], idx_v)

        def gather(j):
            idx_c = idx_v.at[pl.ds(j * _CHUNK, _CHUNK)]
            return pltpu.async_copy(table_hbm.at[idx_c], bufs[j % 2],
                                    gsems[j % 2])

        def store(j):
            return pltpu.async_copy(
                bufs[j % 2], out_hbm.at[pl.ds(base + j * _CHUNK, _CHUNK)],
                ssems[j % 2])

        gathers = [None] * nch
        stores = [None] * nch
        gathers[0] = gather(0)
        for j in range(nch):
            gathers[j].wait()
            stores[j] = store(j)
            if j + 1 < nch:
                if j - 1 >= 0:
                    stores[j - 1].wait()
                gathers[j + 1] = gather(j + 1)
        stores[nch - 2].wait()
        stores[nch - 1].wait()

    return _sc_gather



_BROWS = 8


def _combine_body(seq_ref, c_ref, he_ref, pos_ref, out_ref):
    he = he_ref[...]
    pos = pos_ref[...]
    for b in range(_BROWS):
        hp = jnp.dot(c_ref[b], he, preferred_element_type=jnp.float32)
        out_ref[b] = seq_ref[b] + hp + pos


_HB = B // 2


def _combine_body2(prev_ref, seq_ref, c_ref, he_ref, pos_ref, out_ref):
    del prev_ref
    _combine_body(seq_ref, c_ref, he_ref, pos_ref, out_ref)


def _tc_combine_first(seq3, coeffs3, haar_emb, pos_emb):
    return pl.pallas_call(
        _combine_body,
        grid=(_HB // _BROWS,),
        in_specs=[
            pl.BlockSpec((_BROWS, DIM_SEQ, DIM_MODEL), lambda i: (i, 0, 0)),
            pl.BlockSpec((_BROWS, DIM_SEQ, SEG_LEN), lambda i: (i, 0, 0)),
            pl.BlockSpec((SEG_LEN, DIM_MODEL), lambda i: (0, 0)),
            pl.BlockSpec((DIM_SEQ, DIM_MODEL), lambda i: (0, 0)),
        ],
        out_specs=pl.BlockSpec((_BROWS, DIM_SEQ, DIM_MODEL),
                               lambda i: (i, 0, 0)),
        out_shape=jax.ShapeDtypeStruct((B, DIM_SEQ, DIM_MODEL), jnp.float32),
    )(seq3, coeffs3, haar_emb, pos_emb)


def _tc_combine_second(prev, seq3, coeffs3, haar_emb, pos_emb):
    hoff = _HB // _BROWS
    return pl.pallas_call(
        _combine_body2,
        grid=(_HB // _BROWS,),
        in_specs=[
            pl.BlockSpec(memory_space=pl.ANY),
            pl.BlockSpec((_BROWS, DIM_SEQ, DIM_MODEL), lambda i: (i, 0, 0)),
            pl.BlockSpec((_BROWS, DIM_SEQ, SEG_LEN), lambda i: (i, 0, 0)),
            pl.BlockSpec((SEG_LEN, DIM_MODEL), lambda i: (0, 0)),
            pl.BlockSpec((DIM_SEQ, DIM_MODEL), lambda i: (0, 0)),
        ],
        out_specs=pl.BlockSpec((_BROWS, DIM_SEQ, DIM_MODEL),
                               lambda i: (i + hoff, 0, 0)),
        out_shape=jax.ShapeDtypeStruct((B, DIM_SEQ, DIM_MODEL), jnp.float32),
        input_output_aliases={0: 0},
    )(prev, seq3, coeffs3, haar_emb, pos_emb)


def kernel(X, vocab_words, word_emb, haar_emb, pos_emb):
    xseg = X.reshape(NSEG, SEG_LEN)
    vf = vocab_words.transpose(0, 2, 1).reshape(N_BUCKETS, SEG_LEN * WORDS)
    vf_limbs = jnp.concatenate(_split_limbs3(vf), axis=1)
    half = NSEG // 2
    gather = _make_sc_gather(half)
    idx_a = _tc_index(xseg[:half], vf_limbs)
    seq1 = gather(word_emb, idx_a.reshape(half))
    idx_b = _tc_index(xseg[half:], vf_limbs)
    seq2 = gather(word_emb, idx_b.reshape(half))
    coeffs = _tc_coeffs(X)
    c3 = coeffs.reshape(B, DIM_SEQ, SEG_LEN)
    out1 = _tc_combine_first(seq1.reshape(_HB, DIM_SEQ, DIM_MODEL),
                             c3[:_HB], haar_emb, pos_emb)
    out = _tc_combine_second(out1, seq2.reshape(_HB, DIM_SEQ, DIM_MODEL),
                             c3[_HB:], haar_emb, pos_emb)
    att_mask = jnp.ones((B, DIM_SEQ), dtype=jnp.int32)
    return (out, att_mask)

# --- scband reference (transcript-rebuilt; emitter-appended) ---
"""Pipeline reference for scband-hitsbe-6219112644886 (READ-ONLY COPY).

The authoritative reference and input builder live on the scoring server;
editing this copy changes nothing except your own understanding.
"""

import jax, jax.numpy as jnp
import numpy as np

TS_LEN = 1024
SEG_LEN = 8
DIM_SEQ = TS_LEN // SEG_LEN  # 128
DIM_MODEL = 768
NHAAR = 7  # log2(DIM_SEQ)
N_BUCKETS = 2 ** (SEG_LEN - 1)  # 128 shape-pattern buckets from sign-of-diff bits
WORDS_PER_BUCKET = 64
SQRT2 = float(np.sqrt(2.0))


def _make_pos_emb():
    position = np.arange(DIM_SEQ, dtype=np.float32)[:, None]
    div_term = np.exp(np.arange(0, DIM_MODEL, 2, dtype=np.float32) * (-np.log(10000.0) / DIM_MODEL))
    pe = np.zeros((DIM_SEQ, DIM_MODEL), dtype=np.float32)
    pe[:, 0::2] = np.sin(position * div_term)
    pe[:, 1::2] = np.cos(position * div_term)
    return jnp.asarray(pe)


def setup_inputs(seed: int = 0):
    key = jax.random.key(seed)
    k1, k2, k3, k4 = jax.random.split(key, 4)
    X = jax.random.normal(k1, (256, TS_LEN), dtype=jnp.float32)
    # vocabulary: N_BUCKETS buckets, each with WORDS_PER_BUCKET normalized template words of length SEG_LEN
    vocab_words = jax.random.uniform(k2, (N_BUCKETS, WORDS_PER_BUCKET, SEG_LEN), dtype=jnp.float32)
    word_emb = jax.random.normal(k3, (N_BUCKETS * WORDS_PER_BUCKET, DIM_MODEL), dtype=jnp.float32)
    haar_emb = jax.random.normal(k4, (NHAAR + 1, DIM_MODEL), dtype=jnp.float32)
    pos_emb = _make_pos_emb()
    return {"X": X, "vocab_words": vocab_words, "word_emb": word_emb, "haar_emb": haar_emb, "pos_emb": pos_emb}


def _haar_wavedec(x, n_keep):
    # batched full-depth haar wavedec, pywt ordering [cA_n, cD_n, cD_{n-1}, ..., cD_1]
    a = x
    details = []
    while a.shape[-1] > 1:
        d = (a[..., 0::2] - a[..., 1::2]) / SQRT2
        a = (a[..., 0::2] + a[..., 1::2]) / SQRT2
        details.append(d)
    coeffs = [a] + details[::-1]
    return coeffs[:n_keep]


def reference(X, vocab_words, word_emb, haar_emb, pos_emb):
    B = X.shape[0]
    # N == ts_len for every row, so _adjust gives X_adj = X, att_mask = ones
    att_mask = jnp.ones((B, DIM_SEQ), dtype=jnp.int32)
    # --- word embedding via best-approach codebook lookup ---
    segs = X.reshape(B, DIM_SEQ, SEG_LEN)
    diffs = segs[..., 1:] - segs[..., :-1]
    bits = (diffs > 0).astype(jnp.int32)
    powers = (2 ** jnp.arange(SEG_LEN - 1)).astype(jnp.int32)
    bucket = jnp.sum(bits * powers, axis=-1)  # [B, DIM_SEQ] segment_bit_index
    smin = jnp.min(segs, axis=-1, keepdims=True)
    smax = jnp.max(segs, axis=-1, keepdims=True)
    seg_norm = (segs - smin) / (smax - smin + 1e-08)
    bucket_words = jnp.take(vocab_words, bucket, axis=0)  # [B, DIM_SEQ, W, SEG_LEN] gather
    dist = jnp.sum(jnp.abs(bucket_words - seg_norm[:, :, None, :]), axis=-1)  # L1
    best = jnp.argmin(dist, axis=-1)  # [B, DIM_SEQ]
    vocab_dist = jnp.arange(N_BUCKETS, dtype=jnp.int32) * WORDS_PER_BUCKET  # cumsum of uniform bucket sizes, rolled
    embed_idx = jnp.take(vocab_dist, bucket, axis=0) + best
    seq_embed = jnp.take(word_emb, embed_idx, axis=0)  # [B, DIM_SEQ, DIM_MODEL]
    # --- haar embedding ---
    coeffs = _haar_wavedec(X, NHAAR + 1)
    haar_rows = [jnp.repeat(c, DIM_SEQ // c.shape[-1], axis=-1) for c in coeffs]
    haar_matrix = jnp.stack(haar_rows, axis=1)  # [B, NHAAR+1, DIM_SEQ]
    coeffs_batch = jnp.transpose(haar_matrix, (0, 2, 1))  # [B, DIM_SEQ, NHAAR+1]
    coeffs_masked = coeffs_batch * att_mask[..., None].astype(coeffs_batch.dtype)
    haar_embed = coeffs_masked @ haar_emb  # [B, DIM_SEQ, DIM_MODEL]
    out = seq_embed + haar_embed + pos_emb[None, :, :]
    return (out, att_mask)

if __name__ == "__main__":
    import jax
    _d = setup_inputs()
    print(jax.jit(kernel)(*tuple(_d.values())))

</pallas_src>

<mosaic_0001>
#map = affine_map<(d0, d1) -> (0, 0)>
#map1 = affine_map<(d0, d1) -> (0)>
module attributes {stable_mosaic.version = 14 : i64} {
  func.func @_sc_gather(%arg0: i32, %arg1: i32, %arg2: memref<8192x768xf32, #tpu.memory_space<hbm>>, %arg3: memref<16384xi32, #tpu.memory_space<hbm>>, %arg4: memref<16384x768xf32, #tpu.memory_space<hbm>>, %arg5: memref<512xi32, #tpu.memory_space<vmem>>, %arg6: memref<64x768xf32, #tpu.memory_space<vmem>>, %arg7: memref<64x768xf32, #tpu.memory_space<vmem>>, %arg8: memref<!tpu.dma_semaphore, #tpu.memory_space<semaphore_mem>>, %arg9: memref<!tpu.dma_semaphore, #tpu.memory_space<semaphore_mem>>, %arg10: memref<!tpu.dma_semaphore, #tpu.memory_space<semaphore_mem>>, %arg11: memref<!tpu.dma_semaphore, #tpu.memory_space<semaphore_mem>>) attributes {dimension_semantics = [#tpu.dimension_semantics<core_parallel>, #tpu.dimension_semantics<subcore_parallel>], iteration_bounds = array<i64: 2, 16>, scalar_prefetch = 0 : i64, scratch_operands = 7 : i64, tpu.core_type = #tpu.core_type<sc_vector_subcore>, window_params = [{transform_indices = #map}, {transform_indices = #map1}, {transform_indices = #map}]} {
    %mul3A = arith.constant 2 : i32
    %mul3A_0 = arith.muli %arg1, %mul3A : i32
    %add3A = arith.addi %mul3A_0, %arg0 : i32
    %mul3A_1 = arith.constant 512 : i32
    %mul3A_2 = arith.muli %add3A, %mul3A_1 : i32
    %multiple_of3A = tpu.assume_multiple %mul3A_2, 64 : i32
    "tpu.region"() ({
      %run_scoped3A = tpu.sem_alloc : memref<!tpu.dma_semaphore, #tpu.memory_space<semaphore_mem>>
      %dma_start3A_161 = tpu.memref_slice %arg3[%multiple_of3A] : memref<16384xi32, #tpu.memory_space<hbm>> -> memref<512xi32, #tpu.memory_space<hbm>>
      %dma_start3A_162 = tpu.memref_slice %arg3[%multiple_of3A] : memref<16384xi32, #tpu.memory_space<hbm>> -> memref<512xi32, #tpu.memory_space<hbm>>
      tpu.enqueue_dma source(%dma_start3A_162 : memref<512xi32, #tpu.memory_space<hbm>>) target(%arg5 : memref<512xi32, #tpu.memory_space<vmem>>) target_semaphore(%run_scoped3A : memref<!tpu.dma_semaphore, #tpu.memory_space<semaphore_mem>>)
      %dma_wait3A_163 = tpu.memref_slice %arg3[%multiple_of3A] : memref<16384xi32, #tpu.memory_space<hbm>> -> memref<512xi32, #tpu.memory_space<hbm>>
      %dma_wait3A_164 = tpu.memref_slice %arg3[%multiple_of3A] : memref<16384xi32, #tpu.memory_space<hbm>> -> memref<512xi32, #tpu.memory_space<hbm>>
      tpu.wait_dma2 semaphore(%run_scoped3A : memref<!tpu.dma_semaphore, #tpu.memory_space<semaphore_mem>>) src(%dma_wait3A_164 : memref<512xi32, #tpu.memory_space<hbm>>) dst(%arg5 : memref<512xi32, #tpu.memory_space<vmem>>)
      tpu.yield
    }) : () -> ()
    %dma_start3A = arith.constant 0 : i32
    %dma_start3A_3 = tpu.memref_slice %arg5[%dma_start3A] : memref<512xi32, #tpu.memory_space<vmem>> -> memref<64xi32, #tpu.memory_space<vmem>>
    %dma_start3A_4 = arith.constant 0 : i32
    %dma_start3A_5 = arith.constant 0 : i32
    %dma_start3A_6 = tpu.memref_slice %arg2[%dma_start3A_4, %dma_start3A_5] : memref<8192x768xf32, #tpu.memory_space<hbm>> -> memref<8192x768xf32, #tpu.memory_space<hbm>>
    tpu.enqueue_indirect_dma source(%dma_start3A_6 : memref<8192x768xf32, #tpu.memory_space<hbm>>) target(%arg6 : memref<64x768xf32, #tpu.memory_space<vmem>>) offsets(%dma_start3A_3 : memref<64xi32, #tpu.memory_space<vmem>>) semaphore(%arg8 : memref<!tpu.dma_semaphore, #tpu.memory_space<semaphore_mem>>)
    %dma_wait3A = arith.constant 0 : i32
    %dma_wait3A_7 = tpu.memref_slice %arg5[%dma_wait3A] : memref<512xi32, #tpu.memory_space<vmem>> -> memref<64xi32, #tpu.memory_space<vmem>>
    %dma_wait3A_8 = arith.constant 0 : i32
    %dma_wait3A_9 = arith.constant 0 : i32
    %dma_wait3A_10 = tpu.memref_slice %arg2[%dma_wait3A_8, %dma_wait3A_9] : memref<8192x768xf32, #tpu.memory_space<hbm>> -> memref<8192x768xf32, #tpu.memory_space<hbm>>
    tpu.wait_indirect_dma semaphore(%arg8 : memref<!tpu.dma_semaphore, #tpu.memory_space<semaphore_mem>>) src(%dma_wait3A_10 : memref<8192x768xf32, #tpu.memory_space<hbm>>) dst(%arg6 : memref<64x768xf32, #tpu.memory_space<vmem>>)
    %add3A_11 = arith.constant 0 : i32
    %add3A_12 = arith.addi %multiple_of3A, %add3A_11 : i32
    %dma_start3A_13 = arith.constant 0 : i32
    %dma_start3A_14 = tpu.memref_slice %arg4[%add3A_12, %dma_start3A_13] : memref<16384x768xf32, #tpu.memory_space<hbm>> -> memref<64x768xf32, #tpu.memory_space<hbm>>
    %dma_start3A_15 = arith.constant 0 : i32
    %dma_start3A_16 = tpu.memref_slice %arg4[%add3A_12, %dma_start3A_15] : memref<16384x768xf32, #tpu.memory_space<hbm>> -> memref<64x768xf32, #tpu.memory_space<hbm>>
    tpu.enqueue_dma source(%arg6 : memref<64x768xf32, #tpu.memory_space<vmem>>) target(%dma_start3A_16 : memref<64x768xf32, #tpu.memory_space<hbm>>) target_semaphore(%arg10 : memref<!tpu.dma_semaphore, #tpu.memory_space<semaphore_mem>>)
    %dma_start3A_17 = arith.constant 64 : i32
    %dma_start3A_18 = tpu.memref_slice %arg5[%dma_start3A_17] : memref<512xi32, #tpu.memory_space<vmem>> -> memref<64xi32, #tpu.memory_space<vmem>>
    %dma_start3A_19 = arith.constant 0 : i32
    %dma_start3A_20 = arith.constant 0 : i32
    %dma_start3A_21 = tpu.memref_slice %arg2[%dma_start3A_19, %dma_start3A_20] : memref<8192x768xf32, #tpu.memory_space<hbm>> -> memref<8192x768xf32, #tpu.memory_space<hbm>>
    tpu.enqueue_indirect_dma source(%dma_start3A_21 : memref<8192x768xf32, #tpu.memory_space<hbm>>) target(%arg7 : memref<64x768xf32, #tpu.memory_space<vmem>>) offsets(%dma_start3A_18 : memref<64xi32, #tpu.memory_space<vmem>>) semaphore(%arg9 : memref<!tpu.dma_semaphore, #tpu.memory_space<semaphore_mem>>)
    %dma_wait3A_22 = arith.constant 64 : i32
    %dma_wait3A_23 = tpu.memref_slice %arg5[%dma_wait3A_22] : memref<512xi32, #tpu.memory_space<vmem>> -> memref<64xi32, #tpu.memory_space<vmem>>
    %dma_wait3A_24 = arith.constant 0 : i32
    %dma_wait3A_25 = arith.constant 0 : i32
    %dma_wait3A_26 = tpu.memref_slice %arg2[%dma_wait3A_24, %dma_wait3A_25] : memref<8192x768xf32, #tpu.memory_space<hbm>> -> memref<8192x768xf32, #tpu.memory_space<hbm>>
    tpu.wait_indirect_dma semaphore(%arg9 : memref<!tpu.dma_semaphore, #tpu.memory_space<semaphore_mem>>) src(%dma_wait3A_26 : memref<8192x768xf32, #tpu.memory_space<hbm>>) dst(%arg7 : memref<64x768xf32, #tpu.memory_space<vmem>>)
    %add3A_27 = arith.constant 64 : i32
    %add3A_28 = arith.addi %multiple_of3A, %add3A_27 : i32
    %dma_start3A_29 = arith.constant 0 : i32
    %dma_start3A_30 = tpu.memref_slice %arg4[%add3A_28, %dma_start3A_29] : memref<16384x768xf32, #tpu.memory_space<hbm>> -> memref<64x768xf32, #tpu.memory_space<hbm>>
    %dma_start3A_31 = arith.constant 0 : i32
    %dma_start3A_32 = tpu.memref_slice %arg4[%add3A_28, %dma_start3A_31] : memref<16384x768xf32, #tpu.memory_space<hbm>> -> memref<64x768xf32, #tpu.memory_space<hbm>>
    tpu.enqueue_dma source(%arg7 : memref<64x768xf32, #tpu.memory_space<vmem>>) target(%dma_start3A_32 : memref<64x768xf32, #tpu.memory_space<hbm>>) target_semaphore(%arg11 : memref<!tpu.dma_semaphore, #tpu.memory_space<semaphore_mem>>)
    %dma_wait3A_33 = arith.constant 0 : i32
    %dma_wait3A_34 = tpu.memref_slice %arg4[%add3A_12, %dma_wait3A_33] : memref<16384x768xf32, #tpu.memory_space<hbm>> -> memref<64x768xf32, #tpu.memory_space<hbm>>
    %dma_wait3A_35 = arith.constant 0 : i32
    %dma_wait3A_36 = tpu.memref_slice %arg4[%add3A_12, %dma_wait3A_35] : memref<16384x768xf32, #tpu.memory_space<hbm>> -> memref<64x768xf32, #tpu.memory_space<hbm>>
    tpu.wait_dma2 semaphore(%arg10 : memref<!tpu.dma_semaphore, #tpu.memory_space<semaphore_mem>>) src(%arg6 : memref<64x768xf32, #tpu.memory_space<vmem>>) dst(%dma_wait3A_36 : memref<64x768xf32, #tpu.memory_space<hbm>>)
    %dma_start3A_37 = arith.constant 128 : i32
    %dma_start3A_38 = tpu.memref_slice %arg5[%dma_start3A_37] : memref<512xi32, #tpu.memory_space<vmem>> -> memref<64xi32, #tpu.memory_space<vmem>>
    %dma_start3A_39 = arith.constant 0 : i32
    %dma_start3A_40 = arith.constant 0 : i32
    %dma_start3A_41 = tpu.memref_slice %arg2[%dma_start3A_39, %dma_start3A_40] : memref<8192x768xf32, #tpu.memory_space<hbm>> -> memref<8192x768xf32, #tpu.memory_space<hbm>>
    tpu.enqueue_indirect_dma source(%dma_start3A_41 : memref<8192x768xf32, #tpu.memory_space<hbm>>) target(%arg6 : memref<64x768xf32, #tpu.memory_space<vmem>>) offsets(%dma_start3A_38 : memref<64xi32, #tpu.memory_space<vmem>>) semaphore(%arg8 : memref<!tpu.dma_semaphore, #tpu.memory_space<semaphore_mem>>)
    %dma_wait3A_42 = arith.constant 128 : i32
    %dma_wait3A_43 = tpu.memref_slice %arg5[%dma_wait3A_42] : memref<512xi32, #tpu.memory_space<vmem>> -> memref<64xi32, #tpu.memory_space<vmem>>
    %dma_wait3A_44 = arith.constant 0 : i32
    %dma_wait3A_45 = arith.constant 0 : i32
    %dma_wait3A_46 = tpu.memref_slice %arg2[%dma_wait3A_44, %dma_wait3A_45] : memref<8192x768xf32, #tpu.memory_space<hbm>> -> memref<8192x768xf32, #tpu.memory_space<hbm>>
    tpu.wait_indirect_dma semaphore(%arg8 : memref<!tpu.dma_semaphore, #tpu.memory_space<semaphore_mem>>) src(%dma_wait3A_46 : memref<8192x768xf32, #tpu.memory_space<hbm>>) dst(%arg6 : memref<64x768xf32, #tpu.memory_space<vmem>>)
    %add3A_47 = arith.constant 128 : i32
    %add3A_48 = arith.addi %multiple_of3A, %add3A_47 : i32
    %dma_start3A_49 = arith.constant 0 : i32
    %dma_start3A_50 = tpu.memref_slice %arg4[%add3A_48, %dma_start3A_49] : memref<16384x768xf32, #tpu.memory_space<hbm>> -> memref<64x768xf32, #tpu.memory_space<hbm>>
    %dma_start3A_51 = arith.constant 0 : i32
    %dma_start3A_52 = tpu.memref_slice %arg4[%add3A_48, %dma_start3A_51] : memref<16384x768xf32, #tpu.memory_space<hbm>> -> memref<64x768xf32, #tpu.memory_space<hbm>>
    tpu.enqueue_dma source(%arg6 : memref<64x768xf32, #tpu.memory_space<vmem>>) target(%dma_start3A_52 : memref<64x768xf32, #tpu.memory_space<hbm>>) target_semaphore(%arg10 : memref<!tpu.dma_semaphore, #tpu.memory_space<semaphore_mem>>)
    %dma_wait3A_53 = arith.constant 0 : i32
    %dma_wait3A_54 = tpu.memref_slice %arg4[%add3A_28, %dma_wait3A_53] : memref<16384x768xf32, #tpu.memory_space<hbm>> -> memref<64x768xf32, #tpu.memory_space<hbm>>
    %dma_wait3A_55 = arith.constant 0 : i32
    %dma_wait3A_56 = tpu.memref_slice %arg4[%add3A_28, %dma_wait3A_55] : memref<16384x768xf32, #tpu.memory_space<hbm>> -> memref<64x768xf32, #tpu.memory_space<hbm>>
    tpu.wait_dma2 semaphore(%arg11 : memref<!tpu.dma_semaphore, #tpu.memory_space<semaphore_mem>>) src(%arg7 : memref<64x768xf32, #tpu.memory_space<vmem>>) dst(%dma_wait3A_56 : memref<64x768xf32, #tpu.memory_space<hbm>>)
    %dma_start3A_57 = arith.constant 192 : i32
    %dma_start3A_58 = tpu.memref_slice %arg5[%dma_start3A_57] : memref<512xi32, #tpu.memory_space<vmem>> -> memref<64xi32, #tpu.memory_space<vmem>>
    %dma_start3A_59 = arith.constant 0 : i32
    %dma_start3A_60 = arith.constant 0 : i32
    %dma_start3A_61 = tpu.memref_slice %arg2[%dma_start3A_59, %dma_start3A_60] : memref<8192x768xf32, #tpu.memory_space<hbm>> -> memref<8192x768xf32, #tpu.memory_space<hbm>>
    tpu.enqueue_indirect_dma source(%dma_start3A_61 : memref<8192x768xf32, #tpu.memory_space<hbm>>) target(%arg7 : memref<64x768xf32, #tpu.memory_space<vmem>>) offsets(%dma_start3A_58 : memref<64xi32, #tpu.memory_space<vmem>>) semaphore(%arg9 : memref<!tpu.dma_semaphore, #tpu.memory_space<semaphore_mem>>)
    %dma_wait3A_62 = arith.constant 192 : i32
    %dma_wait3A_63 = tpu.memref_slice %arg5[%dma_wait3A_62] : memref<512xi32, #tpu.memory_space<vmem>> -> memref<64xi32, #tpu.memory_space<vmem>>
    %dma_wait3A_64 = arith.constant 0 : i32
    %dma_wait3A_65 = arith.constant 0 : i32
    %dma_wait3A_66 = tpu.memref_slice %arg2[%dma_wait3A_64, %dma_wait3A_65] : memref<8192x768xf32, #tpu.memory_space<hbm>> -> memref<8192x768xf32, #tpu.memory_space<hbm>>
    tpu.wait_indirect_dma semaphore(%arg9 : memref<!tpu.dma_semaphore, #tpu.memory_space<semaphore_mem>>) src(%dma_wait3A_66 : memref<8192x768xf32, #tpu.memory_space<hbm>>) dst(%arg7 : memref<64x768xf32, #tpu.memory_space<vmem>>)
    %add3A_67 = arith.constant 192 : i32
    %add3A_68 = arith.addi %multiple_of3A, %add3A_67 : i32
    %dma_start3A_69 = arith.constant 0 : i32
    %dma_start3A_70 = tpu.memref_slice %arg4[%add3A_68, %dma_start3A_69] : memref<16384x768xf32, #tpu.memory_space<hbm>> -> memref<64x768xf32, #tpu.memory_space<hbm>>
    %dma_start3A_71 = arith.constant 0 : i32
    %dma_start3A_72 = tpu.memref_slice %arg4[%add3A_68, %dma_start3A_71] : memref<16384x768xf32, #tpu.memory_space<hbm>> -> memref<64x768xf32, #tpu.memory_space<hbm>>
    tpu.enqueue_dma source(%arg7 : memref<64x768xf32, #tpu.memory_space<vmem>>) target(%dma_start3A_72 : memref<64x768xf32, #tpu.memory_space<hbm>>) target_semaphore(%arg11 : memref<!tpu.dma_semaphore, #tpu.memory_space<semaphore_mem>>)
    %dma_wait3A_73 = arith.constant 0 : i32
    %dma_wait3A_74 = tpu.memref_slice %arg4[%add3A_48, %dma_wait3A_73] : memref<16384x768xf32, #tpu.memory_space<hbm>> -> memref<64x768xf32, #tpu.memory_space<hbm>>
    %dma_wait3A_75 = arith.constant 0 : i32
    %dma_wait3A_76 = tpu.memref_slice %arg4[%add3A_48, %dma_wait3A_75] : memref<16384x768xf32, #tpu.memory_space<hbm>> -> memref<64x768xf32, #tpu.memory_space<hbm>>
    tpu.wait_dma2 semaphore(%arg10 : memref<!tpu.dma_semaphore, #tpu.memory_space<semaphore_mem>>) src(%arg6 : memref<64x768xf32, #tpu.memory_space<vmem>>) dst(%dma_wait3A_76 : memref<64x768xf32, #tpu.memory_space<hbm>>)
    %dma_start3A_77 = arith.constant 256 : i32
    %dma_start3A_78 = tpu.memref_slice %arg5[%dma_start3A_77] : memref<512xi32, #tpu.memory_space<vmem>> -> memref<64xi32, #tpu.memory_space<vmem>>
    %dma_start3A_79 = arith.constant 0 : i32
    %dma_start3A_80 = arith.constant 0 : i32
    %dma_start3A_81 = tpu.memref_slice %arg2[%dma_start3A_79, %dma_start3A_80] : memref<8192x768xf32, #tpu.memory_space<hbm>> -> memref<8192x768xf32, #tpu.memory_space<hbm>>
    tpu.enqueue_indirect_dma source(%dma_start3A_81 : memref<8192x768xf32, #tpu.memory_space<hbm>>) target(%arg6 : memref<64x768xf32, #tpu.memory_space<vmem>>) offsets(%dma_start3A_78 : memref<64xi32, #tpu.memory_space<vmem>>) semaphore(%arg8 : memref<!tpu.dma_semaphore, #tpu.memory_space<semaphore_mem>>)
    %dma_wait3A_82 = arith.constant 256 : i32
    %dma_wait3A_83 = tpu.memref_slice %arg5[%dma_wait3A_82] : memref<512xi32, #tpu.memory_space<vmem>> -> memref<64xi32, #tpu.memory_space<vmem>>
    %dma_wait3A_84 = arith.constant 0 : i32
    %dma_wait3A_85 = arith.constant 0 : i32
    %dma_wait3A_86 = tpu.memref_slice %arg2[%dma_wait3A_84, %dma_wait3A_85] : memref<8192x768xf32, #tpu.memory_space<hbm>> -> memref<8192x768xf32, #tpu.memory_space<hbm>>
    tpu.wait_indirect_dma semaphore(%arg8 : memref<!tpu.dma_semaphore, #tpu.memory_space<semaphore_mem>>) src(%dma_wait3A_86 : memref<8192x768xf32, #tpu.memory_space<hbm>>) dst(%arg6 : memref<64x768xf32, #tpu.memory_space<vmem>>)
    %add3A_87 = arith.constant 256 : i32
    %add3A_88 = arith.addi %multiple_of3A, %add3A_87 : i32
    %dma_start3A_89 = arith.constant 0 : i32
    %dma_start3A_90 = tpu.memref_slice %arg4[%add3A_88, %dma_start3A_89] : memref<16384x768xf32, #tpu.memory_space<hbm>> -> memref<64x768xf32, #tpu.memory_space<hbm>>
    %dma_start3A_91 = arith.constant 0 : i32
    %dma_start3A_92 = tpu.memref_slice %arg4[%add3A_88, %dma_start3A_91] : memref<16384x768xf32, #tpu.memory_space<hbm>> -> memref<64x768xf32, #tpu.memory_space<hbm>>
    tpu.enqueue_dma source(%arg6 : memref<64x768xf32, #tpu.memory_space<vmem>>) target(%dma_start3A_92 : memref<64x768xf32, #tpu.memory_space<hbm>>) target_semaphore(%arg10 : memref<!tpu.dma_semaphore, #tpu.memory_space<semaphore_mem>>)
    %dma_wait3A_93 = arith.constant 0 : i32
    %dma_wait3A_94 = tpu.memref_slice %arg4[%add3A_68, %dma_wait3A_93] : memref<16384x768xf32, #tpu.memory_space<hbm>> -> memref<64x768xf32, #tpu.memory_space<hbm>>
    %dma_wait3A_95 = arith.constant 0 : i32
    %dma_wait3A_96 = tpu.memref_slice %arg4[%add3A_68, %dma_wait3A_95] : memref<16384x768xf32, #tpu.memory_space<hbm>> -> memref<64x768xf32, #tpu.memory_space<hbm>>
    tpu.wait_dma2 semaphore(%arg11 : memref<!tpu.dma_semaphore, #tpu.memory_space<semaphore_mem>>) src(%arg7 : memref<64x768xf32, #tpu.memory_space<vmem>>) dst(%dma_wait3A_96 : memref<64x768xf32, #tpu.memory_space<hbm>>)
    %dma_start3A_97 = arith.constant 320 : i32
    %dma_start3A_98 = tpu.memref_slice %arg5[%dma_start3A_97] : memref<512xi32, #tpu.memory_space<vmem>> -> memref<64xi32, #tpu.memory_space<vmem>>
    %dma_start3A_99 = arith.constant 0 : i32
    %dma_start3A_100 = arith.constant 0 : i32
    %dma_start3A_101 = tpu.memref_slice %arg2[%dma_start3A_99, %dma_start3A_100] : memref<8192x768xf32, #tpu.memory_space<hbm>> -> memref<8192x768xf32, #tpu.memory_space<hbm>>
    tpu.enqueue_indirect_dma source(%dma_start3A_101 : memref<8192x768xf32, #tpu.memory_space<hbm>>) target(%arg7 : memref<64x768xf32, #tpu.memory_space<vmem>>) offsets(%dma_start3A_98 : memref<64xi32, #tpu.memory_space<vmem>>) semaphore(%arg9 : memref<!tpu.dma_semaphore, #tpu.memory_space<semaphore_mem>>)
    %dma_wait3A_102 = arith.constant 320 : i32
    %dma_wait3A_103 = tpu.memref_slice %arg5[%dma_wait3A_102] : memref<512xi32, #tpu.memory_space<vmem>> -> memref<64xi32, #tpu.memory_space<vmem>>
    %dma_wait3A_104 = arith.constant 0 : i32
    %dma_wait3A_105 = arith.constant 0 : i32
    %dma_wait3A_106 = tpu.memref_slice %arg2[%dma_wait3A_104, %dma_wait3A_105] : memref<8192x768xf32, #tpu.memory_space<hbm>> -> memref<8192x768xf32, #tpu.memory_space<hbm>>
    tpu.wait_indirect_dma semaphore(%arg9 : memref<!tpu.dma_semaphore, #tpu.memory_space<semaphore_mem>>) src(%dma_wait3A_106 : memref<8192x768xf32, #tpu.memory_space<hbm>>) dst(%arg7 : memref<64x768xf32, #tpu.memory_space<vmem>>)
    %add3A_107 = arith.constant 320 : i32
    %add3A_108 = arith.addi %multiple_of3A, %add3A_107 : i32
    %dma_start3A_109 = arith.constant 0 : i32
    %dma_start3A_110 = tpu.memref_slice %arg4[%add3A_108, %dma_start3A_109] : memref<16384x768xf32, #tpu.memory_space<hbm>> -> memref<64x768xf32, #tpu.memory_space<hbm>>
    %dma_start3A_111 = arith.constant 0 : i32
    %dma_start3A_112 = tpu.memref_slice %arg4[%add3A_108, %dma_start3A_111] : memref<16384x768xf32, #tpu.memory_space<hbm>> -> memref<64x768xf32, #tpu.memory_space<hbm>>
    tpu.enqueue_dma source(%arg7 : memref<64x768xf32, #tpu.memory_space<vmem>>) target(%dma_start3A_112 : memref<64x768xf32, #tpu.memory_space<hbm>>) target_semaphore(%arg11 : memref<!tpu.dma_semaphore, #tpu.memory_space<semaphore_mem>>)
    %dma_wait3A_113 = arith.constant 0 : i32
    %dma_wait3A_114 = tpu.memref_slice %arg4[%add3A_88, %dma_wait3A_113] : memref<16384x768xf32, #tpu.memory_space<hbm>> -> memref<64x768xf32, #tpu.memory_space<hbm>>
    %dma_wait3A_115 = arith.constant 0 : i32
    %dma_wait3A_116 = tpu.memref_slice %arg4[%add3A_88, %dma_wait3A_115] : memref<16384x768xf32, #tpu.memory_space<hbm>> -> memref<64x768xf32, #tpu.memory_space<hbm>>
    tpu.wait_dma2 semaphore(%arg10 : memref<!tpu.dma_semaphore, #tpu.memory_space<semaphore_mem>>) src(%arg6 : memref<64x768xf32, #tpu.memory_space<vmem>>) dst(%dma_wait3A_116 : memref<64x768xf32, #tpu.memory_space<hbm>>)
    %dma_start3A_117 = arith.constant 384 : i32
    %dma_start3A_118 = tpu.memref_slice %arg5[%dma_start3A_117] : memref<512xi32, #tpu.memory_space<vmem>> -> memref<64xi32, #tpu.memory_space<vmem>>
    %dma_start3A_119 = arith.constant 0 : i32
    %dma_start3A_120 = arith.constant 0 : i32
    %dma_start3A_121 = tpu.memref_slice %arg2[%dma_start3A_119, %dma_start3A_120] : memref<8192x768xf32, #tpu.memory_space<hbm>> -> memref<8192x768xf32, #tpu.memory_space<hbm>>
    tpu.enqueue_indirect_dma source(%dma_start3A_121 : memref<8192x768xf32, #tpu.memory_space<hbm>>) target(%arg6 : memref<64x768xf32, #tpu.memory_space<vmem>>) offsets(%dma_start3A_118 : memref<64xi32, #tpu.memory_space<vmem>>) semaphore(%arg8 : memref<!tpu.dma_semaphore, #tpu.memory_space<semaphore_mem>>)
    %dma_wait3A_122 = arith.constant 384 : i32
    %dma_wait3A_123 = tpu.memref_slice %arg5[%dma_wait3A_122] : memref<512xi32, #tpu.memory_space<vmem>> -> memref<64xi32, #tpu.memory_space<vmem>>
    %dma_wait3A_124 = arith.constant 0 : i32
    %dma_wait3A_125 = arith.constant 0 : i32
    %dma_wait3A_126 = tpu.memref_slice %arg2[%dma_wait3A_124, %dma_wait3A_125] : memref<8192x768xf32, #tpu.memory_space<hbm>> -> memref<8192x768xf32, #tpu.memory_space<hbm>>
    tpu.wait_indirect_dma semaphore(%arg8 : memref<!tpu.dma_semaphore, #tpu.memory_space<semaphore_mem>>) src(%dma_wait3A_126 : memref<8192x768xf32, #tpu.memory_space<hbm>>) dst(%arg6 : memref<64x768xf32, #tpu.memory_space<vmem>>)
    %add3A_127 = arith.constant 384 : i32
    %add3A_128 = arith.addi %multiple_of3A, %add3A_127 : i32
    %dma_start3A_129 = arith.constant 0 : i32
    %dma_start3A_130 = tpu.memref_slice %arg4[%add3A_128, %dma_start3A_129] : memref<16384x768xf32, #tpu.memory_space<hbm>> -> memref<64x768xf32, #tpu.memory_space<hbm>>
    %dma_start3A_131 = arith.constant 0 : i32
    %dma_start3A_132 = tpu.memref_slice %arg4[%add3A_128, %dma_start3A_131] : memref<16384x768xf32, #tpu.memory_space<hbm>> -> memref<64x768xf32, #tpu.memory_space<hbm>>
    tpu.enqueue_dma source(%arg6 : memref<64x768xf32, #tpu.memory_space<vmem>>) target(%dma_start3A_132 : memref<64x768xf32, #tpu.memory_space<hbm>>) target_semaphore(%arg10 : memref<!tpu.dma_semaphore, #tpu.memory_space<semaphore_mem>>)
    %dma_wait3A_133 = arith.constant 0 : i32
    %dma_wait3A_134 = tpu.memref_slice %arg4[%add3A_108, %dma_wait3A_133] : memref<16384x768xf32, #tpu.memory_space<hbm>> -> memref<64x768xf32, #tpu.memory_space<hbm>>
    %dma_wait3A_135 = arith.constant 0 : i32
    %dma_wait3A_136 = tpu.memref_slice %arg4[%add3A_108, %dma_wait3A_135] : memref<16384x768xf32, #tpu.memory_space<hbm>> -> memref<64x768xf32, #tpu.memory_space<hbm>>
    tpu.wait_dma2 semaphore(%arg11 : memref<!tpu.dma_semaphore, #tpu.memory_space<semaphore_mem>>) src(%arg7 : memref<64x768xf32, #tpu.memory_space<vmem>>) dst(%dma_wait3A_136 : memref<64x768xf32, #tpu.memory_space<hbm>>)
    %dma_start3A_137 = arith.constant 448 : i32
    %dma_start3A_138 = tpu.memref_slice %arg5[%dma_start3A_137] : memref<512xi32, #tpu.memory_space<vmem>> -> memref<64xi32, #tpu.memory_space<vmem>>
    %dma_start3A_139 = arith.constant 0 : i32
    %dma_start3A_140 = arith.constant 0 : i32
    %dma_start3A_141 = tpu.memref_slice %arg2[%dma_start3A_139, %dma_start3A_140] : memref<8192x768xf32, #tpu.memory_space<hbm>> -> memref<8192x768xf32, #tpu.memory_space<hbm>>
    tpu.enqueue_indirect_dma source(%dma_start3A_141 : memref<8192x768xf32, #tpu.memory_space<hbm>>) target(%arg7 : memref<64x768xf32, #tpu.memory_space<vmem>>) offsets(%dma_start3A_138 : memref<64xi32, #tpu.memory_space<vmem>>) semaphore(%arg9 : memref<!tpu.dma_semaphore, #tpu.memory_space<semaphore_mem>>)
    %dma_wait3A_142 = arith.constant 448 : i32
    %dma_wait3A_143 = tpu.memref_slice %arg5[%dma_wait3A_142] : memref<512xi32, #tpu.memory_space<vmem>> -> memref<64xi32, #tpu.memory_space<vmem>>
    %dma_wait3A_144 = arith.constant 0 : i32
    %dma_wait3A_145 = arith.constant 0 : i32
    %dma_wait3A_146 = tpu.memref_slice %arg2[%dma_wait3A_144, %dma_wait3A_145] : memref<8192x768xf32, #tpu.memory_space<hbm>> -> memref<8192x768xf32, #tpu.memory_space<hbm>>
    tpu.wait_indirect_dma semaphore(%arg9 : memref<!tpu.dma_semaphore, #tpu.memory_space<semaphore_mem>>) src(%dma_wait3A_146 : memref<8192x768xf32, #tpu.memory_space<hbm>>) dst(%arg7 : memref<64x768xf32, #tpu.memory_space<vmem>>)
    %add3A_147 = arith.constant 448 : i32
    %add3A_148 = arith.addi %multiple_of3A, %add3A_147 : i32
    %dma_start3A_149 = arith.constant 0 : i32
    %dma_start3A_150 = tpu.memref_slice %arg4[%add3A_148, %dma_start3A_149] : memref<16384x768xf32, #tpu.memory_space<hbm>> -> memref<64x768xf32, #tpu.memory_space<hbm>>
    %dma_start3A_151 = arith.constant 0 : i32
    %dma_start3A_152 = tpu.memref_slice %arg4[%add3A_148, %dma_start3A_151] : memref<16384x768xf32, #tpu.memory_space<hbm>> -> memref<64x768xf32, #tpu.memory_space<hbm>>
    tpu.enqueue_dma source(%arg7 : memref<64x768xf32, #tpu.memory_space<vmem>>) target(%dma_start3A_152 : memref<64x768xf32, #tpu.memory_space<hbm>>) target_semaphore(%arg11 : memref<!tpu.dma_semaphore, #tpu.memory_space<semaphore_mem>>)
    %dma_wait3A_153 = arith.constant 0 : i32
    %dma_wait3A_154 = tpu.memref_slice %arg4[%add3A_128, %dma_wait3A_153] : memref<16384x768xf32, #tpu.memory_space<hbm>> -> memref<64x768xf32, #tpu.memory_space<hbm>>
    %dma_wait3A_155 = arith.constant 0 : i32
    %dma_wait3A_156 = tpu.memref_slice %arg4[%add3A_128, %dma_wait3A_155] : memref<16384x768xf32, #tpu.memory_space<hbm>> -> memref<64x768xf32, #tpu.memory_space<hbm>>
    tpu.wait_dma2 semaphore(%arg10 : memref<!tpu.dma_semaphore, #tpu.memory_space<semaphore_mem>>) src(%arg6 : memref<64x768xf32, #tpu.memory_space<vmem>>) dst(%dma_wait3A_156 : memref<64x768xf32, #tpu.memory_space<hbm>>)
    %dma_wait3A_157 = arith.constant 0 : i32
    %dma_wait3A_158 = tpu.memref_slice %arg4[%add3A_148, %dma_wait3A_157] : memref<16384x768xf32, #tpu.memory_space<hbm>> -> memref<64x768xf32, #tpu.memory_space<hbm>>
    %dma_wait3A_159 = arith.constant 0 : i32
    %dma_wait3A_160 = tpu.memref_slice %arg4[%add3A_148, %dma_wait3A_159] : memref<16384x768xf32, #tpu.memory_space<hbm>> -> memref<64x768xf32, #tpu.memory_space<hbm>>
    tpu.wait_dma2 semaphore(%arg11 : memref<!tpu.dma_semaphore, #tpu.memory_space<semaphore_mem>>) src(%arg7 : memref<64x768xf32, #tpu.memory_space<vmem>>) dst(%dma_wait3A_160 : memref<64x768xf32, #tpu.memory_space<hbm>>)
    return
  }
}

#map = affine_map<(d0, d1) -> (0, 0)>
#map1 = affine_map<(d0, d1) -> (0)>
module attributes {stable_mosaic.version = 14 : i64} {
  func.func @_sc_gather(%arg0: i32, %arg1: i32, %arg2: memref<8192x768xf32, #tpu.memory_space<hbm>>, %arg3: memref<16384xi32, #tpu.memory_space<hbm>>, %arg4: memref<16384x768xf32, #tpu.memory_space<hbm>>, %arg5: memref<512xi32, #tpu.memory_space<vmem>>, %arg6: memref<64x768xf32, #tpu.memory_space<vmem>>, %arg7: memref<64x768xf32, #tpu.memory_space<vmem>>, %arg8: memref<!tpu.dma_semaphore, #tpu.memory_space<semaphore_mem>>, %arg9: memref<!tpu.dma_semaphore, #tpu.memory_space<semaphore_mem>>, %arg10: memref<!tpu.dma_semaphore, #tpu.memory_space<semaphore_mem>>, %arg11: memref<!tpu.dma_semaphore, #tpu.memory_space<semaphore_mem>>) attributes {dimension_semantics = [#tpu.dimension_semantics<core_parallel>, #tpu.dimension_semantics<subcore_parallel>], iteration_bounds = array<i64: 2, 16>, scalar_prefetch = 0 : i64, scratch_operands = 7 : i64, tpu.core_type = #tpu.core_type<sc_vector_subcore>, window_params = [{transform_indices = #map}, {transform_indices = #map1}, {transform_indices = #map}]} {
    %mul3A = arith.constant 2 : i32
    %mul3A_0 = arith.muli %arg1, %mul3A : i32
    %add3A = arith.addi %mul3A_0, %arg0 : i32
    %mul3A_1 = arith.constant 512 : i32
    %mul3A_2 = arith.muli %add3A, %mul3A_1 : i32
    %multiple_of3A = tpu.assume_multiple %mul3A_2, 64 : i32
    "tpu.region"() ({
      %run_scoped3A = tpu.sem_alloc : memref<!tpu.dma_semaphore, #tpu.memory_space<semaphore_mem>>
      %dma_start3A_161 = tpu.memref_slice %arg3[%multiple_of3A] : memref<16384xi32, #tpu.memory_space<hbm>> -> memref<512xi32, #tpu.memory_space<hbm>>
      %dma_start3A_162 = tpu.memref_slice %arg3[%multiple_of3A] : memref<16384xi32, #tpu.memory_space<hbm>> -> memref<512xi32, #tpu.memory_space<hbm>>
      tpu.enqueue_dma source(%dma_start3A_162 : memref<512xi32, #tpu.memory_space<hbm>>) target(%arg5 : memref<512xi32, #tpu.memory_space<vmem>>) target_semaphore(%run_scoped3A : memref<!tpu.dma_semaphore, #tpu.memory_space<semaphore_mem>>)
      %dma_wait3A_163 = tpu.memref_slice %arg3[%multiple_of3A] : memref<16384xi32, #tpu.memory_space<hbm>> -> memref<512xi32, #tpu.memory_space<hbm>>
      %dma_wait3A_164 = tpu.memref_slice %arg3[%multiple_of3A] : memref<16384xi32, #tpu.memory_space<hbm>> -> memref<512xi32, #tpu.memory_space<hbm>>
      tpu.wait_dma2 semaphore(%run_scoped3A : memref<!tpu.dma_semaphore, #tpu.memory_space<semaphore_mem>>) src(%dma_wait3A_164 : memref<512xi32, #tpu.memory_space<hbm>>) dst(%arg5 : memref<512xi32, #tpu.memory_space<vmem>>)
      tpu.yield
    }) : () -> ()
    %dma_start3A = arith.constant 0 : i32
    %dma_start3A_3 = tpu.memref_slice %arg5[%dma_start3A] : memref<512xi32, #tpu.memory_space<vmem>> -> memref<64xi32, #tpu.memory_space<vmem>>
    %dma_start3A_4 = arith.constant 0 : i32
    %dma_start3A_5 = arith.constant 0 : i32
    %dma_start3A_6 = tpu.memref_slice %arg2[%dma_start3A_4, %dma_start3A_5] : memref<8192x768xf32, #tpu.memory_space<hbm>> -> memref<8192x768xf32, #tpu.memory_space<hbm>>
    tpu.enqueue_indirect_dma source(%dma_start3A_6 : memref<8192x768xf32, #tpu.memory_space<hbm>>) target(%arg6 : memref<64x768xf32, #tpu.memory_space<vmem>>) offsets(%dma_start3A_3 : memref<64xi32, #tpu.memory_space<vmem>>) semaphore(%arg8 : memref<!tpu.dma_semaphore, #tpu.memory_space<semaphore_mem>>)
    %dma_wait3A = arith.constant 0 : i32
    %dma_wait3A_7 = tpu.memref_slice %arg5[%dma_wait3A] : memref<512xi32, #tpu.memory_space<vmem>> -> memref<64xi32, #tpu.memory_space<vmem>>
    %dma_wait3A_8 = arith.constant 0 : i32
    %dma_wait3A_9 = arith.constant 0 : i32
    %dma_wait3A_10 = tpu.memref_slice %arg2[%dma_wait3A_8, %dma_wait3A_9] : memref<8192x768xf32, #tpu.memory_space<hbm>> -> memref<8192x768xf32, #tpu.memory_space<hbm>>
    tpu.wait_indirect_dma semaphore(%arg8 : memref<!tpu.dma_semaphore, #tpu.memory_space<semaphore_mem>>) src(%dma_wait3A_10 : memref<8192x768xf32, #tpu.memory_space<hbm>>) dst(%arg6 : memref<64x768xf32, #tpu.memory_space<vmem>>)
    %add3A_11 = arith.constant 0 : i32
    %add3A_12 = arith.addi %multiple_of3A, %add3A_11 : i32
    %dma_start3A_13 = arith.constant 0 : i32
    %dma_start3A_14 = tpu.memref_slice %arg4[%add3A_12, %dma_start3A_13] : memref<16384x768xf32, #tpu.memory_space<hbm>> -> memref<64x768xf32, #tpu.memory_space<hbm>>
    %dma_start3A_15 = arith.constant 0 : i32
    %dma_start3A_16 = tpu.memref_slice %arg4[%add3A_12, %dma_start3A_15] : memref<16384x768xf32, #tpu.memory_space<hbm>> -> memref<64x768xf32, #tpu.memory_space<hbm>>
    tpu.enqueue_dma source(%arg6 : memref<64x768xf32, #tpu.memory_space<vmem>>) target(%dma_start3A_16 : memref<64x768xf32, #tpu.memory_space<hbm>>) target_semaphore(%arg10 : memref<!tpu.dma_semaphore, #tpu.memory_space<semaphore_mem>>)
    %dma_start3A_17 = arith.constant 64 : i32
    %dma_start3A_18 = tpu.memref_slice %arg5[%dma_start3A_17] : memref<512xi32, #tpu.memory_space<vmem>> -> memref<64xi32, #tpu.memory_space<vmem>>
    %dma_start3A_19 = arith.constant 0 : i32
    %dma_start3A_20 = arith.constant 0 : i32
    %dma_start3A_21 = tpu.memref_slice %arg2[%dma_start3A_19, %dma_start3A_20] : memref<8192x768xf32, #tpu.memory_space<hbm>> -> memref<8192x768xf32, #tpu.memory_space<hbm>>
    tpu.enqueue_indirect_dma source(%dma_start3A_21 : memref<8192x768xf32, #tpu.memory_space<hbm>>) target(%arg7 : memref<64x768xf32, #tpu.memory_space<vmem>>) offsets(%dma_start3A_18 : memref<64xi32, #tpu.memory_space<vmem>>) semaphore(%arg9 : memref<!tpu.dma_semaphore, #tpu.memory_space<semaphore_mem>>)
    %dma_wait3A_22 = arith.constant 64 : i32
    %dma_wait3A_23 = tpu.memref_slice %arg5[%dma_wait3A_22] : memref<512xi32, #tpu.memory_space<vmem>> -> memref<64xi32, #tpu.memory_space<vmem>>
    %dma_wait3A_24 = arith.constant 0 : i32
    %dma_wait3A_25 = arith.constant 0 : i32
    %dma_wait3A_26 = tpu.memref_slice %arg2[%dma_wait3A_24, %dma_wait3A_25] : memref<8192x768xf32, #tpu.memory_space<hbm>> -> memref<8192x768xf32, #tpu.memory_space<hbm>>
    tpu.wait_indirect_dma semaphore(%arg9 : memref<!tpu.dma_semaphore, #tpu.memory_space<semaphore_mem>>) src(%dma_wait3A_26 : memref<8192x768xf32, #tpu.memory_space<hbm>>) dst(%arg7 : memref<64x768xf32, #tpu.memory_space<vmem>>)
    %add3A_27 = arith.constant 64 : i32
    %add3A_28 = arith.addi %multiple_of3A, %add3A_27 : i32
    %dma_start3A_29 = arith.constant 0 : i32
    %dma_start3A_30 = tpu.memref_slice %arg4[%add3A_28, %dma_start3A_29] : memref<16384x768xf32, #tpu.memory_space<hbm>> -> memref<64x768xf32, #tpu.memory_space<hbm>>
    %dma_start3A_31 = arith.constant 0 : i32
    %dma_start3A_32 = tpu.memref_slice %arg4[%add3A_28, %dma_start3A_31] : memref<16384x768xf32, #tpu.memory_space<hbm>> -> memref<64x768xf32, #tpu.memory_space<hbm>>
    tpu.enqueue_dma source(%arg7 : memref<64x768xf32, #tpu.memory_space<vmem>>) target(%dma_start3A_32 : memref<64x768xf32, #tpu.memory_space<hbm>>) target_semaphore(%arg11 : memref<!tpu.dma_semaphore, #tpu.memory_space<semaphore_mem>>)
    %dma_wait3A_33 = arith.constant 0 : i32
    %dma_wait3A_34 = tpu.memref_slice %arg4[%add3A_12, %dma_wait3A_33] : memref<16384x768xf32, #tpu.memory_space<hbm>> -> memref<64x768xf32, #tpu.memory_space<hbm>>
    %dma_wait3A_35 = arith.constant 0 : i32
    %dma_wait3A_36 = tpu.memref_slice %arg4[%add3A_12, %dma_wait3A_35] : memref<16384x768xf32, #tpu.memory_space<hbm>> -> memref<64x768xf32, #tpu.memory_space<hbm>>
    tpu.wait_dma2 semaphore(%arg10 : memref<!tpu.dma_semaphore, #tpu.memory_space<semaphore_mem>>) src(%arg6 : memref<64x768xf32, #tpu.memory_space<vmem>>) dst(%dma_wait3A_36 : memref<64x768xf32, #tpu.memory_space<hbm>>)
    %dma_start3A_37 = arith.constant 128 : i32
    %dma_start3A_38 = tpu.memref_slice %arg5[%dma_start3A_37] : memref<512xi32, #tpu.memory_space<vmem>> -> memref<64xi32, #tpu.memory_space<vmem>>
    %dma_start3A_39 = arith.constant 0 : i32
    %dma_start3A_40 = arith.constant 0 : i32
    %dma_start3A_41 = tpu.memref_slice %arg2[%dma_start3A_39, %dma_start3A_40] : memref<8192x768xf32, #tpu.memory_space<hbm>> -> memref<8192x768xf32, #tpu.memory_space<hbm>>
    tpu.enqueue_indirect_dma source(%dma_start3A_41 : memref<8192x768xf32, #tpu.memory_space<hbm>>) target(%arg6 : memref<64x768xf32, #tpu.memory_space<vmem>>) offsets(%dma_start3A_38 : memref<64xi32, #tpu.memory_space<vmem>>) semaphore(%arg8 : memref<!tpu.dma_semaphore, #tpu.memory_space<semaphore_mem>>)
    %dma_wait3A_42 = arith.constant 128 : i32
    %dma_wait3A_43 = tpu.memref_slice %arg5[%dma_wait3A_42] : memref<512xi32, #tpu.memory_space<vmem>> -> memref<64xi32, #tpu.memory_space<vmem>>
    %dma_wait3A_44 = arith.constant 0 : i32
    %dma_wait3A_45 = arith.constant 0 : i32
    %dma_wait3A_46 = tpu.memref_slice %arg2[%dma_wait3A_44, %dma_wait3A_45] : memref<8192x768xf32, #tpu.memory_space<hbm>> -> memref<8192x768xf32, #tpu.memory_space<hbm>>
    tpu.wait_indirect_dma semaphore(%arg8 : memref<!tpu.dma_semaphore, #tpu.memory_space<semaphore_mem>>) src(%dma_wait3A_46 : memref<8192x768xf32, #tpu.memory_space<hbm>>) dst(%arg6 : memref<64x768xf32, #tpu.memory_space<vmem>>)
    %add3A_47 = arith.constant 128 : i32
    %add3A_48 = arith.addi %multiple_of3A, %add3A_47 : i32
    %dma_start3A_49 = arith.constant 0 : i32
    %dma_start3A_50 = tpu.memref_slice %arg4[%add3A_48, %dma_start3A_49] : memref<16384x768xf32, #tpu.memory_space<hbm>> -> memref<64x768xf32, #tpu.memory_space<hbm>>
    %dma_start3A_51 = arith.constant 0 : i32
    %dma_start3A_52 = tpu.memref_slice %arg4[%add3A_48, %dma_start3A_51] : memref<16384x768xf32, #tpu.memory_space<hbm>> -> memref<64x768xf32, #tpu.memory_space<hbm>>
    tpu.enqueue_dma source(%arg6 : memref<64x768xf32, #tpu.memory_space<vmem>>) target(%dma_start3A_52 : memref<64x768xf32, #tpu.memory_space<hbm>>) target_semaphore(%arg10 : memref<!tpu.dma_semaphore, #tpu.memory_space<semaphore_mem>>)
    %dma_wait3A_53 = arith.constant 0 : i32
    %dma_wait3A_54 = tpu.memref_slice %arg4[%add3A_28, %dma_wait3A_53] : memref<16384x768xf32, #tpu.memory_space<hbm>> -> memref<64x768xf32, #tpu.memory_space<hbm>>
    %dma_wait3A_55 = arith.constant 0 : i32
    %dma_wait3A_56 = tpu.memref_slice %arg4[%add3A_28, %dma_wait3A_55] : memref<16384x768xf32, #tpu.memory_space<hbm>> -> memref<64x768xf32, #tpu.memory_space<hbm>>
    tpu.wait_dma2 semaphore(%arg11 : memref<!tpu.dma_semaphore, #tpu.memory_space<semaphore_mem>>) src(%arg7 : memref<64x768xf32, #tpu.memory_space<vmem>>) dst(%dma_wait3A_56 : memref<64x768xf32, #tpu.memory_space<hbm>>)
    %dma_start3A_57 = arith.constant 192 : i32
    %dma_start3A_58 = tpu.memref_slice %arg5[%dma_start3A_57] : memref<512xi32, #tpu.memory_space<vmem>> -> memref<64xi32, #tpu.memory_space<vmem>>
    %dma_start3A_59 = arith.constant 0 : i32
    %dma_start3A_60 = arith.constant 0 : i32
    %dma_start3A_61 = tpu.memref_slice %arg2[%dma_start3A_59, %dma_start3A_60] : memref<8192x768xf32, #tpu.memory_space<hbm>> -> memref<8192x768xf32, #tpu.memory_space<hbm>>
    tpu.enqueue_indirect_dma source(%dma_start3A_61 : memref<8192x768xf32, #tpu.memory_space<hbm>>) target(%arg7 : memref<64x768xf32, #tpu.memory_space<vmem>>) offsets(%dma_start3A_58 : memref<64xi32, #tpu.memory_space<vmem>>) semaphore(%arg9 : memref<!tpu.dma_semaphore, #tpu.memory_space<semaphore_mem>>)
    %dma_wait3A_62 = arith.constant 192 : i32
    %dma_wait3A_63 = tpu.memref_slice %arg5[%dma_wait3A_62] : memref<512xi32, #tpu.memory_space<vmem>> -> memref<64xi32, #tpu.memory_space<vmem>>
    %dma_wait3A_64 = arith.constant 0 : i32
    %dma_wait3A_65 = arith.constant 0 : i32
    %dma_wait3A_66 = tpu.memref_slice %arg2[%dma_wait3A_64, %dma_wait3A_65] : memref<8192x768xf32, #tpu.memory_space<hbm>> -> memref<8192x768xf32, #tpu.memory_space<hbm>>
    tpu.wait_indirect_dma semaphore(%arg9 : memref<!tpu.dma_semaphore, #tpu.memory_space<semaphore_mem>>) src(%dma_wait3A_66 : memref<8192x768xf32, #tpu.memory_space<hbm>>) dst(%arg7 : memref<64x768xf32, #tpu.memory_space<vmem>>)
    %add3A_67 = arith.constant 192 : i32
    %add3A_68 = arith.addi %multiple_of3A, %add3A_67 : i32
    %dma_start3A_69 = arith.constant 0 : i32
    %dma_start3A_70 = tpu.memref_slice %arg4[%add3A_68, %dma_start3A_69] : memref<16384x768xf32, #tpu.memory_space<hbm>> -> memref<64x768xf32, #tpu.memory_space<hbm>>
    %dma_start3A_71 = arith.constant 0 : i32
    %dma_start3A_72 = tpu.memref_slice %arg4[%add3A_68, %dma_start3A_71] : memref<16384x768xf32, #tpu.memory_space<hbm>> -> memref<64x768xf32, #tpu.memory_space<hbm>>
    tpu.enqueue_dma source(%arg7 : memref<64x768xf32, #tpu.memory_space<vmem>>) target(%dma_start3A_72 : memref<64x768xf32, #tpu.memory_space<hbm>>) target_semaphore(%arg11 : memref<!tpu.dma_semaphore, #tpu.memory_space<semaphore_mem>>)
    %dma_wait3A_73 = arith.constant 0 : i32
    %dma_wait3A_74 = tpu.memref_slice %arg4[%add3A_48, %dma_wait3A_73] : memref<16384x768xf32, #tpu.memory_space<hbm>> -> memref<64x768xf32, #tpu.memory_space<hbm>>
    %dma_wait3A_75 = arith.constant 0 : i32
    %dma_wait3A_76 = tpu.memref_slice %arg4[%add3A_48, %dma_wait3A_75] : memref<16384x768xf32, #tpu.memory_space<hbm>> -> memref<64x768xf32, #tpu.memory_space<hbm>>
    tpu.wait_dma2 semaphore(%arg10 : memref<!tpu.dma_semaphore, #tpu.memory_space<semaphore_mem>>) src(%arg6 : memref<64x768xf32, #tpu.memory_space<vmem>>) dst(%dma_wait3A_76 : memref<64x768xf32, #tpu.memory_space<hbm>>)
    %dma_start3A_77 = arith.constant 256 : i32
    %dma_start3A_78 = tpu.memref_slice %arg5[%dma_start3A_77] : memref<512xi32, #tpu.memory_space<vmem>> -> memref<64xi32, #tpu.memory_space<vmem>>
    %dma_start3A_79 = arith.constant 0 : i32
    %dma_start3A_80 = arith.constant 0 : i32
    %dma_start3A_81 = tpu.memref_slice %arg2[%dma_start3A_79, %dma_start3A_80] : memref<8192x768xf32, #tpu.memory_space<hbm>> -> memref<8192x768xf32, #tpu.memory_space<hbm>>
    tpu.enqueue_indirect_dma source(%dma_start3A_81 : memref<8192x768xf32, #tpu.memory_space<hbm>>) target(%arg6 : memref<64x768xf32, #tpu.memory_space<vmem>>) offsets(%dma_start3A_78 : memref<64xi32, #tpu.memory_space<vmem>>) semaphore(%arg8 : memref<!tpu.dma_semaphore, #tpu.memory_space<semaphore_mem>>)
    %dma_wait3A_82 = arith.constant 256 : i32
    %dma_wait3A_83 = tpu.memref_slice %arg5[%dma_wait3A_82] : memref<512xi32, #tpu.memory_space<vmem>> -> memref<64xi32, #tpu.memory_space<vmem>>
    %dma_wait3A_84 = arith.constant 0 : i32
    %dma_wait3A_85 = arith.constant 0 : i32
    %dma_wait3A_86 = tpu.memref_slice %arg2[%dma_wait3A_84, %dma_wait3A_85] : memref<8192x768xf32, #tpu.memory_space<hbm>> -> memref<8192x768xf32, #tpu.memory_space<hbm>>
    tpu.wait_indirect_dma semaphore(%arg8 : memref<!tpu.dma_semaphore, #tpu.memory_space<semaphore_mem>>) src(%dma_wait3A_86 : memref<8192x768xf32, #tpu.memory_space<hbm>>) dst(%arg6 : memref<64x768xf32, #tpu.memory_space<vmem>>)
    %add3A_87 = arith.constant 256 : i32
    %add3A_88 = arith.addi %multiple_of3A, %add3A_87 : i32
    %dma_start3A_89 = arith.constant 0 : i32
    %dma_start3A_90 = tpu.memref_slice %arg4[%add3A_88, %dma_start3A_89] : memref<16384x768xf32, #tpu.memory_space<hbm>> -> memref<64x768xf32, #tpu.memory_space<hbm>>
    %dma_start3A_91 = arith.constant 0 : i32
    %dma_start3A_92 = tpu.memref_slice %arg4[%add3A_88, %dma_start3A_91] : memref<16384x768xf32, #tpu.memory_space<hbm>> -> memref<64x768xf32, #tpu.memory_space<hbm>>
    tpu.enqueue_dma source(%arg6 : memref<64x768xf32, #tpu.memory_space<vmem>>) target(%dma_start3A_92 : memref<64x768xf32, #tpu.memory_space<hbm>>) target_semaphore(%arg10 : memref<!tpu.dma_semaphore, #tpu.memory_space<semaphore_mem>>)
    %dma_wait3A_93 = arith.constant 0 : i32
    %dma_wait3A_94 = tpu.memref_slice %arg4[%add3A_68, %dma_wait3A_93] : memref<16384x768xf32, #tpu.memory_space<hbm>> -> memref<64x768xf32, #tpu.memory_space<hbm>>
    %dma_wait3A_95 = arith.constant 0 : i32
    %dma_wait3A_96 = tpu.memref_slice %arg4[%add3A_68, %dma_wait3A_95] : memref<16384x768xf32, #tpu.memory_space<hbm>> -> memref<64x768xf32, #tpu.memory_space<hbm>>
    tpu.wait_dma2 semaphore(%arg11 : memref<!tpu.dma_semaphore, #tpu.memory_space<semaphore_mem>>) src(%arg7 : memref<64x768xf32, #tpu.memory_space<vmem>>) dst(%dma_wait3A_96 : memref<64x768xf32, #tpu.memory_space<hbm>>)
    %dma_start3A_97 = arith.constant 320 : i32
    %dma_start3A_98 = tpu.memref_slice %arg5[%dma_start3A_97] : memref<512xi32, #tpu.memory_space<vmem>> -> memref<64xi32, #tpu.memory_space<vmem>>
    %dma_start3A_99 = arith.constant 0 : i32
    %dma_start3A_100 = arith.constant 0 : i32
    %dma_start3A_101 = tpu.memref_slice %arg2[%dma_start3A_99, %dma_start3A_100] : memref<8192x768xf32, #tpu.memory_space<hbm>> -> memref<8192x768xf32, #tpu.memory_space<hbm>>
    tpu.enqueue_indirect_dma source(%dma_start3A_101 : memref<8192x768xf32, #tpu.memory_space<hbm>>) target(%arg7 : memref<64x768xf32, #tpu.memory_space<vmem>>) offsets(%dma_start3A_98 : memref<64xi32, #tpu.memory_space<vmem>>) semaphore(%arg9 : memref<!tpu.dma_semaphore, #tpu.memory_space<semaphore_mem>>)
    %dma_wait3A_102 = arith.constant 320 : i32
    %dma_wait3A_103 = tpu.memref_slice %arg5[%dma_wait3A_102] : memref<512xi32, #tpu.memory_space<vmem>> -> memref<64xi32, #tpu.memory_space<vmem>>
    %dma_wait3A_104 = arith.constant 0 : i32
    %dma_wait3A_105 = arith.constant 0 : i32
    %dma_wait3A_106 = tpu.memref_slice %arg2[%dma_wait3A_104, %dma_wait3A_105] : memref<8192x768xf32, #tpu.memory_space<hbm>> -> memref<8192x768xf32, #tpu.memory_space<hbm>>
    tpu.wait_indirect_dma semaphore(%arg9 : memref<!tpu.dma_semaphore, #tpu.memory_space<semaphore_mem>>) src(%dma_wait3A_106 : memref<8192x768xf32, #tpu.memory_space<hbm>>) dst(%arg7 : memref<64x768xf32, #tpu.memory_space<vmem>>)
    %add3A_107 = arith.constant 320 : i32
    %add3A_108 = arith.addi %multiple_of3A, %add3A_107 : i32
    %dma_start3A_109 = arith.constant 0 : i32
    %dma_start3A_110 = tpu.memref_slice %arg4[%add3A_108, %dma_start3A_109] : memref<16384x768xf32, #tpu.memory_space<hbm>> -> memref<64x768xf32, #tpu.memory_space<hbm>>
    %dma_start3A_111 = arith.constant 0 : i32
    %dma_start3A_112 = tpu.memref_slice %arg4[%add3A_108, %dma_start3A_111] : memref<16384x768xf32, #tpu.memory_space<hbm>> -> memref<64x768xf32, #tpu.memory_space<hbm>>
    tpu.enqueue_dma source(%arg7 : memref<64x768xf32, #tpu.memory_space<vmem>>) target(%dma_start3A_112 : memref<64x768xf32, #tpu.memory_space<hbm>>) target_semaphore(%arg11 : memref<!tpu.dma_semaphore, #tpu.memory_space<semaphore_mem>>)
    %dma_wait3A_113 = arith.constant 0 : i32
    %dma_wait3A_114 = tpu.memref_slice %arg4[%add3A_88, %dma_wait3A_113] : memref<16384x768xf32, #tpu.memory_space<hbm>> -> memref<64x768xf32, #tpu.memory_space<hbm>>
    %dma_wait3A_115 = arith.constant 0 : i32
    %dma_wait3A_116 = tpu.memref_slice %arg4[%add3A_88, %dma_wait3A_115] : memref<16384x768xf32, #tpu.memory_space<hbm>> -> memref<64x768xf32, #tpu.memory_space<hbm>>
    tpu.wait_dma2 semaphore(%arg10 : memref<!tpu.dma_semaphore, #tpu.memory_space<semaphore_mem>>) src(%arg6 : memref<64x768xf32, #tpu.memory_space<vmem>>) dst(%dma_wait3A_116 : memref<64x768xf32, #tpu.memory_space<hbm>>)
    %dma_start3A_117 = arith.constant 384 : i32
    %dma_start3A_118 = tpu.memref_slice %arg5[%dma_start3A_117] : memref<512xi32, #tpu.memory_space<vmem>> -> memref<64xi32, #tpu.memory_space<vmem>>
    %dma_start3A_119 = arith.constant 0 : i32
    %dma_start3A_120 = arith.constant 0 : i32
    %dma_start3A_121 = tpu.memref_slice %arg2[%dma_start3A_119, %dma_start3A_120] : memref<8192x768xf32, #tpu.memory_space<hbm>> -> memref<8192x768xf32, #tpu.memory_space<hbm>>
    tpu.enqueue_indirect_dma source(%dma_start3A_121 : memref<8192x768xf32, #tpu.memory_space<hbm>>) target(%arg6 : memref<64x768xf32, #tpu.memory_space<vmem>>) offsets(%dma_start3A_118 : memref<64xi32, #tpu.memory_space<vmem>>) semaphore(%arg8 : memref<!tpu.dma_semaphore, #tpu.memory_space<semaphore_mem>>)
    %dma_wait3A_122 = arith.constant 384 : i32
    %dma_wait3A_123 = tpu.memref_slice %arg5[%dma_wait3A_122] : memref<512xi32, #tpu.memory_space<vmem>> -> memref<64xi32, #tpu.memory_space<vmem>>
    %dma_wait3A_124 = arith.constant 0 : i32
    %dma_wait3A_125 = arith.constant 0 : i32
    %dma_wait3A_126 = tpu.memref_slice %arg2[%dma_wait3A_124, %dma_wait3A_125] : memref<8192x768xf32, #tpu.memory_space<hbm>> -> memref<8192x768xf32, #tpu.memory_space<hbm>>
    tpu.wait_indirect_dma semaphore(%arg8 : memref<!tpu.dma_semaphore, #tpu.memory_space<semaphore_mem>>) src(%dma_wait3A_126 : memref<8192x768xf32, #tpu.memory_space<hbm>>) dst(%arg6 : memref<64x768xf32, #tpu.memory_space<vmem>>)
    %add3A_127 = arith.constant 384 : i32
    %add3A_128 = arith.addi %multiple_of3A, %add3A_127 : i32
    %dma_start3A_129 = arith.constant 0 : i32
    %dma_start3A_130 = tpu.memref_slice %arg4[%add3A_128, %dma_start3A_129] : memref<16384x768xf32, #tpu.memory_space<hbm>> -> memref<64x768xf32, #tpu.memory_space<hbm>>
    %dma_start3A_131 = arith.constant 0 : i32
    %dma_start3A_132 = tpu.memref_slice %arg4[%add3A_128, %dma_start3A_131] : memref<16384x768xf32, #tpu.memory_space<hbm>> -> memref<64x768xf32, #tpu.memory_space<hbm>>
    tpu.enqueue_dma source(%arg6 : memref<64x768xf32, #tpu.memory_space<vmem>>) target(%dma_start3A_132 : memref<64x768xf32, #tpu.memory_space<hbm>>) target_semaphore(%arg10 : memref<!tpu.dma_semaphore, #tpu.memory_space<semaphore_mem>>)
    %dma_wait3A_133 = arith.constant 0 : i32
    %dma_wait3A_134 = tpu.memref_slice %arg4[%add3A_108, %dma_wait3A_133] : memref<16384x768xf32, #tpu.memory_space<hbm>> -> memref<64x768xf32, #tpu.memory_space<hbm>>
    %dma_wait3A_135 = arith.constant 0 : i32
    %dma_wait3A_136 = tpu.memref_slice %arg4[%add3A_108, %dma_wait3A_135] : memref<16384x768xf32, #tpu.memory_space<hbm>> -> memref<64x768xf32, #tpu.memory_space<hbm>>
    tpu.wait_dma2 semaphore(%arg11 : memref<!tpu.dma_semaphore, #tpu.memory_space<semaphore_mem>>) src(%arg7 : memref<64x768xf32, #tpu.memory_space<vmem>>) dst(%dma_wait3A_136 : memref<64x768xf32, #tpu.memory_space<hbm>>)
    %dma_start3A_137 = arith.constant 448 : i32
    %dma_start3A_138 = tpu.memref_slice %arg5[%dma_start3A_137] : memref<512xi32, #tpu.memory_space<vmem>> -> memref<64xi32, #tpu.memory_space<vmem>>
    %dma_start3A_139 = arith.constant 0 : i32
    %dma_start3A_140 = arith.constant 0 : i32
    %dma_start3A_141 = tpu.memref_slice %arg2[%dma_start3A_139, %dma_start3A_140] : memref<8192x768xf32, #tpu.memory_space<hbm>> -> memref<8192x768xf32, #tpu.memory_space<hbm>>
    tpu.enqueue_indirect_dma source(%dma_start3A_141 : memref<8192x768xf32, #tpu.memory_space<hbm>>) target(%arg7 : memref<64x768xf32, #tpu.memory_space<vmem>>) offsets(%dma_start3A_138 : memref<64xi32, #tpu.memory_space<vmem>>) semaphore(%arg9 : memref<!tpu.dma_semaphore, #tpu.memory_space<semaphore_mem>>)
    %dma_wait3A_142 = arith.constant 448 : i32
    %dma_wait3A_143 = tpu.memref_slice %arg5[%dma_wait3A_142] : memref<512xi32, #tpu.memory_space<vmem>> -> memref<64xi32, #tpu.memory_space<vmem>>
    %dma_wait3A_144 = arith.constant 0 : i32
    %dma_wait3A_145 = arith.constant 0 : i32
    %dma_wait3A_146 = tpu.memref_slice %arg2[%dma_wait3A_144, %dma_wait3A_145] : memref<8192x768xf32, #tpu.memory_space<hbm>> -> memref<8192x768xf32, #tpu.memory_space<hbm>>
    tpu.wait_indirect_dma semaphore(%arg9 : memref<!tpu.dma_semaphore, #tpu.memory_space<semaphore_mem>>) src(%dma_wait3A_146 : memref<8192x768xf32, #tpu.memory_space<hbm>>) dst(%arg7 : memref<64x768xf32, #tpu.memory_space<vmem>>)
    %add3A_147 = arith.constant 448 : i32
    %add3A_148 = arith.addi %multiple_of3A, %add3A_147 : i32
    %dma_start3A_149 = arith.constant 0 : i32
    %dma_start3A_150 = tpu.memref_slice %arg4[%add3A_148, %dma_start3A_149] : memref<16384x768xf32, #tpu.memory_space<hbm>> -> memref<64x768xf32, #tpu.memory_space<hbm>>
    %dma_start3A_151 = arith.constant 0 : i32
    %dma_start3A_152 = tpu.memref_slice %arg4[%add3A_148, %dma_start3A_151] : memref<16384x768xf32, #tpu.memory_space<hbm>> -> memref<64x768xf32, #tpu.memory_space<hbm>>
    tpu.enqueue_dma source(%arg7 : memref<64x768xf32, #tpu.memory_space<vmem>>) target(%dma_start3A_152 : memref<64x768xf32, #tpu.memory_space<hbm>>) target_semaphore(%arg11 : memref<!tpu.dma_semaphore, #tpu.memory_space<semaphore_mem>>)
    %dma_wait3A_153 = arith.constant 0 : i32
    %dma_wait3A_154 = tpu.memref_slice %arg4[%add3A_128, %dma_wait3A_153] : memref<16384x768xf32, #tpu.memory_space<hbm>> -> memref<64x768xf32, #tpu.memory_space<hbm>>
    %dma_wait3A_155 = arith.constant 0 : i32
    %dma_wait3A_156 = tpu.memref_slice %arg4[%add3A_128, %dma_wait3A_155] : memref<16384x768xf32, #tpu.memory_space<hbm>> -> memref<64x768xf32, #tpu.memory_space<hbm>>
    tpu.wait_dma2 semaphore(%arg10 : memref<!tpu.dma_semaphore, #tpu.memory_space<semaphore_mem>>) src(%arg6 : memref<64x768xf32, #tpu.memory_space<vmem>>) dst(%dma_wait3A_156 : memref<64x768xf32, #tpu.memory_space<hbm>>)
    %dma_wait3A_157 = arith.constant 0 : i32
    %dma_wait3A_158 = tpu.memref_slice %arg4[%add3A_148, %dma_wait3A_157] : memref<16384x768xf32, #tpu.memory_space<hbm>> -> memref<64x768xf32, #tpu.memory_space<hbm>>
    %dma_wait3A_159 = arith.constant 0 : i32
    %dma_wait3A_160 = tpu.memref_slice %arg4[%add3A_148, %dma_wait3A_159] : memref<16384x768xf32, #tpu.memory_space<hbm>> -> memref<64x768xf32, #tpu.memory_space<hbm>>
    tpu.wait_dma2 semaphore(%arg11 : memref<!tpu.dma_semaphore, #tpu.memory_space<semaphore_mem>>) src(%arg7 : memref<64x768xf32, #tpu.memory_space<vmem>>) dst(%dma_wait3A_160 : memref<64x768xf32, #tpu.memory_space<hbm>>)
    return
  }
}

module attributes {stable_mosaic.version = 14 : i64} {
  func.func @_idx_body(%arg0: i32, %arg1: memref<2048x8xf32, #tpu.memory_space<vmem>>, %arg2: memref<128x1536xbf16, #tpu.memory_space<vmem>>, %arg3: memref<2048x1xi32, #tpu.memory_space<vmem>>) attributes {dimension_semantics = [#tpu.dimension_semantics<arbitrary>], iteration_bounds = array<i64: 8>, scalar_prefetch = 0 : i64, scratch_operands = 0 : i64, tpu.core_type = #tpu.core_type<tc>, window_params = [{transform_indices = @transform_0, window_bounds = array<i64: 2048, 8>}, {pipeline_mode = #tpu.pipeline_mode<synchronous>, transform_indices = @transform_1, window_bounds = array<i64: 128, 1536>}, {transform_indices = @transform_2, window_bounds = array<i64: 2048, 1>}]} {
    %get3A = arith.constant 0 : index
    %get3A_0 = arith.constant 0 : index
    %get3A_1 = vector.load %arg1[%get3A, %get3A_0] : memref<2048x8xf32, #tpu.memory_space<vmem>>, vector<2048x8xf32>
    %slice3A = vector.extract_strided_slice %get3A_1 {offsets = [0, 1], sizes = [2048, 7], strides = [1, 1]} : vector<2048x8xf32> to vector<2048x7xf32>
    %slice3A_2 = vector.extract_strided_slice %get3A_1 {offsets = [0, 0], sizes = [2048, 7], strides = [1, 1]} : vector<2048x8xf32> to vector<2048x7xf32>
    %sub3A = arith.subf %slice3A, %slice3A_2 : vector<2048x7xf32>
    %iota3A = tpu.iota {dimensions = array<i32: 1>} : vector<2048x7xi32>
    %gt3A = arith.constant 0.000000e+00 : f32
    %gt3A_3 = vector.broadcast %gt3A : f32 to vector<2048x7xf32>
    %gt3A_4 = arith.cmpf ogt, %sub3A, %gt3A_3 : vector<2048x7xf32>
    %shift_left3A = arith.constant 1 : i32
    %shift_left3A_5 = vector.broadcast %shift_left3A : i32 to vector<2048x7xi32>
    %shift_left3A_6 = arith.shli %shift_left3A_5, %iota3A : vector<2048x7xi32>
    %jit3A = arith.constant 0 : i32
    %broadcast_in_dim3A = vector.broadcast %jit3A : i32 to vector<2048x7xi32>
    %select_n3A = arith.select %gt3A_4, %shift_left3A_6, %broadcast_in_dim3A : vector<2048x7xi1>, vector<2048x7xi32>
    %reduce_sum3A = arith.constant dense<0> : vector<2048xi32>
    %reduce_sum3A_7 = vector.multi_reduction <add>, %select_n3A, %reduce_sum3A [1] : vector<2048x7xi32> to vector<2048xi32>
    %broadcast_in_dim3A_8 = vector.shape_cast %reduce_sum3A_7 : vector<2048xi32> to vector<2048x1xi32>
    %reduce_min3A = arith.constant dense<0x7F800000> : vector<2048xf32>
    %reduce_min3A_9 = vector.multi_reduction <minimumf>, %get3A_1, %reduce_min3A [1] : vector<2048x8xf32> to vector<2048xf32>
    %broadcast_in_dim3A_10 = vector.shape_cast %reduce_min3A_9 : vector<2048xf32> to vector<2048x1xf32>
    %reduce_max3A = arith.constant dense<0xFF800000> : vector<2048xf32>
    %reduce_max3A_11 = vector.multi_reduction <maximumf>, %get3A_1, %reduce_max3A [1] : vector<2048x8xf32> to vector<2048xf32>
    %broadcast_in_dim3A_12 = vector.shape_cast %reduce_max3A_11 : vector<2048xf32> to vector<2048x1xf32>
    %sub3A_13 = vector.broadcast %broadcast_in_dim3A_10 : vector<2048x1xf32> to vector<2048x8xf32>
    %sub3A_14 = arith.subf %get3A_1, %sub3A_13 : vector<2048x8xf32>
    %sub3A_15 = arith.subf %broadcast_in_dim3A_12, %broadcast_in_dim3A_10 : vector<2048x1xf32>
    %add3A = arith.constant 9.99999993E-9 : f32
    %add3A_16 = vector.broadcast %add3A : f32 to vector<2048x1xf32>
    %add3A_17 = arith.addf %sub3A_15, %add3A_16 : vector<2048x1xf32>
    %div3A = vector.broadcast %add3A_17 : vector<2048x1xf32> to vector<2048x8xf32>
    %div3A_18 = arith.divf %sub3A_14, %div3A : vector<2048x8xf32>
    %iota3A_19 = tpu.iota {dimensions = array<i32: 1>} : vector<2048x128xi32>
    %eq3A = vector.broadcast %broadcast_in_dim3A_8 : vector<2048x1xi32> to vector<2048x128xi32>
    %eq3A_20 = arith.cmpi eq, %eq3A, %iota3A_19 : vector<2048x128xi32>
    %convert_element_type3A = arith.extui %eq3A_20 : vector<2048x128xi1> to vector<2048x128xi32>
    %convert_element_type3A_21 = arith.sitofp %convert_element_type3A : vector<2048x128xi32> to vector<2048x128xf32>
    %convert_element_type3A_22 = arith.truncf %convert_element_type3A_21 : vector<2048x128xf32> to vector<2048x128xbf16>
    %get3A_23 = arith.constant 0 : index
    %get3A_24 = arith.constant 0 : index
    %get3A_25 = vector.load %arg2[%get3A_23, %get3A_24] : memref<128x1536xbf16, #tpu.memory_space<vmem>>, vector<128x1536xbf16>
    %dot_general3A = arith.constant dense<0.000000e+00> : vector<2048x1536xf32>
    %dot_general3A_26 = tpu.matmul %convert_element_type3A_22, %get3A_25, %dot_general3A {dimension_numbers = #tpu.dot_dimension_numbers<[1], [0], [0], [1], [0, 0, 1, 1], [], []>, transpose_lhs_hint = false} : vector<2048x128xbf16>, vector<128x1536xbf16>, vector<2048x1536xf32> -> vector<2048x1536xf32>
    %slice3A_27 = vector.extract_strided_slice %dot_general3A_26 {offsets = [0, 0], sizes = [2048, 512], strides = [1, 1]} : vector<2048x1536xf32> to vector<2048x512xf32>
    %slice3A_28 = vector.extract_strided_slice %dot_general3A_26 {offsets = [0, 512], sizes = [2048, 512], strides = [1, 1]} : vector<2048x1536xf32> to vector<2048x512xf32>
    %add3A_29 = arith.addf %slice3A_27, %slice3A_28 : vector<2048x512xf32>
    %slice3A_30 = vector.extract_strided_slice %dot_general3A_26 {offsets = [0, 1024], sizes = [2048, 512], strides = [1, 1]} : vector<2048x1536xf32> to vector<2048x512xf32>
    %add3A_31 = arith.addf %add3A_29, %slice3A_30 : vector<2048x512xf32>
    %slice3A_32 = vector.extract_strided_slice %add3A_31 {offsets = [0, 0], sizes = [2048, 64], strides = [1, 1]} : vector<2048x512xf32> to vector<2048x64xf32>
    %slice3A_33 = vector.extract_strided_slice %div3A_18 {offsets = [0, 0], sizes = [2048, 1], strides = [1, 1]} : vector<2048x8xf32> to vector<2048x1xf32>
    %sub3A_34 = vector.broadcast %slice3A_33 : vector<2048x1xf32> to vector<2048x64xf32>
    %sub3A_35 = arith.subf %slice3A_32, %sub3A_34 : vector<2048x64xf32>
    %abs3A = math.absf %sub3A_35 : vector<2048x64xf32>
    %slice3A_36 = vector.extract_strided_slice %add3A_31 {offsets = [0, 64], sizes = [2048, 64], strides = [1, 1]} : vector<2048x512xf32> to vector<2048x64xf32>
    %slice3A_37 = vector.extract_strided_slice %div3A_18 {offsets = [0, 1], sizes = [2048, 1], strides = [1, 1]} : vector<2048x8xf32> to vector<2048x1xf32>
    %sub3A_38 = vector.broadcast %slice3A_37 : vector<2048x1xf32> to vector<2048x64xf32>
    %sub3A_39 = arith.subf %slice3A_36, %sub3A_38 : vector<2048x64xf32>
    %abs3A_40 = math.absf %sub3A_39 : vector<2048x64xf32>
    %slice3A_41 = vector.extract_strided_slice %add3A_31 {offsets = [0, 128], sizes = [2048, 64], strides = [1, 1]} : vector<2048x512xf32> to vector<2048x64xf32>
    %slice3A_42 = vector.extract_strided_slice %div3A_18 {offsets = [0, 2], sizes = [2048, 1], strides = [1, 1]} : vector<2048x8xf32> to vector<2048x1xf32>
    %sub3A_43 = vector.broadcast %slice3A_42 : vector<2048x1xf32> to vector<2048x64xf32>
    %sub3A_44 = arith.subf %slice3A_41, %sub3A_43 : vector<2048x64xf32>
    %abs3A_45 = math.absf %sub3A_44 : vector<2048x64xf32>
    %slice3A_46 = vector.extract_strided_slice %add3A_31 {offsets = [0, 192], sizes = [2048, 64], strides = [1, 1]} : vector<2048x512xf32> to vector<2048x64xf32>
    %slice3A_47 = vector.extract_strided_slice %div3A_18 {offsets = [0, 3], sizes = [2048, 1], strides = [1, 1]} : vector<2048x8xf32> to vector<2048x1xf32>
    %sub3A_48 = vector.broadcast %slice3A_47 : vector<2048x1xf32> to vector<2048x64xf32>
    %sub3A_49 = arith.subf %slice3A_46, %sub3A_48 : vector<2048x64xf32>
    %abs3A_50 = math.absf %sub3A_49 : vector<2048x64xf32>
    %slice3A_51 = vector.extract_strided_slice %add3A_31 {offsets = [0, 256], sizes = [2048, 64], strides = [1, 1]} : vector<2048x512xf32> to vector<2048x64xf32>
    %slice3A_52 = vector.extract_strided_slice %div3A_18 {offsets = [0, 4], sizes = [2048, 1], strides = [1, 1]} : vector<2048x8xf32> to vector<2048x1xf32>
    %sub3A_53 = vector.broadcast %slice3A_52 : vector<2048x1xf32> to vector<2048x64xf32>
    %sub3A_54 = arith.subf %slice3A_51, %sub3A_53 : vector<2048x64xf32>
    %abs3A_55 = math.absf %sub3A_54 : vector<2048x64xf32>
    %slice3A_56 = vector.extract_strided_slice %add3A_31 {offsets = [0, 320], sizes = [2048, 64], strides = [1, 1]} : vector<2048x512xf32> to vector<2048x64xf32>
    %slice3A_57 = vector.extract_strided_slice %div3A_18 {offsets = [0, 5], sizes = [2048, 1], strides = [1, 1]} : vector<2048x8xf32> to vector<2048x1xf32>
    %sub3A_58 = vector.broadcast %slice3A_57 : vector<2048x1xf32> to vector<2048x64xf32>
    %sub3A_59 = arith.subf %slice3A_56, %sub3A_58 : vector<2048x64xf32>
    %abs3A_60 = math.absf %sub3A_59 : vector<2048x64xf32>
    %slice3A_61 = vector.extract_strided_slice %add3A_31 {offsets = [0, 384], sizes = [2048, 64], strides = [1, 1]} : vector<2048x512xf32> to vector<2048x64xf32>
    %slice3A_62 = vector.extract_strided_slice %div3A_18 {offsets = [0, 6], sizes = [2048, 1], strides = [1, 1]} : vector<2048x8xf32> to vector<2048x1xf32>
    %sub3A_63 = vector.broadcast %slice3A_62 : vector<2048x1xf32> to vector<2048x64xf32>
    %sub3A_64 = arith.subf %slice3A_61, %sub3A_63 : vector<2048x64xf32>
    %abs3A_65 = math.absf %sub3A_64 : vector<2048x64xf32>
    %slice3A_66 = vector.extract_strided_slice %add3A_31 {offsets = [0, 448], sizes = [2048, 64], strides = [1, 1]} : vector<2048x512xf32> to vector<2048x64xf32>
    %slice3A_67 = vector.extract_strided_slice %div3A_18 {offsets = [0, 7], sizes = [2048, 1], strides = [1, 1]} : vector<2048x8xf32> to vector<2048x1xf32>
    %sub3A_68 = vector.broadcast %slice3A_67 : vector<2048x1xf32> to vector<2048x64xf32>
    %sub3A_69 = arith.subf %slice3A_66, %sub3A_68 : vector<2048x64xf32>
    %abs3A_70 = math.absf %sub3A_69 : vector<2048x64xf32>
    %add3A_71 = arith.addf %abs3A, %abs3A_40 : vector<2048x64xf32>
    %add3A_72 = arith.addf %abs3A_45, %abs3A_50 : vector<2048x64xf32>
    %add3A_73 = arith.addf %add3A_71, %add3A_72 : vector<2048x64xf32>
    %add3A_74 = arith.addf %abs3A_55, %abs3A_60 : vector<2048x64xf32>
    %add3A_75 = arith.addf %abs3A_65, %abs3A_70 : vector<2048x64xf32>
    %add3A_76 = arith.addf %add3A_74, %add3A_75 : vector<2048x64xf32>
    %add3A_77 = arith.addf %add3A_73, %add3A_76 : vector<2048x64xf32>
    %argmin3A = tpu.reduce_index %add3A_77 {axis = 1 : i32, kind = #tpu.reduction_kind<arg_min>} : vector<2048x64xf32> -> vector<2048xi32>
    %mul3A = arith.constant 64 : i32
    %mul3A_78 = vector.broadcast %mul3A : i32 to vector<2048x1xi32>
    %mul3A_79 = arith.muli %broadcast_in_dim3A_8, %mul3A_78 : vector<2048x1xi32>
    %broadcast_in_dim3A_80 = vector.shape_cast %argmin3A : vector<2048xi32> to vector<2048x1xi32>
    %add3A_81 = arith.addi %mul3A_79, %broadcast_in_dim3A_80 : vector<2048x1xi32>
    %swap3A = arith.constant 0 : index
    %swap3A_82 = arith.constant 0 : index
    %swap3A_83 = vector.load %arg3[%swap3A, %swap3A_82] : memref<2048x1xi32, #tpu.memory_space<vmem>>, vector<2048x1xi32>
    tpu.vector_store %arg3[%swap3A, %swap3A_82], %add3A_81 {strides = array<i32>} : memref<2048x1xi32, #tpu.memory_space<vmem>>, vector<2048x1xi32>,
    return
  }
  func.func @transform_0(%arg0: i32) -> (i32, i32) {
    %c0_i32 = arith.constant 0 : i32
    %c0_i32_0 = arith.constant 0 : i32
    return %arg0, %c0_i32 : i32, i32
  }
  func.func @transform_1(%arg0: i32) -> (i32, i32) {
    %c0_i32 = arith.constant 0 : i32
    %c0_i32_0 = arith.constant 0 : i32
    %c0_i32_1 = arith.constant 0 : i32
    return %c0_i32, %c0_i32_0 : i32, i32
  }
  func.func @transform_2(%arg0: i32) -> (i32, i32) {
    %c0_i32 = arith.constant 0 : i32
    %c0_i32_0 = arith.constant 0 : i32
    return %arg0, %c0_i32 : i32, i32
  }
}

module attributes {stable_mosaic.version = 14 : i64} {
  func.func @_coef_body(%arg0: i32, %arg1: memref<64x1024xf32, #tpu.memory_space<vmem>>, %arg2: memref<1024x1024xf32, #tpu.memory_space<vmem>>, %arg3: memref<64x1024xf32, #tpu.memory_space<vmem>>) attributes {dimension_semantics = [#tpu.dimension_semantics<arbitrary>], iteration_bounds = array<i64: 4>, scalar_prefetch = 0 : i64, scratch_operands = 0 : i64, tpu.core_type = #tpu.core_type<tc>, window_params = [{transform_indices = @transform_0, window_bounds = array<i64: 64, 1024>}, {pipeline_mode = #tpu.pipeline_mode<synchronous>, transform_indices = @transform_1, window_bounds = array<i64: 1024, 1024>}, {transform_indices = @transform_2, window_bounds = array<i64: 64, 1024>}]} {
    %get3A = arith.constant 0 : index
    %get3A_0 = arith.constant 0 : index
    %get3A_1 = vector.load %arg1[%get3A, %get3A_0] : memref<64x1024xf32, #tpu.memory_space<vmem>>, vector<64x1024xf32>
    %get3A_2 = arith.constant 0 : index
    %get3A_3 = arith.constant 0 : index
    %get3A_4 = vector.load %arg2[%get3A_2, %get3A_3] : memref<1024x1024xf32, #tpu.memory_space<vmem>>, vector<1024x1024xf32>
    %dot_general3A = arith.constant dense<0.000000e+00> : vector<64x1024xf32>
    %dot_general3A_5 = tpu.matmul %get3A_1, %get3A_4, %dot_general3A {dimension_numbers = #tpu.dot_dimension_numbers<[1], [0], [0], [1], [0, 0, 1, 1], [], []>, precision = #tpu.contract_precision<fp32>, transpose_lhs_hint = false} : vector<64x1024xf32>, vector<1024x1024xf32>, vector<64x1024xf32> -> vector<64x1024xf32>
    %swap3A = arith.constant 0 : index
    %swap3A_6 = arith.constant 0 : index
    %swap3A_7 = vector.load %arg3[%swap3A, %swap3A_6] : memref<64x1024xf32, #tpu.memory_space<vmem>>, vector<64x1024xf32>
    tpu.vector_store %arg3[%swap3A, %swap3A_6], %dot_general3A_5 {strides = array<i32>} : memref<64x1024xf32, #tpu.memory_space<vmem>>, vector<64x1024xf32>,
    return
  }
  func.func @transform_0(%arg0: i32) -> (i32, i32) {
    %c0_i32 = arith.constant 0 : i32
    %c0_i32_0 = arith.constant 0 : i32
    return %arg0, %c0_i32 : i32, i32
  }
  func.func @transform_1(%arg0: i32) -> (i32, i32) {
    %c0_i32 = arith.constant 0 : i32
    %c0_i32_0 = arith.constant 0 : i32
    %c0_i32_1 = arith.constant 0 : i32
    return %c0_i32, %c0_i32_0 : i32, i32
  }
  func.func @transform_2(%arg0: i32) -> (i32, i32) {
    %c0_i32 = arith.constant 0 : i32
    %c0_i32_0 = arith.constant 0 : i32
    return %arg0, %c0_i32 : i32, i32
  }
}

module attributes {stable_mosaic.version = 14 : i64} {
  func.func @_combine_body(%arg0: i32, %arg1: memref<8x128x768xf32, #tpu.memory_space<vmem>>, %arg2: memref<8x128x8xf32, #tpu.memory_space<vmem>>, %arg3: memref<8x768xf32, #tpu.memory_space<vmem>>, %arg4: memref<128x768xf32, #tpu.memory_space<vmem>>, %arg5: memref<8x128x768xf32, #tpu.memory_space<vmem>>) attributes {dimension_semantics = [#tpu.dimension_semantics<arbitrary>], iteration_bounds = array<i64: 16>, scalar_prefetch = 0 : i64, scratch_operands = 0 : i64, tpu.core_type = #tpu.core_type<tc>, window_params = [{transform_indices = @transform_0, window_bounds = array<i64: 8, 128, 768>}, {transform_indices = @transform_1, window_bounds = array<i64: 8, 128, 8>}, {pipeline_mode = #tpu.pipeline_mode<synchronous>, transform_indices = @transform_2, window_bounds = array<i64: 8, 768>}, {pipeline_mode = #tpu.pipeline_mode<synchronous>, transform_indices = @transform_3, window_bounds = array<i64: 128, 768>}, {transform_indices = @transform_4, window_bounds = array<i64: 8, 128, 768>}]} {
    %get3A = arith.constant 0 : index
    %get3A_0 = arith.constant 0 : index
    %get3A_1 = vector.load %arg3[%get3A, %get3A_0] : memref<8x768xf32, #tpu.memory_space<vmem>>, vector<8x768xf32>
    %get3A_2 = arith.constant 0 : index
    %get3A_3 = arith.constant 0 : index
    %get3A_4 = vector.load %arg4[%get3A_2, %get3A_3] : memref<128x768xf32, #tpu.memory_space<vmem>>, vector<128x768xf32>
    %get3A_5 = arith.constant 0 : index
    %get3A_6 = arith.constant 0 : index
    %get3A_7 = arith.constant 0 : index
    %get3A_8 = vector.load %arg2[%get3A_5, %get3A_6, %get3A_7] : memref<8x128x8xf32, #tpu.memory_space<vmem>>, vector<1x128x8xf32>
    %get3A_9 = vector.shape_cast %get3A_8 : vector<1x128x8xf32> to vector<128x8xf32>
    %dot_general3A = arith.constant dense<0.000000e+00> : vector<128x768xf32>
    %dot_general3A_10 = tpu.matmul %get3A_9, %get3A_1, %dot_general3A {dimension_numbers = #tpu.dot_dimension_numbers<[1], [0], [0], [1], [0, 0, 1, 1], [], []>, transpose_lhs_hint = false} : vector<128x8xf32>, vector<8x768xf32>, vector<128x768xf32> -> vector<128x768xf32>
    %get3A_11 = arith.constant 0 : index
    %get3A_12 = arith.constant 0 : index
    %get3A_13 = arith.constant 0 : index
    %get3A_14 = vector.load %arg1[%get3A_11, %get3A_12, %get3A_13] : memref<8x128x768xf32, #tpu.memory_space<vmem>>, vector<1x128x768xf32>
    %get3A_15 = vector.shape_cast %get3A_14 : vector<1x128x768xf32> to vector<128x768xf32>
    %add3A = arith.addf %get3A_15, %dot_general3A_10 : vector<128x768xf32>
    %add3A_16 = arith.addf %add3A, %get3A_4 : vector<128x768xf32>
    %swap3A = arith.constant 0 : index
    %swap3A_17 = arith.constant 0 : index
    %swap3A_18 = arith.constant 0 : index
    %swap3A_19 = vector.load %arg5[%swap3A, %swap3A_17, %swap3A_18] : memref<8x128x768xf32, #tpu.memory_space<vmem>>, vector<1x128x768xf32>
    %swap3A_20 = vector.shape_cast %swap3A_19 : vector<1x128x768xf32> to vector<128x768xf32>
    %swap3A_21 = vector.shape_cast %add3A_16 : vector<128x768xf32> to vector<1x128x768xf32>
    tpu.vector_store %arg5[%swap3A, %swap3A_17, %swap3A_18], %swap3A_21 {strides = array<i32>} : memref<8x128x768xf32, #tpu.memory_space<vmem>>, vector<1x128x768xf32>,
    %get3A_22 = arith.constant 1 : index
    %get3A_23 = arith.constant 0 : index
    %get3A_24 = arith.constant 0 : index
    %get3A_25 = vector.load %arg2[%get3A_22, %get3A_23, %get3A_24] : memref<8x128x8xf32, #tpu.memory_space<vmem>>, vector<1x128x8xf32>
    %get3A_26 = vector.shape_cast %get3A_25 : vector<1x128x8xf32> to vector<128x8xf32>
    %dot_general3A_27 = arith.constant dense<0.000000e+00> : vector<128x768xf32>
    %dot_general3A_28 = tpu.matmul %get3A_26, %get3A_1, %dot_general3A_27 {dimension_numbers = #tpu.dot_dimension_numbers<[1], [0], [0], [1], [0, 0, 1, 1], [], []>, transpose_lhs_hint = false} : vector<128x8xf32>, vector<8x768xf32>, vector<128x768xf32> -> vector<128x768xf32>
    %get3A_29 = arith.constant 1 : index
    %get3A_30 = arith.constant 0 : index
    %get3A_31 = arith.constant 0 : index
    %get3A_32 = vector.load %arg1[%get3A_29, %get3A_30, %get3A_31] : memref<8x128x768xf32, #tpu.memory_space<vmem>>, vector<1x128x768xf32>
    %get3A_33 = vector.shape_cast %get3A_32 : vector<1x128x768xf32> to vector<128x768xf32>
    %add3A_34 = arith.addf %get3A_33, %dot_general3A_28 : vector<128x768xf32>
    %add3A_35 = arith.addf %add3A_34, %get3A_4 : vector<128x768xf32>
    %swap3A_36 = arith.constant 1 : index
    %swap3A_37 = arith.constant 0 : index
    %swap3A_38 = arith.constant 0 : index
    %swap3A_39 = vector.load %arg5[%swap3A_36, %swap3A_37, %swap3A_38] : memref<8x128x768xf32, #tpu.memory_space<vmem>>, vector<1x128x768xf32>
    %swap3A_40 = vector.shape_cast %swap3A_39 : vector<1x128x768xf32> to vector<128x768xf32>
    %swap3A_41 = vector.shape_cast %add3A_35 : vector<128x768xf32> to vector<1x128x768xf32>
    tpu.vector_store %arg5[%swap3A_36, %swap3A_37, %swap3A_38], %swap3A_41 {strides = array<i32>} : memref<8x128x768xf32, #tpu.memory_space<vmem>>, vector<1x128x768xf32>,
    %get3A_42 = arith.constant 2 : index
    %get3A_43 = arith.constant 0 : index
    %get3A_44 = arith.constant 0 : index
    %get3A_45 = vector.load %arg2[%get3A_42, %get3A_43, %get3A_44] : memref<8x128x8xf32, #tpu.memory_space<vmem>>, vector<1x128x8xf32>
    %get3A_46 = vector.shape_cast %get3A_45 : vector<1x128x8xf32> to vector<128x8xf32>
    %dot_general3A_47 = arith.constant dense<0.000000e+00> : vector<128x768xf32>
    %dot_general3A_48 = tpu.matmul %get3A_46, %get3A_1, %dot_general3A_47 {dimension_numbers = #tpu.dot_dimension_numbers<[1], [0], [0], [1], [0, 0, 1, 1], [], []>, transpose_lhs_hint = false} : vector<128x8xf32>, vector<8x768xf32>, vector<128x768xf32> -> vector<128x768xf32>
    %get3A_49 = arith.constant 2 : index
    %get3A_50 = arith.constant 0 : index
    %get3A_51 = arith.constant 0 : index
    %get3A_52 = vector.load %arg1[%get3A_49, %get3A_50, %get3A_51] : memref<8x128x768xf32, #tpu.memory_space<vmem>>, vector<1x128x768xf32>
    %get3A_53 = vector.shape_cast %get3A_52 : vector<1x128x768xf32> to vector<128x768xf32>
    %add3A_54 = arith.addf %get3A_53, %dot_general3A_48 : vector<128x768xf32>
    %add3A_55 = arith.addf %add3A_54, %get3A_4 : vector<128x768xf32>
    %swap3A_56 = arith.constant 2 : index
    %swap3A_57 = arith.constant 0 : index
    %swap3A_58 = arith.constant 0 : index
    %swap3A_59 = vector.load %arg5[%swap3A_56, %swap3A_57, %swap3A_58] : memref<8x128x768xf32, #tpu.memory_space<vmem>>, vector<1x128x768xf32>
    %swap3A_60 = vector.shape_cast %swap3A_59 : vector<1x128x768xf32> to vector<128x768xf32>
    %swap3A_61 = vector.shape_cast %add3A_55 : vector<128x768xf32> to vector<1x128x768xf32>
    tpu.vector_store %arg5[%swap3A_56, %swap3A_57, %swap3A_58], %swap3A_61 {strides = array<i32>} : memref<8x128x768xf32, #tpu.memory_space<vmem>>, vector<1x128x768xf32>,
    %get3A_62 = arith.constant 3 : index
    %get3A_63 = arith.constant 0 : index
    %get3A_64 = arith.constant 0 : index
    %get3A_65 = vector.load %arg2[%get3A_62, %get3A_63, %get3A_64] : memref<8x128x8xf32, #tpu.memory_space<vmem>>, vector<1x128x8xf32>
    %get3A_66 = vector.shape_cast %get3A_65 : vector<1x128x8xf32> to vector<128x8xf32>
    %dot_general3A_67 = arith.constant dense<0.000000e+00> : vector<128x768xf32>
    %dot_general3A_68 = tpu.matmul %get3A_66, %get3A_1, %dot_general3A_67 {dimension_numbers = #tpu.dot_dimension_numbers<[1], [0], [0], [1], [0, 0, 1, 1], [], []>, transpose_lhs_hint = false} : vector<128x8xf32>, vector<8x768xf32>, vector<128x768xf32> -> vector<128x768xf32>
    %get3A_69 = arith.constant 3 : index
    %get3A_70 = arith.constant 0 : index
    %get3A_71 = arith.constant 0 : index
    %get3A_72 = vector.load %arg1[%get3A_69, %get3A_70, %get3A_71] : memref<8x128x768xf32, #tpu.memory_space<vmem>>, vector<1x128x768xf32>
    %get3A_73 = vector.shape_cast %get3A_72 : vector<1x128x768xf32> to vector<128x768xf32>
    %add3A_74 = arith.addf %get3A_73, %dot_general3A_68 : vector<128x768xf32>
    %add3A_75 = arith.addf %add3A_74, %get3A_4 : vector<128x768xf32>
    %swap3A_76 = arith.constant 3 : index
    %swap3A_77 = arith.constant 0 : index
    %swap3A_78 = arith.constant 0 : index
    %swap3A_79 = vector.load %arg5[%swap3A_76, %swap3A_77, %swap3A_78] : memref<8x128x768xf32, #tpu.memory_space<vmem>>, vector<1x128x768xf32>
    %swap3A_80 = vector.shape_cast %swap3A_79 : vector<1x128x768xf32> to vector<128x768xf32>
    %swap3A_81 = vector.shape_cast %add3A_75 : vector<128x768xf32> to vector<1x128x768xf32>
    tpu.vector_store %arg5[%swap3A_76, %swap3A_77, %swap3A_78], %swap3A_81 {strides = array<i32>} : memref<8x128x768xf32, #tpu.memory_space<vmem>>, vector<1x128x768xf32>,
    %get3A_82 = arith.constant 4 : index
    %get3A_83 = arith.constant 0 : index
    %get3A_84 = arith.constant 0 : index
    %get3A_85 = vector.load %arg2[%get3A_82, %get3A_83, %get3A_84] : memref<8x128x8xf32, #tpu.memory_space<vmem>>, vector<1x128x8xf32>
    %get3A_86 = vector.shape_cast %get3A_85 : vector<1x128x8xf32> to vector<128x8xf32>
    %dot_general3A_87 = arith.constant dense<0.000000e+00> : vector<128x768xf32>
    %dot_general3A_88 = tpu.matmul %get3A_86, %get3A_1, %dot_general3A_87 {dimension_numbers = #tpu.dot_dimension_numbers<[1], [0], [0], [1], [0, 0, 1, 1], [], []>, transpose_lhs_hint = false} : vector<128x8xf32>, vector<8x768xf32>, vector<128x768xf32> -> vector<128x768xf32>
    %get3A_89 = arith.constant 4 : index
    %get3A_90 = arith.constant 0 : index
    %get3A_91 = arith.constant 0 : index
    %get3A_92 = vector.load %arg1[%get3A_89, %get3A_90, %get3A_91] : memref<8x128x768xf32, #tpu.memory_space<vmem>>, vector<1x128x768xf32>
    %get3A_93 = vector.shape_cast %get3A_92 : vector<1x128x768xf32> to vector<128x768xf32>
    %add3A_94 = arith.addf %get3A_93, %dot_general3A_88 : vector<128x768xf32>
    %add3A_95 = arith.addf %add3A_94, %get3A_4 : vector<128x768xf32>
    %swap3A_96 = arith.constant 4 : index
    %swap3A_97 = arith.constant 0 : index
    %swap3A_98 = arith.constant 0 : index
    %swap3A_99 = vector.load %arg5[%swap3A_96, %swap3A_97, %swap3A_98] : memref<8x128x768xf32, #tpu.memory_space<vmem>>, vector<1x128x768xf32>
    %swap3A_100 = vector.shape_cast %swap3A_99 : vector<1x128x768xf32> to vector<128x768xf32>
    %swap3A_101 = vector.shape_cast %add3A_95 : vector<128x768xf32> to vector<1x128x768xf32>
    tpu.vector_store %arg5[%swap3A_96, %swap3A_97, %swap3A_98], %swap3A_101 {strides = array<i32>} : memref<8x128x768xf32, #tpu.memory_space<vmem>>, vector<1x128x768xf32>,
    %get3A_102 = arith.constant 5 : index
    %get3A_103 = arith.constant 0 : index
    %get3A_104 = arith.constant 0 : index
    %get3A_105 = vector.load %arg2[%get3A_102, %get3A_103, %get3A_104] : memref<8x128x8xf32, #tpu.memory_space<vmem>>, vector<1x128x8xf32>
    %get3A_106 = vector.shape_cast %get3A_105 : vector<1x128x8xf32> to vector<128x8xf32>
    %dot_general3A_107 = arith.constant dense<0.000000e+00> : vector<128x768xf32>
    %dot_general3A_108 = tpu.matmul %get3A_106, %get3A_1, %dot_general3A_107 {dimension_numbers = #tpu.dot_dimension_numbers<[1], [0], [0], [1], [0, 0, 1, 1], [], []>, transpose_lhs_hint = false} : vector<128x8xf32>, vector<8x768xf32>, vector<128x768xf32> -> vector<128x768xf32>
    %get3A_109 = arith.constant 5 : index
    %get3A_110 = arith.constant 0 : index
    %get3A_111 = arith.constant 0 : index
    %get3A_112 = vector.load %arg1[%get3A_109, %get3A_110, %get3A_111] : memref<8x128x768xf32, #tpu.memory_space<vmem>>, vector<1x128x768xf32>
    %get3A_113 = vector.shape_cast %get3A_112 : vector<1x128x768xf32> to vector<128x768xf32>
    %add3A_114 = arith.addf %get3A_113, %dot_general3A_108 : vector<128x768xf32>
    %add3A_115 = arith.addf %add3A_114, %get3A_4 : vector<128x768xf32>
    %swap3A_116 = arith.constant 5 : index
    %swap3A_117 = arith.constant 0 : index
    %swap3A_118 = arith.constant 0 : index
    %swap3A_119 = vector.load %arg5[%swap3A_116, %swap3A_117, %swap3A_118] : memref<8x128x768xf32, #tpu.memory_space<vmem>>, vector<1x128x768xf32>
    %swap3A_120 = vector.shape_cast %swap3A_119 : vector<1x128x768xf32> to vector<128x768xf32>
    %swap3A_121 = vector.shape_cast %add3A_115 : vector<128x768xf32> to vector<1x128x768xf32>
    tpu.vector_store %arg5[%swap3A_116, %swap3A_117, %swap3A_118], %swap3A_121 {strides = array<i32>} : memref<8x128x768xf32, #tpu.memory_space<vmem>>, vector<1x128x768xf32>,
    %get3A_122 = arith.constant 6 : index
    %get3A_123 = arith.constant 0 : index
    %get3A_124 = arith.constant 0 : index
    %get3A_125 = vector.load %arg2[%get3A_122, %get3A_123, %get3A_124] : memref<8x128x8xf32, #tpu.memory_space<vmem>>, vector<1x128x8xf32>
    %get3A_126 = vector.shape_cast %get3A_125 : vector<1x128x8xf32> to vector<128x8xf32>
    %dot_general3A_127 = arith.constant dense<0.000000e+00> : vector<128x768xf32>
    %dot_general3A_128 = tpu.matmul %get3A_126, %get3A_1, %dot_general3A_127 {dimension_numbers = #tpu.dot_dimension_numbers<[1], [0], [0], [1], [0, 0, 1, 1], [], []>, transpose_lhs_hint = false} : vector<128x8xf32>, vector<8x768xf32>, vector<128x768xf32> -> vector<128x768xf32>
    %get3A_129 = arith.constant 6 : index
    %get3A_130 = arith.constant 0 : index
    %get3A_131 = arith.constant 0 : index
    %get3A_132 = vector.load %arg1[%get3A_129, %get3A_130, %get3A_131] : memref<8x128x768xf32, #tpu.memory_space<vmem>>, vector<1x128x768xf32>
    %get3A_133 = vector.shape_cast %get3A_132 : vector<1x128x768xf32> to vector<128x768xf32>
    %add3A_134 = arith.addf %get3A_133, %dot_general3A_128 : vector<128x768xf32>
    %add3A_135 = arith.addf %add3A_134, %get3A_4 : vector<128x768xf32>
    %swap3A_136 = arith.constant 6 : index
    %swap3A_137 = arith.constant 0 : index
    %swap3A_138 = arith.constant 0 : index
    %swap3A_139 = vector.load %arg5[%swap3A_136, %swap3A_137, %swap3A_138] : memref<8x128x768xf32, #tpu.memory_space<vmem>>, vector<1x128x768xf32>
    %swap3A_140 = vector.shape_cast %swap3A_139 : vector<1x128x768xf32> to vector<128x768xf32>
    %swap3A_141 = vector.shape_cast %add3A_135 : vector<128x768xf32> to vector<1x128x768xf32>
    tpu.vector_store %arg5[%swap3A_136, %swap3A_137, %swap3A_138], %swap3A_141 {strides = array<i32>} : memref<8x128x768xf32, #tpu.memory_space<vmem>>, vector<1x128x768xf32>,
    %get3A_142 = arith.constant 7 : index
    %get3A_143 = arith.constant 0 : index
    %get3A_144 = arith.constant 0 : index
    %get3A_145 = vector.load %arg2[%get3A_142, %get3A_143, %get3A_144] : memref<8x128x8xf32, #tpu.memory_space<vmem>>, vector<1x128x8xf32>
    %get3A_146 = vector.shape_cast %get3A_145 : vector<1x128x8xf32> to vector<128x8xf32>
    %dot_general3A_147 = arith.constant dense<0.000000e+00> : vector<128x768xf32>
    %dot_general3A_148 = tpu.matmul %get3A_146, %get3A_1, %dot_general3A_147 {dimension_numbers = #tpu.dot_dimension_numbers<[1], [0], [0], [1], [0, 0, 1, 1], [], []>, transpose_lhs_hint = false} : vector<128x8xf32>, vector<8x768xf32>, vector<128x768xf32> -> vector<128x768xf32>
    %get3A_149 = arith.constant 7 : index
    %get3A_150 = arith.constant 0 : index
    %get3A_151 = arith.constant 0 : index
    %get3A_152 = vector.load %arg1[%get3A_149, %get3A_150, %get3A_151] : memref<8x128x768xf32, #tpu.memory_space<vmem>>, vector<1x128x768xf32>
    %get3A_153 = vector.shape_cast %get3A_152 : vector<1x128x768xf32> to vector<128x768xf32>
    %add3A_154 = arith.addf %get3A_153, %dot_general3A_148 : vector<128x768xf32>
    %add3A_155 = arith.addf %add3A_154, %get3A_4 : vector<128x768xf32>
    %swap3A_156 = arith.constant 7 : index
    %swap3A_157 = arith.constant 0 : index
    %swap3A_158 = arith.constant 0 : index
    %swap3A_159 = vector.load %arg5[%swap3A_156, %swap3A_157, %swap3A_158] : memref<8x128x768xf32, #tpu.memory_space<vmem>>, vector<1x128x768xf32>
    %swap3A_160 = vector.shape_cast %swap3A_159 : vector<1x128x768xf32> to vector<128x768xf32>
    %swap3A_161 = vector.shape_cast %add3A_155 : vector<128x768xf32> to vector<1x128x768xf32>
    tpu.vector_store %arg5[%swap3A_156, %swap3A_157, %swap3A_158], %swap3A_161 {strides = array<i32>} : memref<8x128x768xf32, #tpu.memory_space<vmem>>, vector<1x128x768xf32>,
    return
  }
  func.func @transform_0(%arg0: i32) -> (i32, i32, i32) {
    %c0_i32 = arith.constant 0 : i32
    %c0_i32_0 = arith.constant 0 : i32
    %c0_i32_1 = arith.constant 0 : i32
    return %arg0, %c0_i32, %c0_i32_0 : i32, i32, i32
  }
  func.func @transform_1(%arg0: i32) -> (i32, i32, i32) {
    %c0_i32 = arith.constant 0 : i32
    %c0_i32_0 = arith.constant 0 : i32
    %c0_i32_1 = arith.constant 0 : i32
    return %arg0, %c0_i32, %c0_i32_0 : i32, i32, i32
  }
  func.func @transform_2(%arg0: i32) -> (i32, i32) {
    %c0_i32 = arith.constant 0 : i32
    %c0_i32_0 = arith.constant 0 : i32
    %c0_i32_1 = arith.constant 0 : i32
    return %c0_i32, %c0_i32_0 : i32, i32
  }
  func.func @transform_3(%arg0: i32) -> (i32, i32) {
    %c0_i32 = arith.constant 0 : i32
    %c0_i32_0 = arith.constant 0 : i32
    %c0_i32_1 = arith.constant 0 : i32
    return %c0_i32, %c0_i32_0 : i32, i32
  }
  func.func @transform_4(%arg0: i32) -> (i32, i32, i32) {
    %c0_i32 = arith.constant 0 : i32
    %c0_i32_0 = arith.constant 0 : i32
    %c0_i32_1 = arith.constant 0 : i32
    return %arg0, %c0_i32, %c0_i32_0 : i32, i32, i32
  }
}

module attributes {stable_mosaic.version = 14 : i64} {
  func.func @_combine_body2(%arg0: i32, %arg1: memref<256x128x768xf32, #tpu.memory_space<any>>, %arg2: memref<8x128x768xf32, #tpu.memory_space<vmem>>, %arg3: memref<8x128x8xf32, #tpu.memory_space<vmem>>, %arg4: memref<8x768xf32, #tpu.memory_space<vmem>>, %arg5: memref<128x768xf32, #tpu.memory_space<vmem>>, %arg6: memref<8x128x768xf32, #tpu.memory_space<vmem>>) attributes {dimension_semantics = [#tpu.dimension_semantics<arbitrary>], iteration_bounds = array<i64: 16>, scalar_prefetch = 0 : i64, scratch_operands = 0 : i64, tpu.core_type = #tpu.core_type<tc>, window_params = [{}, {transform_indices = @transform_1, window_bounds = array<i64: 8, 128, 768>}, {transform_indices = @transform_2, window_bounds = array<i64: 8, 128, 8>}, {pipeline_mode = #tpu.pipeline_mode<synchronous>, transform_indices = @transform_3, window_bounds = array<i64: 8, 768>}, {pipeline_mode = #tpu.pipeline_mode<synchronous>, transform_indices = @transform_4, window_bounds = array<i64: 128, 768>}, {transform_indices = @transform_5, window_bounds = array<i64: 8, 128, 768>}]} {
    %get3A = arith.constant 0 : index
    %get3A_0 = arith.constant 0 : index
    %get3A_1 = vector.load %arg4[%get3A, %get3A_0] : memref<8x768xf32, #tpu.memory_space<vmem>>, vector<8x768xf32>
    %get3A_2 = arith.constant 0 : index
    %get3A_3 = arith.constant 0 : index
    %get3A_4 = vector.load %arg5[%get3A_2, %get3A_3] : memref<128x768xf32, #tpu.memory_space<vmem>>, vector<128x768xf32>
    %get3A_5 = arith.constant 0 : index
    %get3A_6 = arith.constant 0 : index
    %get3A_7 = arith.constant 0 : index
    %get3A_8 = vector.load %arg3[%get3A_5, %get3A_6, %get3A_7] : memref<8x128x8xf32, #tpu.memory_space<vmem>>, vector<1x128x8xf32>
    %get3A_9 = vector.shape_cast %get3A_8 : vector<1x128x8xf32> to vector<128x8xf32>
    %dot_general3A = arith.constant dense<0.000000e+00> : vector<128x768xf32>
    %dot_general3A_10 = tpu.matmul %get3A_9, %get3A_1, %dot_general3A {dimension_numbers = #tpu.dot_dimension_numbers<[1], [0], [0], [1], [0, 0, 1, 1], [], []>, transpose_lhs_hint = false} : vector<128x8xf32>, vector<8x768xf32>, vector<128x768xf32> -> vector<128x768xf32>
    %get3A_11 = arith.constant 0 : index
    %get3A_12 = arith.constant 0 : index
    %get3A_13 = arith.constant 0 : index
    %get3A_14 = vector.load %arg2[%get3A_11, %get3A_12, %get3A_13] : memref<8x128x768xf32, #tpu.memory_space<vmem>>, vector<1x128x768xf32>
    %get3A_15 = vector.shape_cast %get3A_14 : vector<1x128x768xf32> to vector<128x768xf32>
    %add3A = arith.addf %get3A_15, %dot_general3A_10 : vector<128x768xf32>
    %add3A_16 = arith.addf %add3A, %get3A_4 : vector<128x768xf32>
    %swap3A = arith.constant 0 : index
    %swap3A_17 = arith.constant 0 : index
    %swap3A_18 = arith.constant 0 : index
    %swap3A_19 = vector.load %arg6[%swap3A, %swap3A_17, %swap3A_18] : memref<8x128x768xf32, #tpu.memory_space<vmem>>, vector<1x128x768xf32>
    %swap3A_20 = vector.shape_cast %swap3A_19 : vector<1x128x768xf32> to vector<128x768xf32>
    %swap3A_21 = vector.shape_cast %add3A_16 : vector<128x768xf32> to vector<1x128x768xf32>
    tpu.vector_store %arg6[%swap3A, %swap3A_17, %swap3A_18], %swap3A_21 {strides = array<i32>} : memref<8x128x768xf32, #tpu.memory_space<vmem>>, vector<1x128x768xf32>,
    %get3A_22 = arith.constant 1 : index
    %get3A_23 = arith.constant 0 : index
    %get3A_24 = arith.constant 0 : index
    %get3A_25 = vector.load %arg3[%get3A_22, %get3A_23, %get3A_24] : memref<8x128x8xf32, #tpu.memory_space<vmem>>, vector<1x128x8xf32>
    %get3A_26 = vector.shape_cast %get3A_25 : vector<1x128x8xf32> to vector<128x8xf32>
    %dot_general3A_27 = arith.constant dense<0.000000e+00> : vector<128x768xf32>
    %dot_general3A_28 = tpu.matmul %get3A_26, %get3A_1, %dot_general3A_27 {dimension_numbers = #tpu.dot_dimension_numbers<[1], [0], [0], [1], [0, 0, 1, 1], [], []>, transpose_lhs_hint = false} : vector<128x8xf32>, vector<8x768xf32>, vector<128x768xf32> -> vector<128x768xf32>
    %get3A_29 = arith.constant 1 : index
    %get3A_30 = arith.constant 0 : index
    %get3A_31 = arith.constant 0 : index
    %get3A_32 = vector.load %arg2[%get3A_29, %get3A_30, %get3A_31] : memref<8x128x768xf32, #tpu.memory_space<vmem>>, vector<1x128x768xf32>
    %get3A_33 = vector.shape_cast %get3A_32 : vector<1x128x768xf32> to vector<128x768xf32>
    %add3A_34 = arith.addf %get3A_33, %dot_general3A_28 : vector<128x768xf32>
    %add3A_35 = arith.addf %add3A_34, %get3A_4 : vector<128x768xf32>
    %swap3A_36 = arith.constant 1 : index
    %swap3A_37 = arith.constant 0 : index
    %swap3A_38 = arith.constant 0 : index
    %swap3A_39 = vector.load %arg6[%swap3A_36, %swap3A_37, %swap3A_38] : memref<8x128x768xf32, #tpu.memory_space<vmem>>, vector<1x128x768xf32>
    %swap3A_40 = vector.shape_cast %swap3A_39 : vector<1x128x768xf32> to vector<128x768xf32>
    %swap3A_41 = vector.shape_cast %add3A_35 : vector<128x768xf32> to vector<1x128x768xf32>
    tpu.vector_store %arg6[%swap3A_36, %swap3A_37, %swap3A_38], %swap3A_41 {strides = array<i32>} : memref<8x128x768xf32, #tpu.memory_space<vmem>>, vector<1x128x768xf32>,
    %get3A_42 = arith.constant 2 : index
    %get3A_43 = arith.constant 0 : index
    %get3A_44 = arith.constant 0 : index
    %get3A_45 = vector.load %arg3[%get3A_42, %get3A_43, %get3A_44] : memref<8x128x8xf32, #tpu.memory_space<vmem>>, vector<1x128x8xf32>
    %get3A_46 = vector.shape_cast %get3A_45 : vector<1x128x8xf32> to vector<128x8xf32>
    %dot_general3A_47 = arith.constant dense<0.000000e+00> : vector<128x768xf32>
    %dot_general3A_48 = tpu.matmul %get3A_46, %get3A_1, %dot_general3A_47 {dimension_numbers = #tpu.dot_dimension_numbers<[1], [0], [0], [1], [0, 0, 1, 1], [], []>, transpose_lhs_hint = false} : vector<128x8xf32>, vector<8x768xf32>, vector<128x768xf32> -> vector<128x768xf32>
    %get3A_49 = arith.constant 2 : index
    %get3A_50 = arith.constant 0 : index
    %get3A_51 = arith.constant 0 : index
    %get3A_52 = vector.load %arg2[%get3A_49, %get3A_50, %get3A_51] : memref<8x128x768xf32, #tpu.memory_space<vmem>>, vector<1x128x768xf32>
    %get3A_53 = vector.shape_cast %get3A_52 : vector<1x128x768xf32> to vector<128x768xf32>
    %add3A_54 = arith.addf %get3A_53, %dot_general3A_48 : vector<128x768xf32>
    %add3A_55 = arith.addf %add3A_54, %get3A_4 : vector<128x768xf32>
    %swap3A_56 = arith.constant 2 : index
    %swap3A_57 = arith.constant 0 : index
    %swap3A_58 = arith.constant 0 : index
    %swap3A_59 = vector.load %arg6[%swap3A_56, %swap3A_57, %swap3A_58] : memref<8x128x768xf32, #tpu.memory_space<vmem>>, vector<1x128x768xf32>
    %swap3A_60 = vector.shape_cast %swap3A_59 : vector<1x128x768xf32> to vector<128x768xf32>
    %swap3A_61 = vector.shape_cast %add3A_55 : vector<128x768xf32> to vector<1x128x768xf32>
    tpu.vector_store %arg6[%swap3A_56, %swap3A_57, %swap3A_58], %swap3A_61 {strides = array<i32>} : memref<8x128x768xf32, #tpu.memory_space<vmem>>, vector<1x128x768xf32>,
    %get3A_62 = arith.constant 3 : index
    %get3A_63 = arith.constant 0 : index
    %get3A_64 = arith.constant 0 : index
    %get3A_65 = vector.load %arg3[%get3A_62, %get3A_63, %get3A_64] : memref<8x128x8xf32, #tpu.memory_space<vmem>>, vector<1x128x8xf32>
    %get3A_66 = vector.shape_cast %get3A_65 : vector<1x128x8xf32> to vector<128x8xf32>
    %dot_general3A_67 = arith.constant dense<0.000000e+00> : vector<128x768xf32>
    %dot_general3A_68 = tpu.matmul %get3A_66, %get3A_1, %dot_general3A_67 {dimension_numbers = #tpu.dot_dimension_numbers<[1], [0], [0], [1], [0, 0, 1, 1], [], []>, transpose_lhs_hint = false} : vector<128x8xf32>, vector<8x768xf32>, vector<128x768xf32> -> vector<128x768xf32>
    %get3A_69 = arith.constant 3 : index
    %get3A_70 = arith.constant 0 : index
    %get3A_71 = arith.constant 0 : index
    %get3A_72 = vector.load %arg2[%get3A_69, %get3A_70, %get3A_71] : memref<8x128x768xf32, #tpu.memory_space<vmem>>, vector<1x128x768xf32>
    %get3A_73 = vector.shape_cast %get3A_72 : vector<1x128x768xf32> to vector<128x768xf32>
    %add3A_74 = arith.addf %get3A_73, %dot_general3A_68 : vector<128x768xf32>
    %add3A_75 = arith.addf %add3A_74, %get3A_4 : vector<128x768xf32>
    %swap3A_76 = arith.constant 3 : index
    %swap3A_77 = arith.constant 0 : index
    %swap3A_78 = arith.constant 0 : index
    %swap3A_79 = vector.load %arg6[%swap3A_76, %swap3A_77, %swap3A_78] : memref<8x128x768xf32, #tpu.memory_space<vmem>>, vector<1x128x768xf32>
    %swap3A_80 = vector.shape_cast %swap3A_79 : vector<1x128x768xf32> to vector<128x768xf32>
    %swap3A_81 = vector.shape_cast %add3A_75 : vector<128x768xf32> to vector<1x128x768xf32>
    tpu.vector_store %arg6[%swap3A_76, %swap3A_77, %swap3A_78], %swap3A_81 {strides = array<i32>} : memref<8x128x768xf32, #tpu.memory_space<vmem>>, vector<1x128x768xf32>,
    %get3A_82 = arith.constant 4 : index
    %get3A_83 = arith.constant 0 : index
    %get3A_84 = arith.constant 0 : index
    %get3A_85 = vector.load %arg3[%get3A_82, %get3A_83, %get3A_84] : memref<8x128x8xf32, #tpu.memory_space<vmem>>, vector<1x128x8xf32>
    %get3A_86 = vector.shape_cast %get3A_85 : vector<1x128x8xf32> to vector<128x8xf32>
    %dot_general3A_87 = arith.constant dense<0.000000e+00> : vector<128x768xf32>
    %dot_general3A_88 = tpu.matmul %get3A_86, %get3A_1, %dot_general3A_87 {dimension_numbers = #tpu.dot_dimension_numbers<[1], [0], [0], [1], [0, 0, 1, 1], [], []>, transpose_lhs_hint = false} : vector<128x8xf32>, vector<8x768xf32>, vector<128x768xf32> -> vector<128x768xf32>
    %get3A_89 = arith.constant 4 : index
    %get3A_90 = arith.constant 0 : index
    %get3A_91 = arith.constant 0 : index
    %get3A_92 = vector.load %arg2[%get3A_89, %get3A_90, %get3A_91] : memref<8x128x768xf32, #tpu.memory_space<vmem>>, vector<1x128x768xf32>
    %get3A_93 = vector.shape_cast %get3A_92 : vector<1x128x768xf32> to vector<128x768xf32>
    %add3A_94 = arith.addf %get3A_93, %dot_general3A_88 : vector<128x768xf32>
    %add3A_95 = arith.addf %add3A_94, %get3A_4 : vector<128x768xf32>
    %swap3A_96 = arith.constant 4 : index
    %swap3A_97 = arith.constant 0 : index
    %swap3A_98 = arith.constant 0 : index
    %swap3A_99 = vector.load %arg6[%swap3A_96, %swap3A_97, %swap3A_98] : memref<8x128x768xf32, #tpu.memory_space<vmem>>, vector<1x128x768xf32>
    %swap3A_100 = vector.shape_cast %swap3A_99 : vector<1x128x768xf32> to vector<128x768xf32>
    %swap3A_101 = vector.shape_cast %add3A_95 : vector<128x768xf32> to vector<1x128x768xf32>
    tpu.vector_store %arg6[%swap3A_96, %swap3A_97, %swap3A_98], %swap3A_101 {strides = array<i32>} : memref<8x128x768xf32, #tpu.memory_space<vmem>>, vector<1x128x768xf32>,
    %get3A_102 = arith.constant 5 : index
    %get3A_103 = arith.constant 0 : index
    %get3A_104 = arith.constant 0 : index
    %get3A_105 = vector.load %arg3[%get3A_102, %get3A_103, %get3A_104] : memref<8x128x8xf32, #tpu.memory_space<vmem>>, vector<1x128x8xf32>
    %get3A_106 = vector.shape_cast %get3A_105 : vector<1x128x8xf32> to vector<128x8xf32>
    %dot_general3A_107 = arith.constant dense<0.000000e+00> : vector<128x768xf32>
    %dot_general3A_108 = tpu.matmul %get3A_106, %get3A_1, %dot_general3A_107 {dimension_numbers = #tpu.dot_dimension_numbers<[1], [0], [0], [1], [0, 0, 1, 1], [], []>, transpose_lhs_hint = false} : vector<128x8xf32>, vector<8x768xf32>, vector<128x768xf32> -> vector<128x768xf32>
    %get3A_109 = arith.constant 5 : index
    %get3A_110 = arith.constant 0 : index
    %get3A_111 = arith.constant 0 : index
    %get3A_112 = vector.load %arg2[%get3A_109, %get3A_110, %get3A_111] : memref<8x128x768xf32, #tpu.memory_space<vmem>>, vector<1x128x768xf32>
    %get3A_113 = vector.shape_cast %get3A_112 : vector<1x128x768xf32> to vector<128x768xf32>
    %add3A_114 = arith.addf %get3A_113, %dot_general3A_108 : vector<128x768xf32>
    %add3A_115 = arith.addf %add3A_114, %get3A_4 : vector<128x768xf32>
    %swap3A_116 = arith.constant 5 : index
    %swap3A_117 = arith.constant 0 : index
    %swap3A_118 = arith.constant 0 : index
    %swap3A_119 = vector.load %arg6[%swap3A_116, %swap3A_117, %swap3A_118] : memref<8x128x768xf32, #tpu.memory_space<vmem>>, vector<1x128x768xf32>
    %swap3A_120 = vector.shape_cast %swap3A_119 : vector<1x128x768xf32> to vector<128x768xf32>
    %swap3A_121 = vector.shape_cast %add3A_115 : vector<128x768xf32> to vector<1x128x768xf32>
    tpu.vector_store %arg6[%swap3A_116, %swap3A_117, %swap3A_118], %swap3A_121 {strides = array<i32>} : memref<8x128x768xf32, #tpu.memory_space<vmem>>, vector<1x128x768xf32>,
    %get3A_122 = arith.constant 6 : index
    %get3A_123 = arith.constant 0 : index
    %get3A_124 = arith.constant 0 : index
    %get3A_125 = vector.load %arg3[%get3A_122, %get3A_123, %get3A_124] : memref<8x128x8xf32, #tpu.memory_space<vmem>>, vector<1x128x8xf32>
    %get3A_126 = vector.shape_cast %get3A_125 : vector<1x128x8xf32> to vector<128x8xf32>
    %dot_general3A_127 = arith.constant dense<0.000000e+00> : vector<128x768xf32>
    %dot_general3A_128 = tpu.matmul %get3A_126, %get3A_1, %dot_general3A_127 {dimension_numbers = #tpu.dot_dimension_numbers<[1], [0], [0], [1], [0, 0, 1, 1], [], []>, transpose_lhs_hint = false} : vector<128x8xf32>, vector<8x768xf32>, vector<128x768xf32> -> vector<128x768xf32>
    %get3A_129 = arith.constant 6 : index
    %get3A_130 = arith.constant 0 : index
    %get3A_131 = arith.constant 0 : index
    %get3A_132 = vector.load %arg2[%get3A_129, %get3A_130, %get3A_131] : memref<8x128x768xf32, #tpu.memory_space<vmem>>, vector<1x128x768xf32>
    %get3A_133 = vector.shape_cast %get3A_132 : vector<1x128x768xf32> to vector<128x768xf32>
    %add3A_134 = arith.addf %get3A_133, %dot_general3A_128 : vector<128x768xf32>
    %add3A_135 = arith.addf %add3A_134, %get3A_4 : vector<128x768xf32>
    %swap3A_136 = arith.constant 6 : index
    %swap3A_137 = arith.constant 0 : index
    %swap3A_138 = arith.constant 0 : index
    %swap3A_139 = vector.load %arg6[%swap3A_136, %swap3A_137, %swap3A_138] : memref<8x128x768xf32, #tpu.memory_space<vmem>>, vector<1x128x768xf32>
    %swap3A_140 = vector.shape_cast %swap3A_139 : vector<1x128x768xf32> to vector<128x768xf32>
    %swap3A_141 = vector.shape_cast %add3A_135 : vector<128x768xf32> to vector<1x128x768xf32>
    tpu.vector_store %arg6[%swap3A_136, %swap3A_137, %swap3A_138], %swap3A_141 {strides = array<i32>} : memref<8x128x768xf32, #tpu.memory_space<vmem>>, vector<1x128x768xf32>,
    %get3A_142 = arith.constant 7 : index
    %get3A_143 = arith.constant 0 : index
    %get3A_144 = arith.constant 0 : index
    %get3A_145 = vector.load %arg3[%get3A_142, %get3A_143, %get3A_144] : memref<8x128x8xf32, #tpu.memory_space<vmem>>, vector<1x128x8xf32>
    %get3A_146 = vector.shape_cast %get3A_145 : vector<1x128x8xf32> to vector<128x8xf32>
    %dot_general3A_147 = arith.constant dense<0.000000e+00> : vector<128x768xf32>
    %dot_general3A_148 = tpu.matmul %get3A_146, %get3A_1, %dot_general3A_147 {dimension_numbers = #tpu.dot_dimension_numbers<[1], [0], [0], [1], [0, 0, 1, 1], [], []>, transpose_lhs_hint = false} : vector<128x8xf32>, vector<8x768xf32>, vector<128x768xf32> -> vector<128x768xf32>
    %get3A_149 = arith.constant 7 : index
    %get3A_150 = arith.constant 0 : index
    %get3A_151 = arith.constant 0 : index
    %get3A_152 = vector.load %arg2[%get3A_149, %get3A_150, %get3A_151] : memref<8x128x768xf32, #tpu.memory_space<vmem>>, vector<1x128x768xf32>
    %get3A_153 = vector.shape_cast %get3A_152 : vector<1x128x768xf32> to vector<128x768xf32>
    %add3A_154 = arith.addf %get3A_153, %dot_general3A_148 : vector<128x768xf32>
    %add3A_155 = arith.addf %add3A_154, %get3A_4 : vector<128x768xf32>
    %swap3A_156 = arith.constant 7 : index
    %swap3A_157 = arith.constant 0 : index
    %swap3A_158 = arith.constant 0 : index
    %swap3A_159 = vector.load %arg6[%swap3A_156, %swap3A_157, %swap3A_158] : memref<8x128x768xf32, #tpu.memory_space<vmem>>, vector<1x128x768xf32>
    %swap3A_160 = vector.shape_cast %swap3A_159 : vector<1x128x768xf32> to vector<128x768xf32>
    %swap3A_161 = vector.shape_cast %add3A_155 : vector<128x768xf32> to vector<1x128x768xf32>
    tpu.vector_store %arg6[%swap3A_156, %swap3A_157, %swap3A_158], %swap3A_161 {strides = array<i32>} : memref<8x128x768xf32, #tpu.memory_space<vmem>>, vector<1x128x768xf32>,
    return
  }
  func.func @transform_1(%arg0: i32) -> (i32, i32, i32) {
    %c0_i32 = arith.constant 0 : i32
    %c0_i32_0 = arith.constant 0 : i32
    %c0_i32_1 = arith.constant 0 : i32
    return %arg0, %c0_i32, %c0_i32_0 : i32, i32, i32
  }
  func.func @transform_2(%arg0: i32) -> (i32, i32, i32) {
    %c0_i32 = arith.constant 0 : i32
    %c0_i32_0 = arith.constant 0 : i32
    %c0_i32_1 = arith.constant 0 : i32
    return %arg0, %c0_i32, %c0_i32_0 : i32, i32, i32
  }
  func.func @transform_3(%arg0: i32) -> (i32, i32) {
    %c0_i32 = arith.constant 0 : i32
    %c0_i32_0 = arith.constant 0 : i32
    %c0_i32_1 = arith.constant 0 : i32
    return %c0_i32, %c0_i32_0 : i32, i32
  }
  func.func @transform_4(%arg0: i32) -> (i32, i32) {
    %c0_i32 = arith.constant 0 : i32
    %c0_i32_0 = arith.constant 0 : i32
    %c0_i32_1 = arith.constant 0 : i32
    return %c0_i32, %c0_i32_0 : i32, i32
  }
  func.func @transform_5(%arg0: i32) -> (i32, i32, i32) {
    %add3A = arith.constant 16 : i32
    %add3A_0 = arith.addi %arg0, %add3A : i32
    %c0_i32 = arith.constant 0 : i32
    %c0_i32_1 = arith.constant 0 : i32
    %c0_i32_2 = arith.constant 0 : i32
    return %add3A_0, %c0_i32, %c0_i32_1 : i32, i32, i32
  }
}

</mosaic_0001>

<sc_bundles>
// kernel: kernel.12.cloned.1.call-start
scs
__scs_entry_jumppad:
0x0: {  	(pc) =	sbr.rel $0x88, $3  }
0x1: {  	(tag) =	ssettag $0x0;
	lr =	simm.s32 $0x1  }
0x2: {  	[smem:$0x3F9C] =	sst lr;
	_ =	strace $0xD0000000  }
0x3: {  	_ = 	snop  }
0x4: {  	_ = 	snop  }
0x5: {  	_ = 	snop  }
0x6: {  	_ = 	snop  }
0x7: {  	_ = 	snop  }
__scs_overlays_trampoline_lowered:
0x8: {  	[smem:$0x3FAB] =	sst s0  }
0x9: {  	[smem:$0x3FAC] =	sst s1  }
0xa: {  	[smem:$0x3FAD] =	sst s2  }
0xb: {  	[smem:$0x3FAE] =	sst s3  }
0xc: {  	[smem:$0x3FAF] =	sst s4  }
0xd: {  	[smem:$0x3FB0] =	sst s5  }
0xe: {  	[smem:$0x3FB1] =	sst s6  }
0xf: {  	[smem:$0x3FB2] =	sst s7  }
0x10: {  	[smem:$0x3FB3] =	sst s8  }
0x11: {  	[smem:$0x3FB4] =	sst s9;
	s0 =	simm.s32 @!p0 $0x0  }
0x12: {  	s1 =	sld [smem:$0x3F9A];
	s0 =	simm.s32 @p0 $0x1  }
0x13: {  	[smem:$0x3FB5] =	sst s0;
	s0 =	simm.s32 @!p1 $0x0  }
0x14: {  	s2 =	sld [smem:$0x3F99];
	s0 =	simm.s32 @p1 $0x1  }
0x15: {  	[smem:$0x3FB6] =	sst s0;
	s0 =	simm.s32 @!p2 $0x0  }
0x16: {  	s3 =	sld [smem:$0x3FDB];
	s0 =	simm.s32 @p2 $0x1  }
0x17: {  	s4 =	simm.s32 $0x1BF5;
	[smem:$0x3FB8] =	sst s0  }
0x18: {  	s0 =	sld [smem:$0x3F9B];
	_ =	swait.ge [sflag:s4], $0x0  }
0x19: {  	s7 =	sld [smem:$0x3F9C]  }
0x1a: {  	s8 =	sadd.s32 $0xFFFFE003, lr  }
0x1b: {  	s9 =	sadd.s32 $0xFFFFFEF7, lr;
	s5 =	simm.s32 $0xFFFFFFFF;
	p2 =	slt.u32 s8, $0xFFFFF086  }
0x1c: {  	p1 =	slt.u32 s9, $0xF7A;
	s5 =	simm.s32 @!p2 $0x0  }
0x1d: {  	s5 =	simm.s32 @p1 $0x1;
	p0 =	seq.s32 s7, s2  }
0x1e: {  	s7 =	smul.u32 @!p0 $0xF7A, s2;
	p2 =	seq.s32 @!p0 s5, $0x0  }
0x1f: {  	s9 =	smul.u32 $0xF7A, s1;
	s8 =	simm.s32 @!p0 $0x1BF5;
	p2 =	por !p2, p0  }
0x20: {  	[sflag:s8] =	ssyncset.s32 @!p0 $0xFFFFF086;
	s6 =	sadd.s32 @!p0 s3, s7;
	s7 =	simm.s32 @!p0 $0x108  }
0x21: {  	s3 =	sadd.s32 s3, s9;
	s6 =	sadd.s32 @!p0 $0x88, s6;
	s7 =	simm.s32 @p2 $0x1082  }
0x22: {  	[simem:s7], [sflag:s8] =	dma.local @!p0 [hbm:s6], $0xF7A  }
0x23: {  	s9 =	sor.u32 $0xD0000000, s2;
	s6 =	simm.s32 $0x108;
	_ =	swait.ge @!p0 [sflag:s8], $0x0  }
0x24: {  	s3 =	sadd.s32 $0x88, s3;
	s6 =	simm.s32 @!p1 $0x1082;
	[sflag:s4] =	ssyncset.s32 $0xFFFFF086  }
0x25: {  	[simem:s6], [sflag:s4] =	dma.local [hbm:s3], $0xF7A  }
0x26: {  	[smem:$0x3F9C] =	sst s1;
	(tag) =	ssettag s2;
	_ =	strace s9  }
0x27: {  	s1 =	sld [smem:$0x3FAC]  }
0x28: {  	s2 =	sld [smem:$0x3FAD]  }
0x29: {  	s4 =	sld [smem:$0x3FAF]  }
0x2a: {  	p0 =	seq.s32 s5, $0x0;
	s5 =	sld [smem:$0x3FB0]  }
0x2b: {  	s6 =	sld [smem:$0x3FB1]  }
0x2c: {  	s7 =	sld [smem:$0x3FB2]  }
0x2d: {  	s3 =	simm.s32 $0x108;
	s8 =	sld [smem:$0x3FB3]  }
0x2e: {  	s3 =	simm.s32 @!p0 $0x1082;
	s9 =	sld [smem:$0x3FB4]  }
0x2f: {  	lr =	sadd.s32 s0, s3;
	s0 =	sld [smem:$0x3FAB]  }
0x30: {  	s3 =	sld [smem:$0x3FAE]  }
0x31: {  	[smem:$0x3FB7] =	sst s10  }
0x32: {  	s10 =	sld [smem:$0x3FB5];
	_ =	sdelay $0x3  }
0x33: {  	p0 =	seq.s32 s10, $0x1;
	s10 =	sld [smem:$0x3FB7];
	_ =	sdelay $0x3  }
0x34: {  	[smem:$0x3FB7] =	sst s10  }
0x35: {  	s10 =	sld [smem:$0x3FB6];
	_ =	sdelay $0x3  }
0x36: {  	p1 =	seq.s32 s10, $0x1;
	s10 =	sld [smem:$0x3FB7];
	_ =	sdelay $0x3  }
0x37: {  	[smem:$0x3FB7] =	sst s10  }
0x38: {  	s10 =	sld [smem:$0x3FB8]  }
0x39: {  	_ = 	snop;
	(pc) =	sbr.ind lr, $3  }
0x3a: {  	_ = 	snop  }
0x3b: {  	_ = 	snop  }
0x3c: {  	p2 =	seq.s32 s10, $0x1;
	s10 =	sld [smem:$0x3FB7]  }
0x3d: {  	_ =	shalt  }
0x3e: {  	_ =	shalt  }
0x3f: {  	_ =	shalt  }
0x40: {  	_ =	shalt  }
0x41: {  	_ =	shalt  }
0x42: {  	_ =	shalt  }
0x43: {  	_ =	shalt  }
0x44: {  	_ =	shalt  }
0x45: {  	_ =	shalt  }
0x46: {  	_ =	shalt  }
0x47: {  	_ =	shalt  }
0x48: {  	_ =	shalt  }
0x49: {  	_ =	shalt  }
0x4a: {  	_ =	shalt  }
0x4b: {  	_ =	shalt  }
0x4c: {  	_ =	shalt  }
0x4d: {  	_ =	shalt  }
0x4e: {  	_ =	shalt  }
0x4f: {  	_ =	shalt  }
0x50: {  	_ =	shalt  }
0x51: {  	_ =	shalt  }
0x52: {  	_ =	shalt  }
0x53: {  	_ =	shalt  }
0x54: {  	_ =	shalt  }
0x55: {  	_ =	shalt  }
0x56: {  	_ =	shalt  }
0x57: {  	_ =	shalt  }
0x58: {  	_ =	shalt  }
0x59: {  	_ =	shalt  }
0x5a: {  	_ =	shalt  }
0x5b: {  	_ =	shalt  }
0x5c: {  	_ =	shalt  }
0x5d: {  	_ =	shalt  }
0x5e: {  	_ =	shalt  }
0x5f: {  	_ =	shalt  }
0x60: {  	_ =	shalt  }
0x61: {  	_ =	shalt  }
0x62: {  	_ =	shalt  }
0x63: {  	_ =	shalt  }
0x64: {  	_ =	shalt  }
0x65: {  	_ =	shalt  }
0x66: {  	_ =	shalt  }
0x67: {  	_ =	shalt  }
0x68: {  	_ =	shalt  }
0x69: {  	_ =	shalt  }
0x6a: {  	_ =	shalt  }
0x6b: {  	_ =	shalt  }
0x6c: {  	_ =	shalt  }
0x6d: {  	_ =	shalt  }
0x6e: {  	_ =	shalt  }
0x6f: {  	_ =	shalt  }
0x70: {  	_ =	shalt  }
0x71: {  	_ =	shalt  }
0x72: {  	_ =	shalt  }
0x73: {  	_ =	shalt  }
0x74: {  	_ =	shalt  }
0x75: {  	_ =	shalt  }
0x76: {  	_ =	shalt  }
0x77: {  	_ =	shalt  }
0x78: {  	_ =	shalt  }
0x79: {  	_ =	shalt  }
0x7a: {  	_ =	shalt  }
0x7b: {  	_ =	shalt  }
0x7c: {  	_ =	shalt  }
0x7d: {  	_ =	shalt  }
0x7e: {  	_ =	shalt  }
0x7f: {  	_ =	shalt  }
0x80: {  	_ =	shalt  }
0x81: {  	_ =	shalt  }
0x82: {  	_ =	shalt  }
0x83: {  	_ =	shalt  }
0x84: {  	_ =	shalt  }
0x85: {  	_ =	shalt  }
0x86: {  	_ =	shalt  }
0x87: {  	_ =	shalt  }
.Lfunc_end0:
.L_simem_size_0:
called_computation.1_lowered:
.L_overlay_start_0:
0x88: {  	s2 =	sld [smem:$0x3FD9]  }
0x89: {  	s3 =	sld [smem:$0x3FFE];
	_ =	sdelay $0x1  }
0x8a: {  	s1 =	srdreg.scid  }
0x8b: {  	s0 =	sand.u32 $0x1, s1  }
0x8c: {  	s17 =	sshll.u32 s0, $0xA;
	s2 =	sadd.s32 s3, s2  }
0x8d: {  	s2 =	sadd.s32 s2, s17  }
0x8e: {  	[smem:$0x3FC3] =	sst s2  }
0x8f: {  	_ = 	snop  }
0x90: {  	s18 =	sld [smem:$0x3FC7];
	(tm) =	ssettm $0x1  }
0x91: {  	s19 =	sld [smem:$0x3FFB];
	_ =	sdelay $0x3  }
0x92: {  	_ =	strace s19  }
0x93: {  	s2 =	sld [smem:$0x3FFC];
	_ =	sdelay $0x3  }
0x94: {  	_ =	strace s2  }
0x95: {  	s2 =	sld [smem:$0x3FFD];
	_ =	sdelay $0x3  }
0x96: {  	_ =	strace s2  }
0x97: {  	_ =	strace $0x8FFFFFFF  }
0x98: {  	s20 =	sld [smem:$0x3FDB];
	_ =	sdelay $0x1  }
0x99: {  	s4 =	simm.s32 $_scs_section_size  }
0x9a: {  	s5 =	simm.s32 $_size__tile_overlayer_lowered;
	s6 =	simm.s32 $_tile_overlayer_lowered  }
0x9b: {  	s7 =	simm.s32 $0x1BFF;
	s21 =	sshll.u32 s6, $0x1;
	s4 =	sadd.s32 s4, s20  }
0x9c: {  	s22 =	simm.s32 $0x0;
	s5 =	sshll.u32 s5, $0x1;
	s6 =	sadd.s32 s21, s4  }
0x9d: {  	[timem:s22], [sflag:s7] =	dma.local [hbm:s6], s5  }
0x9e: {  	_ =	swait.ge [sflag:s7], s5  }
0x9f: {  	s5 =	ssub.s32 $0x0, s5;
	[sflag:s7] =	ssyncset.done $0x0  }
0xa0: {  	[sflag:s7] =	ssyncadd.s32 s5;
	_ =	sdelay $0x1  }
0xa1: {  	s23 =	simm.s32 $0x1B8B  }
0xa2: {  	_ =	swait.ge [sflag:s23], $0x1  }
0xa3: {  	[sflag:s23] =	ssyncset.done $0x0  }
0xa4: {  	[sflag:s23] =	ssyncadd.s32 $0xFFFFFFFF  }
0xa5: {  	s5 =	sld [smem:$0x0]  }
0xa6: {  	s6 =	sand.u32 $0xFFFFFFFE, s1  }
0xa7: {  	p0 =	sne.s32 s1, s6  }
0xa8: {  	s6 =	sshll.u32 @p0 s6, $0xE  }
0xa9: {  	s6 =	sadd.s32 @p0 $0x11B8D, s6;
	s7 =	sshll.u32 @p0 s5, $0x11  }
0xaa: {  	s6 =	sor.u32 @p0 s7, s6  }
0xab: {  	[sflag:s6] =	ssyncadd.remote.s32 @p0 $0x1;
	_ =	sdelay $0x1  }
0xac: {  	s6 =	simm.s32 @p0 $0x1B8D  }
0xad: {  	_ =	swait.eq @p0 [sflag:s6], $0x1  }
0xae: {  	[sflag:s6] =	ssyncadd.s32 @p0 $0xFFFFFFFF  }
0xaf: {  	s7 =	sshll.u32 @!p0 s1, $0xE  }
0xb0: {  	s7 =	sor.u32 @!p0 $0x4000, s7;
	s6 =	simm.s32 @!p0 $0x1B8D  }
0xb1: {  	s5 =	sshll.u32 @!p0 s5, $0x11;
	s7 =	sadd.s32 @!p0 $0x11B8D, s7;
	_ =	swait.eq @!p0 [sflag:s6], $0x1  }
0xb2: {  	s5 =	sor.u32 @!p0 s5, s7;
	[sflag:s6] =	ssyncadd.s32 @!p0 $0xFFFFFFFF  }
0xb3: {  	s25 =	simm.s32 $0x1B8E;
	s24 =	sld [smem:$0x3FFE];
	[sflag:s5] =	ssyncadd.remote.s32 @!p0 $0x1  }
0xb4: {  	s26 =	simm.s32 $execute0_lowered;
	[smem:$0x3FD2] =	sst s25  }
0xb5: {  	s6 =	sshll.u32 s26, $0x1;
	_ =	strace $0x80000049;
	[dreg:$0x1] =	wrdreg $0xFFFFFFFF  }
0xb6: {  	s28 =	simm.s32 $_size_execute0_lowered;
	s4 =	sadd.s32 s4, s6;
	[dreg:$0x0] =	wrdreg $0x0  }
0xb7: {  	s6 =	sshll.u32 s28, $0x1;
	[dreg:$0x2] =	wrdreg s4  }
0xb8: {  	[dreg:$0x3] =	wrdreg s6  }
0xb9: {  	[dreg:$0x4] =	wrdreg $0xC0  }
0xba: {  	_ =	task [dreg:s22], $0x5FFFF  }
0xbb: {  	[dreg:$0x1] =	wrdreg $0xFFFFFFFF  }
0xbc: {  	[dreg:$0x0] =	wrdreg $0x60  }
0xbd: {  	[dreg:$0x2] =	wrdreg s18  }
0xbe: {  	[dreg:$0x3] =	wrdreg s24  }
0xbf: {  	[dreg:$0x4] =	wrdreg $0xA  }
0xc0: {  	_ =	task.clear_ibuf [dreg:s22], $0x5FFFF;
	_ =	strace $0x90000049  }
0xc1: {  	s29 =	simm.s32 $0xA;
	_ =	strace $0x8000004B  }
0xc2: {  	_ =	swait.ge [sflag:s29], $0x1  }
0xc3: {  	[sflag:s29] =	ssyncadd.s32 $0xFFFFFFFF  }
0xc4: {  	_ =	strace $0x9000004B  }
0xc5: {  	_ =	sfence  }
0xc6: {  	s30 =	sld [smem:$0x0];
	_ =	sdelay $0x2  }
0xc7: {  	s31 =	sshll.u32 s1, $0xD;
	s1 =	sshrl.u32 s1, $0x2  }
0xc8: {  	s4 =	sand.u32 $0x4000, s31;
	s1 =	sadd.s32 s1, s30  }
0xc9: {  	s0 =	sor.u32 s4, s0;
	s1 =	sshll.u32 s1, $0x11  }
0xca: {  	s0 =	sor.u32 s1, s0  }
0xcb: {  	s0 =	sadd.s32 $0x8F2B, s0  }
0xcc: {  	[sflag:s0] =	ssyncadd.remote.s32 $0x1  }
0xcd: {  	_ =	sfence.sel $0xFFFF  }
0xce: {  	[dreg:$0x0] =	wrdreg $0xFFFFFFFF;
	(pc) =	sbr.abs _section_cstart, $3  }
0xcf: {  	[dreg:$0x1] =	wrdreg $0xFFFFFFFF  }
0xd0: {  	_ =	task.clear_ibuf [dreg:s22], $0x2FFFF;
	_ =	strace $0x9FFFFFFF  }
0xd1: {  	(tm) =	ssettm $0x7FFFFFFF  }
tec
execute0_lowered:
.L_overlay_start_1:
0x0: {  	(tag) =	ssettag $0x1  }
0x1: {  	s0 =	srdreg.scid;
	s2 =	rddreg [dreg:$0x0]  }
0x2: {  	s3 =	stileid.u32;
	s1 =	rddreg [dreg:$0x1];
	s19 =	simm.s32 $0x200  }
0x3: {  	s8 =	simm.s32 $0xC200;
	s10 =	simm.s32 $0x2;
	s0 =	sand.u32 $0x1, s0  }
0x4: {  	s11 =	simm.s32 $0x3;
	s4 =	sshll.u32 s3, $0x7;
	s5 =	sshll.u32 s0, $0x6  }
0x5: {  	s12 =	simm.s32 $0x4;
	s3 =	simm.s32 $0x0;
	s4 =	sor.u32 s5, s4  }
0x6: {  	[smem:$0x7FF] =	sst s3;
	s5 =	smul.u32 $0x300, s4;
	s6 =	sadd.s32 s4, s1  }
0x7: {  	s1 =	sadd.s32 $0x181000, s1;
	s4 =	smul.u32 $0x1800, s4;
	s6 =	sadd.s32 $0x180800, s6  }
0x8: {  	_ =	strace $0x8000004A;
	s7 =	sadd.s32 s1, s5;
	[dreg:$0x3] =	wrdreg s6  }
0x9: {  	s4 =	sshrl.u32 s4, $0x3;
	s5 =	sadd.s32 $0x1800, s7;
	[dreg:$0xb] =	wrdreg s7  }
0xa: {  	s26 =	sadd.s32 $0x3000, s7;
	s1 =	sadd.s32 s1, s4;
	[dreg:$0x4] =	wrdreg s5  }
0xb: {  	s0 =	ssub.s32 $0x2, s0;
	[dreg:$0x5] =	wrdreg s26;
	s4 =	sadd.s32 $0x4800, s1  }
0xc: {  	s30 =	sshrl.u32 s0, $0x1;
	s28 =	sadd.s32 $0x6000, s1;
	[dreg:$0x6] =	wrdreg s4  }
0xd: {  	s0 =	ssub.s32 s0, s30;
	s29 =	sadd.s32 $0x7800, s1;
	[dreg:$0x7] =	wrdreg s28  }
0xe: {  	v2 =	vlaneseq.u32;
	s6 =	sadd.s32 $0x200, s2;
	s31 =	sadd.s32 $0x9000, s1;
	[dreg:$0x8] =	wrdreg s29  }
0xf: {  	vm0 =	vmmov $0xffff;
	v1 =	vshrl.u32 v2, $0x3;
	s7 =	smax.u32 s0, $0x1;
	s1 =	sadd.s32 $0xA800, s1;
	[dreg:$0x9] =	wrdreg s31  }
0x10: {  	v0 =	vand.u32 $0x7, v2;
	v2 =	vor.u32 $0x8, v2;
	v1 =	vmul.u32 $0x8, v1;
	s5 =	sadd.s32 $0x100, s2;
	[dreg:$0xa] =	wrdreg s1;
	s4 =	simm.s32 $0x1  }
.LBB2_1:
0x11: {  	s13 =	rddreg [dreg:$0x3];
	s0 =	simm.s32 $0x5  }
0x12: {  	[tilespmem:s3], [sflag:$0x5] =	stream.linear.gather [hbm4b:s13+s3], $0x200, $0x38;
	[tilespmem:$0x18200] =	vst v63  }
0x13: {  	_ =	swait.ge [sflag:s0], $0x200  }
0x14: {  	[sflag:s0] =	ssyncset.done $0x0  }
0x15: {  	[sflag:s0] =	ssyncadd.s32 $0xFFFFFE00  }
0x16: {  	v3 =	vld [tilespmem:$0x0];
	_ =	sdelay $0x4  }
0x17: {  	v4 =	vshrl.u32 v3, $0x3  }
0x18: {  	v4 =	vmul.u32 $0x30, v4  }
0x19: {  	v3 =	vand.u32 $0x7, v3  }
0x1a: {  	v3 =	vor.u32 v3, v4  }
0x1b: {  	v4 =	vperm.xlane v3, v0;
	_ =	sdelay $0x1  }
0x1c: {  	v4 =	vadd.s32 v1, v4;
	_ =	sdelay $0x3  }
0x1d: {  	v3 =	vperm.xlane v3, v2  }
0x1e: {  	[tilespmem:s19], [sflag:$0x1] =	stream.indirect_vreg.gather [hbm4b:s2+s3], $0x80, v4, vm0, $0xb8;
	[tilespmem:$0x18200] =	vst v63  }
0x1f: {  	s0 =	simm.s32 $0xA00;
	v3 =	vadd.s32 v1, v3  }
0x20: {  	[tilespmem:s0], [sflag:$0x1] =	stream.indirect_vreg.gather [hbm4b:s5+s3], $0x80, v4, vm0, $0xb8;
	[tilespmem:$0x18200] =	vst v63  }
0x21: {  	s1 =	simm.s32 $0x1200  }
0x22: {  	[tilespmem:s1], [sflag:$0x1] =	stream.indirect_vreg.gather [hbm4b:s6+s3], $0x80, v4, vm0, $0xb8;
	[tilespmem:$0x18200] =	vst v63  }
0x23: {  	s9 =	simm.s32 $0x1A00  }
0x24: {  	[tilespmem:s9], [sflag:$0x1] =	stream.indirect_vreg.gather [hbm4b:s2+s3], $0x80, v3, vm0, $0xb8;
	[tilespmem:$0x18200] =	vst v63  }
0x25: {  	s13 =	simm.s32 $0x2200  }
0x26: {  	[tilespmem:s13], [sflag:$0x1] =	stream.indirect_vreg.gather [hbm4b:s5+s3], $0x80, v3, vm0, $0xb8;
	[tilespmem:$0x18200] =	vst v63  }
0x27: {  	s14 =	simm.s32 $0x2A00  }
0x28: {  	[tilespmem:s14], [sflag:$0x1] =	stream.indirect_vreg.gather [hbm4b:s6+s3], $0x80, v3, vm0, $0xb8;
	[tilespmem:$0x18200] =	vst v63  }
0x29: {  	v3 =	vld [tilespmem:$0x10];
	_ =	sdelay $0x4  }
0x2a: {  	v33 =	vshrl.u32 v3, $0x3  }
0x2b: {  	v4 =	vmul.u32 $0x30, v33  }
0x2c: {  	v3 =	vand.u32 $0x7, v3  }
0x2d: {  	v3 =	vor.u32 v3, v4  }
0x2e: {  	v4 =	vperm.xlane v3, v0;
	_ =	sdelay $0x1  }
0x2f: {  	v4 =	vadd.s32 v1, v4;
	_ =	sdelay $0x3  }
0x30: {  	s15 =	simm.s32 $0x3200;
	v3 =	vperm.xlane v3, v2  }
0x31: {  	[tilespmem:s15], [sflag:$0x1] =	stream.indirect_vreg.gather [hbm4b:s2+s3], $0x80, v4, vm0, $0xb8;
	[tilespmem:$0x18200] =	vst v63  }
0x32: {  	s16 =	simm.s32 $0x3A00;
	v3 =	vadd.s32 v1, v3  }
0x33: {  	[tilespmem:s16], [sflag:$0x1] =	stream.indirect_vreg.gather [hbm4b:s5+s3], $0x80, v4, vm0, $0xb8;
	[tilespmem:$0x18200] =	vst v63  }
0x34: {  	s17 =	simm.s32 $0x4200  }
0x35: {  	[tilespmem:s17], [sflag:$0x1] =	stream.indirect_vreg.gather [hbm4b:s6+s3], $0x80, v4, vm0, $0xb8;
	[tilespmem:$0x18200] =	vst v63  }
0x36: {  	s18 =	simm.s32 $0x4A00  }
0x37: {  	[tilespmem:s18], [sflag:$0x1] =	stream.indirect_vreg.gather [hbm4b:s2+s3], $0x80, v3, vm0, $0xb8;
	[tilespmem:$0x18200] =	vst v63  }
0x38: {  	s20 =	simm.s32 $0x5200  }
0x39: {  	[tilespmem:s20], [sflag:$0x1] =	stream.indirect_vreg.gather [hbm4b:s5+s3], $0x80, v3, vm0, $0xb8;
	[tilespmem:$0x18200] =	vst v63  }
0x3a: {  	s21 =	simm.s32 $0x5A00  }
0x3b: {  	[tilespmem:s21], [sflag:$0x1] =	stream.indirect_vreg.gather [hbm4b:s6+s3], $0x80, v3, vm0, $0xb8;
	[tilespmem:$0x18200] =	vst v63  }
0x3c: {  	v3 =	vld [tilespmem:$0x20];
	_ =	sdelay $0x4  }
0x3d: {  	v34 =	vshrl.u32 v3, $0x3  }
0x3e: {  	v4 =	vmul.u32 $0x30, v34  }
0x3f: {  	v3 =	vand.u32 $0x7, v3  }
0x40: {  	v3 =	vor.u32 v3, v4  }
0x41: {  	v4 =	vperm.xlane v3, v0;
	_ =	sdelay $0x1  }
0x42: {  	v4 =	vadd.s32 v1, v4;
	_ =	sdelay $0x3  }
0x43: {  	s22 =	simm.s32 $0x6200;
	v3 =	vperm.xlane v3, v2  }
0x44: {  	[tilespmem:s22], [sflag:$0x1] =	stream.indirect_vreg.gather [hbm4b:s2+s3], $0x80, v4, vm0, $0xb8;
	[tilespmem:$0x18200] =	vst v63  }
0x45: {  	s23 =	simm.s32 $0x6A00;
	v3 =	vadd.s32 v1, v3  }
0x46: {  	[tilespmem:s23], [sflag:$0x1] =	stream.indirect_vreg.gather [hbm4b:s5+s3], $0x80, v4, vm0, $0xb8;
	[tilespmem:$0x18200] =	vst v63  }
0x47: {  	s24 =	simm.s32 $0x7200  }
0x48: {  	[tilespmem:s24], [sflag:$0x1] =	stream.indirect_vreg.gather [hbm4b:s6+s3], $0x80, v4, vm0, $0xb8;
	[tilespmem:$0x18200] =	vst v63  }
0x49: {  	s25 =	simm.s32 $0x7A00  }
0x4a: {  	[tilespmem:s25], [sflag:$0x1] =	stream.indirect_vreg.gather [hbm4b:s2+s3], $0x80, v3, vm0, $0xb8;
	[tilespmem:$0x18200] =	vst v63  }
0x4b: {  	s28 =	simm.s32 $0x8200  }
0x4c: {  	[tilespmem:s28], [sflag:$0x1] =	stream.indirect_vreg.gather [hbm4b:s5+s3], $0x80, v3, vm0, $0xb8;
	[tilespmem:$0x18200] =	vst v63  }
0x4d: {  	s29 =	simm.s32 $0x8A00  }
0x4e: {  	[tilespmem:s29], [sflag:$0x1] =	stream.indirect_vreg.gather [hbm4b:s6+s3], $0x80, v3, vm0, $0xb8;
	[tilespmem:$0x18200] =	vst v63  }
0x4f: {  	v3 =	vld [tilespmem:$0x30];
	_ =	sdelay $0x4  }
0x50: {  	v35 =	vshrl.u32 v3, $0x3  }
0x51: {  	v4 =	vmul.u32 $0x30, v35  }
0x52: {  	v3 =	vand.u32 $0x7, v3  }
0x53: {  	v3 =	vor.u32 v3, v4  }
0x54: {  	v4 =	vperm.xlane v3, v0;
	_ =	sdelay $0x1  }
0x55: {  	v4 =	vadd.s32 v1, v4;
	_ =	sdelay $0x3  }
0x56: {  	s30 =	simm.s32 $0x9200;
	v3 =	vperm.xlane v3, v2  }
0x57: {  	[tilespmem:s30], [sflag:$0x1] =	stream.indirect_vreg.gather [hbm4b:s2+s3], $0x80, v4, vm0, $0xb8;
	[tilespmem:$0x18200] =	vst v63  }
0x58: {  	s1 =	simm.s32 $0x9A00;
	v3 =	vadd.s32 v1, v3  }
0x59: {  	[tilespmem:s1], [sflag:$0x1] =	stream.indirect_vreg.gather [hbm4b:s5+s3], $0x80, v4, vm0, $0xb8;
	[tilespmem:$0x18200] =	vst v63  }
0x5a: {  	s9 =	simm.s32 $0xA200  }
0x5b: {  	[tilespmem:s9], [sflag:$0x1] =	stream.indirect_vreg.gather [hbm4b:s6+s3], $0x80, v4, vm0, $0xb8;
	[tilespmem:$0x18200] =	vst v63  }
0x5c: {  	s13 =	simm.s32 $0xAA00  }
0x5d: {  	[tilespmem:s13], [sflag:$0x1] =	stream.indirect_vreg.gather [hbm4b:s2+s3], $0x80, v3, vm0, $0xb8;
	[tilespmem:$0x18200] =	vst v63  }
0x5e: {  	s17 =	simm.s32 $0xB200  }
0x5f: {  	[tilespmem:s17], [sflag:$0x1] =	stream.indirect_vreg.gather [hbm4b:s5+s3], $0x80, v3, vm0, $0xb8;
	[tilespmem:$0x18200] =	vst v63  }
0x60: {  	s18 =	simm.s32 $0xBA00  }
0x61: {  	[tilespmem:s18], [sflag:$0x1] =	stream.indirect_vreg.gather [hbm4b:s6+s3], $0x80, v3, vm0, $0xb8;
	[tilespmem:$0x18200] =	vst v63  }
0x62: {  	_ =	swait.ge [sflag:s4], $0xC000  }
0x63: {  	[sflag:s4] =	ssyncset.done $0x0  }
0x64: {  	s20 =	rddreg [dreg:$0xb];
	[sflag:s4] =	ssyncadd.s32 $0xFFFF4000  }
0x65: {  	[hbm4b:s20+s3] =	stream.linear.scatter [tilespmem:s19], [sflag:$0x3], $0xC000, $0x38;
	[tilespmem:$0x18200] =	vst v63  }
0x66: {  	v3 =	vld [tilespmem:$0x40];
	_ =	sdelay $0x4  }
0x67: {  	v36 =	vshrl.u32 v3, $0x3  }
0x68: {  	v4 =	vmul.u32 $0x30, v36  }
0x69: {  	v3 =	vand.u32 $0x7, v3  }
0x6a: {  	v3 =	vor.u32 v3, v4  }
0x6b: {  	v4 =	vperm.xlane v3, v0;
	_ =	sdelay $0x1  }
0x6c: {  	v4 =	vadd.s32 v1, v4;
	_ =	sdelay $0x3  }
0x6d: {  	v3 =	vperm.xlane v3, v2  }
0x6e: {  	[tilespmem:s8], [sflag:$0x2] =	stream.indirect_vreg.gather [hbm4b:s2+s3], $0x80, v4, vm0, $0xb8;
	[tilespmem:$0x18200] =	vst v63  }
0x6f: {  	s21 =	simm.s32 $0xCA00;
	v3 =	vadd.s32 v1, v3  }
0x70: {  	[tilespmem:s21], [sflag:$0x2] =	stream.indirect_vreg.gather [hbm4b:s5+s3], $0x80, v4, vm0, $0xb8;
	[tilespmem:$0x18200] =	vst v63  }
0x71: {  	s22 =	simm.s32 $0xD200  }
0x72: {  	[tilespmem:s22], [sflag:$0x2] =	stream.indirect_vreg.gather [hbm4b:s6+s3], $0x80, v4, vm0, $0xb8;
	[tilespmem:$0x18200] =	vst v63  }
0x73: {  	s23 =	simm.s32 $0xDA00  }
0x74: {  	[tilespmem:s23], [sflag:$0x2] =	stream.indirect_vreg.gather [hbm4b:s2+s3], $0x80, v3, vm0, $0xb8;
	[tilespmem:$0x18200] =	vst v63  }
0x75: {  	s24 =	simm.s32 $0xE200  }
0x76: {  	[tilespmem:s24], [sflag:$0x2] =	stream.indirect_vreg.gather [hbm4b:s5+s3], $0x80, v3, vm0, $0xb8;
	[tilespmem:$0x18200] =	vst v63  }
0x77: {  	s25 =	simm.s32 $0xEA00  }
0x78: {  	[tilespmem:s25], [sflag:$0x2] =	stream.indirect_vreg.gather [hbm4b:s6+s3], $0x80, v3, vm0, $0xb8;
	[tilespmem:$0x18200] =	vst v63  }
0x79: {  	v3 =	vld [tilespmem:$0x50];
	_ =	sdelay $0x4  }
0x7a: {  	v37 =	vshrl.u32 v3, $0x3  }
0x7b: {  	v4 =	vmul.u32 $0x30, v37  }
0x7c: {  	v3 =	vand.u32 $0x7, v3  }
0x7d: {  	v3 =	vor.u32 v3, v4  }
0x7e: {  	v4 =	vperm.xlane v3, v0;
	_ =	sdelay $0x1  }
0x7f: {  	v4 =	vadd.s32 v1, v4;
	_ =	sdelay $0x3  }
0x80: {  	s28 =	simm.s32 $0xF200;
	v3 =	vperm.xlane v3, v2  }
0x81: {  	[tilespmem:s28], [sflag:$0x2] =	stream.indirect_vreg.gather [hbm4b:s2+s3], $0x80, v4, vm0, $0xb8;
	[tilespmem:$0x18200] =	vst v63  }
0x82: {  	s29 =	simm.s32 $0xFA00;
	v3 =	vadd.s32 v1, v3  }
0x83: {  	[tilespmem:s29], [sflag:$0x2] =	stream.indirect_vreg.gather [hbm4b:s5+s3], $0x80, v4, vm0, $0xb8;
	[tilespmem:$0x18200] =	vst v63  }
0x84: {  	s30 =	simm.s32 $0x10200  }
0x85: {  	[tilespmem:s30], [sflag:$0x2] =	stream.indirect_vreg.gather [hbm4b:s6+s3], $0x80, v4, vm0, $0xb8;
	[tilespmem:$0x18200] =	vst v63  }
0x86: {  	s0 =	simm.s32 $0x10A00  }
0x87: {  	[tilespmem:s0], [sflag:$0x2] =	stream.indirect_vreg.gather [hbm4b:s2+s3], $0x80, v3, vm0, $0xb8;
	[tilespmem:$0x18200] =	vst v63  }
0x88: {  	s1 =	simm.s32 $0x11200  }
0x89: {  	[tilespmem:s1], [sflag:$0x2] =	stream.indirect_vreg.gather [hbm4b:s5+s3], $0x80, v3, vm0, $0xb8;
	[tilespmem:$0x18200] =	vst v63  }
0x8a: {  	s9 =	simm.s32 $0x11A00  }
0x8b: {  	[tilespmem:s9], [sflag:$0x2] =	stream.indirect_vreg.gather [hbm4b:s6+s3], $0x80, v3, vm0, $0xb8;
	[tilespmem:$0x18200] =	vst v63  }
0x8c: {  	v3 =	vld [tilespmem:$0x60];
	_ =	sdelay $0x4  }
0x8d: {  	v38 =	vshrl.u32 v3, $0x3  }
0x8e: {  	v4 =	vmul.u32 $0x30, v38  }
0x8f: {  	v3 =	vand.u32 $0x7, v3  }
0x90: {  	v3 =	vor.u32 v3, v4  }
0x91: {  	v4 =	vperm.xlane v3, v0;
	_ =	sdelay $0x1  }
0x92: {  	v4 =	vadd.s32 v1, v4;
	_ =	sdelay $0x3  }
0x93: {  	s17 =	simm.s32 $0x12200;
	v3 =	vperm.xlane v3, v2  }
0x94: {  	[tilespmem:s17], [sflag:$0x2] =	stream.indirect_vreg.gather [hbm4b:s2+s3], $0x80, v4, vm0, $0xb8;
	[tilespmem:$0x18200] =	vst v63  }
0x95: {  	s21 =	simm.s32 $0x12A00;
	v3 =	vadd.s32 v1, v3  }
0x96: {  	[tilespmem:s21], [sflag:$0x2] =	stream.indirect_vreg.gather [hbm4b:s5+s3], $0x80, v4, vm0, $0xb8;
	[tilespmem:$0x18200] =	vst v63  }
0x97: {  	s22 =	simm.s32 $0x13200  }
0x98: {  	[tilespmem:s22], [sflag:$0x2] =	stream.indirect_vreg.gather [hbm4b:s6+s3], $0x80, v4, vm0, $0xb8;
	[tilespmem:$0x18200] =	vst v63  }
0x99: {  	s23 =	simm.s32 $0x13A00  }
0x9a: {  	[tilespmem:s23], [sflag:$0x2] =	stream.indirect_vreg.gather [hbm4b:s2+s3], $0x80, v3, vm0, $0xb8;
	[tilespmem:$0x18200] =	vst v63  }
0x9b: {  	s24 =	simm.s32 $0x14200  }
0x9c: {  	[tilespmem:s24], [sflag:$0x2] =	stream.indirect_vreg.gather [hbm4b:s5+s3], $0x80, v3, vm0, $0xb8;
	[tilespmem:$0x18200] =	vst v63  }
0x9d: {  	s25 =	simm.s32 $0x14A00  }
0x9e: {  	[tilespmem:s25], [sflag:$0x2] =	stream.indirect_vreg.gather [hbm4b:s6+s3], $0x80, v3, vm0, $0xb8;
	[tilespmem:$0x18200] =	vst v63  }
0x9f: {  	v3 =	vld [tilespmem:$0x70];
	_ =	sdelay $0x4  }
0xa0: {  	v39 =	vshrl.u32 v3, $0x3  }
0xa1: {  	v4 =	vmul.u32 $0x30, v39  }
0xa2: {  	v3 =	vand.u32 $0x7, v3  }
0xa3: {  	v3 =	vor.u32 v3, v4  }
0xa4: {  	v4 =	vperm.xlane v3, v0;
	_ =	sdelay $0x1  }
0xa5: {  	v4 =	vadd.s32 v1, v4;
	_ =	sdelay $0x3  }
0xa6: {  	s28 =	simm.s32 $0x15200;
	v3 =	vperm.xlane v3, v2  }
0xa7: {  	[tilespmem:s28], [sflag:$0x2] =	stream.indirect_vreg.gather [hbm4b:s2+s3], $0x80, v4, vm0, $0xb8;
	[tilespmem:$0x18200] =	vst v63  }
0xa8: {  	s29 =	simm.s32 $0x15A00;
	v3 =	vadd.s32 v1, v3  }
0xa9: {  	[tilespmem:s29], [sflag:$0x2] =	stream.indirect_vreg.gather [hbm4b:s5+s3], $0x80, v4, vm0, $0xb8;
	[tilespmem:$0x18200] =	vst v63  }
0xaa: {  	s30 =	simm.s32 $0x16200  }
0xab: {  	[tilespmem:s30], [sflag:$0x2] =	stream.indirect_vreg.gather [hbm4b:s6+s3], $0x80, v4, vm0, $0xb8;
	[tilespmem:$0x18200] =	vst v63  }
0xac: {  	s0 =	simm.s32 $0x16A00  }
0xad: {  	[tilespmem:s0], [sflag:$0x2] =	stream.indirect_vreg.gather [hbm4b:s2+s3], $0x80, v3, vm0, $0xb8;
	[tilespmem:$0x18200] =	vst v63  }
0xae: {  	s1 =	simm.s32 $0x17200  }
0xaf: {  	[tilespmem:s1], [sflag:$0x2] =	stream.indirect_vreg.gather [hbm4b:s5+s3], $0x80, v3, vm0, $0xb8;
	[tilespmem:$0x18200] =	vst v63  }
0xb0: {  	s9 =	simm.s32 $0x17A00  }
0xb1: {  	[tilespmem:s9], [sflag:$0x2] =	stream.indirect_vreg.gather [hbm4b:s6+s3], $0x80, v3, vm0, $0xb8;
	[tilespmem:$0x18200] =	vst v63  }
0xb2: {  	_ =	swait.ge [sflag:s10], $0xC000  }
0xb3: {  	[sflag:s10] =	ssyncset.done $0x0  }
0xb4: {  	s17 =	rddreg [dreg:$0x4];
	[sflag:s10] =	ssyncadd.s32 $0xFFFF4000  }
0xb5: {  	[hbm4b:s17+s3] =	stream.linear.scatter [tilespmem:s8], [sflag:$0x4], $0xC000, $0x38;
	[tilespmem:$0x18200] =	vst v63  }
0xb6: {  	_ =	swait.ge [sflag:s11], $0xC000  }
0xb7: {  	[sflag:s11] =	ssyncset.done $0x0  }
0xb8: {  	[sflag:s11] =	ssyncadd.s32 $0xFFFF4000  }
0xb9: {  	v3 =	vld [tilespmem:$0x80];
	_ =	sdelay $0x4  }
0xba: {  	v40 =	vshrl.u32 v3, $0x3  }
0xbb: {  	v4 =	vmul.u32 $0x30, v40  }
0xbc: {  	v3 =	vand.u32 $0x7, v3  }
0xbd: {  	v3 =	vor.u32 v3, v4  }
0xbe: {  	v4 =	vperm.xlane v3, v0;
	_ =	sdelay $0x1  }
0xbf: {  	v4 =	vadd.s32 v1, v4;
	_ =	sdelay $0x3  }
0xc0: {  	v3 =	vperm.xlane v3, v2  }
0xc1: {  	[tilespmem:s19], [sflag:$0x1] =	stream.indirect_vreg.gather [hbm4b:s2+s3], $0x80, v4, vm0, $0xb8;
	[tilespmem:$0x18200] =	vst v63  }
0xc2: {  	s0 =	simm.s32 $0xA00;
	v3 =	vadd.s32 v1, v3  }
0xc3: {  	[tilespmem:s0], [sflag:$0x1] =	stream.indirect_vreg.gather [hbm4b:s5+s3], $0x80, v4, vm0, $0xb8;
	[tilespmem:$0x18200] =	vst v63  }
0xc4: {  	s1 =	simm.s32 $0x1200  }
0xc5: {  	[tilespmem:s1], [sflag:$0x1] =	stream.indirect_vreg.gather [hbm4b:s6+s3], $0x80, v4, vm0, $0xb8;
	[tilespmem:$0x18200] =	vst v63  }
0xc6: {  	s9 =	simm.s32 $0x1A00  }
0xc7: {  	[tilespmem:s9], [sflag:$0x1] =	stream.indirect_vreg.gather [hbm4b:s2+s3], $0x80, v3, vm0, $0xb8;
	[tilespmem:$0x18200] =	vst v63  }
0xc8: {  	s21 =	simm.s32 $0x2200  }
0xc9: {  	[tilespmem:s21], [sflag:$0x1] =	stream.indirect_vreg.gather [hbm4b:s5+s3], $0x80, v3, vm0, $0xb8;
	[tilespmem:$0x18200] =	vst v63  }
0xca: {  	s14 =	simm.s32 $0x2A00  }
0xcb: {  	[tilespmem:s14], [sflag:$0x1] =	stream.indirect_vreg.gather [hbm4b:s6+s3], $0x80, v3, vm0, $0xb8;
	[tilespmem:$0x18200] =	vst v63  }
0xcc: {  	v3 =	vld [tilespmem:$0x90];
	_ =	sdelay $0x4  }
0xcd: {  	v41 =	vshrl.u32 v3, $0x3  }
0xce: {  	v4 =	vmul.u32 $0x30, v41  }
0xcf: {  	v3 =	vand.u32 $0x7, v3  }
0xd0: {  	v3 =	vor.u32 v3, v4  }
0xd1: {  	v4 =	vperm.xlane v3, v0;
	_ =	sdelay $0x1  }
0xd2: {  	v4 =	vadd.s32 v1, v4;
	_ =	sdelay $0x3  }
0xd3: {  	s15 =	simm.s32 $0x3200;
	v3 =	vperm.xlane v3, v2  }
0xd4: {  	[tilespmem:s15], [sflag:$0x1] =	stream.indirect_vreg.gather [hbm4b:s2+s3], $0x80, v4, vm0, $0xb8;
	[tilespmem:$0x18200] =	vst v63  }
0xd5: {  	s22 =	simm.s32 $0x3A00;
	v3 =	vadd.s32 v1, v3  }
0xd6: {  	[tilespmem:s22], [sflag:$0x1] =	stream.indirect_vreg.gather [hbm4b:s5+s3], $0x80, v4, vm0, $0xb8;
	[tilespmem:$0x18200] =	vst v63  }
0xd7: {  	s23 =	simm.s32 $0x4200  }
0xd8: {  	[tilespmem:s23], [sflag:$0x1] =	stream.indirect_vreg.gather [hbm4b:s6+s3], $0x80, v4, vm0, $0xb8;
	[tilespmem:$0x18200] =	vst v63  }
0xd9: {  	s24 =	simm.s32 $0x4A00  }
0xda: {  	[tilespmem:s24], [sflag:$0x1] =	stream.indirect_vreg.gather [hbm4b:s2+s3], $0x80, v3, vm0, $0xb8;
	[tilespmem:$0x18200] =	vst v63  }
0xdb: {  	s25 =	simm.s32 $0x5200  }
0xdc: {  	[tilespmem:s25], [sflag:$0x1] =	stream.indirect_vreg.gather [hbm4b:s5+s3], $0x80, v3, vm0, $0xb8;
	[tilespmem:$0x18200] =	vst v63  }
0xdd: {  	s16 =	simm.s32 $0x5A00  }
0xde: {  	[tilespmem:s16], [sflag:$0x1] =	stream.indirect_vreg.gather [hbm4b:s6+s3], $0x80, v3, vm0, $0xb8;
	[tilespmem:$0x18200] =	vst v63  }
0xdf: {  	v3 =	vld [tilespmem:$0xA0];
	_ =	sdelay $0x4  }
0xe0: {  	v42 =	vshrl.u32 v3, $0x3  }
0xe1: {  	v4 =	vmul.u32 $0x30, v42  }
0xe2: {  	v3 =	vand.u32 $0x7, v3  }
0xe3: {  	v3 =	vor.u32 v3, v4  }
0xe4: {  	v4 =	vperm.xlane v3, v0;
	_ =	sdelay $0x1  }
0xe5: {  	v4 =	vadd.s32 v1, v4;
	_ =	sdelay $0x3  }
0xe6: {  	s26 =	simm.s32 $0x6200;
	v3 =	vperm.xlane v3, v2  }
0xe7: {  	[tilespmem:s26], [sflag:$0x1] =	stream.indirect_vreg.gather [hbm4b:s2+s3], $0x80, v4, vm0, $0xb8;
	[tilespmem:$0x18200] =	vst v63  }
0xe8: {  	v3 =	vadd.s32 v1, v3;
	s26 =	simm.s32 $0x6A00  }
0xe9: {  	[tilespmem:s26], [sflag:$0x1] =	stream.indirect_vreg.gather [hbm4b:s5+s3], $0x80, v4, vm0, $0xb8;
	[tilespmem:$0x18200] =	vst v63  }
0xea: {  	s28 =	simm.s32 $0x7200  }
0xeb: {  	[tilespmem:s28], [sflag:$0x1] =	stream.indirect_vreg.gather [hbm4b:s6+s3], $0x80, v4, vm0, $0xb8;
	[tilespmem:$0x18200] =	vst v63  }
0xec: {  	s29 =	simm.s32 $0x7A00  }
0xed: {  	[tilespmem:s29], [sflag:$0x1] =	stream.indirect_vreg.gather [hbm4b:s2+s3], $0x80, v3, vm0, $0xb8;
	[tilespmem:$0x18200] =	vst v63  }
0xee: {  	s30 =	simm.s32 $0x8200  }
0xef: {  	[tilespmem:s30], [sflag:$0x1] =	stream.indirect_vreg.gather [hbm4b:s5+s3], $0x80, v3, vm0, $0xb8;
	[tilespmem:$0x18200] =	vst v63  }
0xf0: {  	s31 =	simm.s32 $0x8A00  }
0xf1: {  	[tilespmem:s31], [sflag:$0x1] =	stream.indirect_vreg.gather [hbm4b:s6+s3], $0x80, v3, vm0, $0xb8;
	[tilespmem:$0x18200] =	vst v63  }
0xf2: {  	v3 =	vld [tilespmem:$0xB0];
	_ =	sdelay $0x4  }
0xf3: {  	v43 =	vshrl.u32 v3, $0x3  }
0xf4: {  	v4 =	vmul.u32 $0x30, v43  }
0xf5: {  	v3 =	vand.u32 $0x7, v3  }
0xf6: {  	v3 =	vor.u32 v3, v4  }
0xf7: {  	v4 =	vperm.xlane v3, v0;
	_ =	sdelay $0x1  }
0xf8: {  	v4 =	vadd.s32 v1, v4;
	_ =	sdelay $0x3  }
0xf9: {  	s17 =	simm.s32 $0x9200;
	v3 =	vperm.xlane v3, v2  }
0xfa: {  	[tilespmem:s17], [sflag:$0x1] =	stream.indirect_vreg.gather [hbm4b:s2+s3], $0x80, v4, vm0, $0xb8;
	[tilespmem:$0x18200] =	vst v63  }
0xfb: {  	s31 =	simm.s32 $0x9A00;
	v3 =	vadd.s32 v1, v3  }
0xfc: {  	[tilespmem:s31], [sflag:$0x1] =	stream.indirect_vreg.gather [hbm4b:s5+s3], $0x80, v4, vm0, $0xb8;
	[tilespmem:$0x18200] =	vst v63  }
0xfd: {  	s14 =	simm.s32 $0xA200  }
0xfe: {  	[tilespmem:s14], [sflag:$0x1] =	stream.indirect_vreg.gather [hbm4b:s6+s3], $0x80, v4, vm0, $0xb8;
	[tilespmem:$0x18200] =	vst v63  }
0xff: {  	s15 =	simm.s32 $0xAA00  }
0x100: {  	[tilespmem:s15], [sflag:$0x1] =	stream.indirect_vreg.gather [hbm4b:s2+s3], $0x80, v3, vm0, $0xb8;
	[tilespmem:$0x18200] =	vst v63  }
0x101: {  	s16 =	simm.s32 $0xB200  }
0x102: {  	[tilespmem:s16], [sflag:$0x1] =	stream.indirect_vreg.gather [hbm4b:s5+s3], $0x80, v3, vm0, $0xb8;
	[tilespmem:$0x18200] =	vst v63  }
0x103: {  	s18 =	simm.s32 $0xBA00  }
0x104: {  	[tilespmem:s18], [sflag:$0x1] =	stream.indirect_vreg.gather [hbm4b:s6+s3], $0x80, v3, vm0, $0xb8;
	[tilespmem:$0x18200] =	vst v63  }
0x105: {  	_ =	swait.ge [sflag:s4], $0xC000  }
0x106: {  	[sflag:s4] =	ssyncset.done $0x0  }
0x107: {  	s18 =	rddreg [dreg:$0x5];
	[sflag:s4] =	ssyncadd.s32 $0xFFFF4000  }
0x108: {  	[hbm4b:s18+s3] =	stream.linear.scatter [tilespmem:s19], [sflag:$0x3], $0xC000, $0x38;
	[tilespmem:$0x18200] =	vst v63  }
0x109: {  	_ =	swait.ge [sflag:s12], $0xC000  }
0x10a: {  	[sflag:s12] =	ssyncset.done $0x0  }
0x10b: {  	[sflag:s12] =	ssyncadd.s32 $0xFFFF4000  }
0x10c: {  	v3 =	vld [tilespmem:$0xC0];
	_ =	sdelay $0x4  }
0x10d: {  	v44 =	vshrl.u32 v3, $0x3  }
0x10e: {  	v4 =	vmul.u32 $0x30, v44  }
0x10f: {  	v3 =	vand.u32 $0x7, v3  }
0x110: {  	v3 =	vor.u32 v3, v4  }
0x111: {  	v4 =	vperm.xlane v3, v0;
	_ =	sdelay $0x1  }
0x112: {  	v4 =	vadd.s32 v1, v4;
	_ =	sdelay $0x3  }
0x113: {  	v3 =	vperm.xlane v3, v2  }
0x114: {  	[tilespmem:s8], [sflag:$0x2] =	stream.indirect_vreg.gather [hbm4b:s2+s3], $0x80, v4, vm0, $0xb8;
	[tilespmem:$0x18200] =	vst v63  }
0x115: {  	s18 =	simm.s32 $0xCA00;
	v3 =	vadd.s32 v1, v3  }
0x116: {  	[tilespmem:s18], [sflag:$0x2] =	stream.indirect_vreg.gather [hbm4b:s5+s3], $0x80, v4, vm0, $0xb8;
	[tilespmem:$0x18200] =	vst v63  }
0x117: {  	s18 =	simm.s32 $0xD200  }
0x118: {  	[tilespmem:s18], [sflag:$0x2] =	stream.indirect_vreg.gather [hbm4b:s6+s3], $0x80, v4, vm0, $0xb8;
	[tilespmem:$0x18200] =	vst v63  }
0x119: {  	s18 =	simm.s32 $0xDA00  }
0x11a: {  	[tilespmem:s18], [sflag:$0x2] =	stream.indirect_vreg.gather [hbm4b:s2+s3], $0x80, v3, vm0, $0xb8;
	[tilespmem:$0x18200] =	vst v63  }
0x11b: {  	s18 =	simm.s32 $0xE200  }
0x11c: {  	[tilespmem:s18], [sflag:$0x2] =	stream.indirect_vreg.gather [hbm4b:s5+s3], $0x80, v3, vm0, $0xb8;
	[tilespmem:$0x18200] =	vst v63  }
0x11d: {  	s18 =	simm.s32 $0xEA00  }
0x11e: {  	[tilespmem:s18], [sflag:$0x2] =	stream.indirect_vreg.gather [hbm4b:s6+s3], $0x80, v3, vm0, $0xb8;
	[tilespmem:$0x18200] =	vst v63  }
0x11f: {  	v3 =	vld [tilespmem:$0xD0];
	_ =	sdelay $0x4  }
0x120: {  	v45 =	vshrl.u32 v3, $0x3  }
0x121: {  	v4 =	vmul.u32 $0x30, v45  }
0x122: {  	v3 =	vand.u32 $0x7, v3  }
0x123: {  	v3 =	vor.u32 v3, v4  }
0x124: {  	v4 =	vperm.xlane v3, v0;
	_ =	sdelay $0x1  }
0x125: {  	v4 =	vadd.s32 v1, v4;
	_ =	sdelay $0x3  }
0x126: {  	s20 =	simm.s32 $0xF200;
	v3 =	vperm.xlane v3, v2  }
0x127: {  	[tilespmem:s20], [sflag:$0x2] =	stream.indirect_vreg.gather [hbm4b:s2+s3], $0x80, v4, vm0, $0xb8;
	[tilespmem:$0x18200] =	vst v63  }
0x128: {  	v3 =	vadd.s32 v1, v3;
	s20 =	simm.s32 $0xFA00  }
0x129: {  	[tilespmem:s20], [sflag:$0x2] =	stream.indirect_vreg.gather [hbm4b:s5+s3], $0x80, v4, vm0, $0xb8;
	[tilespmem:$0x18200] =	vst v63  }
0x12a: {  	s18 =	simm.s32 $0x10200  }
0x12b: {  	[tilespmem:s18], [sflag:$0x2] =	stream.indirect_vreg.gather [hbm4b:s6+s3], $0x80, v4, vm0, $0xb8;
	[tilespmem:$0x18200] =	vst v63  }
0x12c: {  	s20 =	simm.s32 $0x10A00  }
0x12d: {  	[tilespmem:s20], [sflag:$0x2] =	stream.indirect_vreg.gather [hbm4b:s2+s3], $0x80, v3, vm0, $0xb8;
	[tilespmem:$0x18200] =	vst v63  }
0x12e: {  	s18 =	simm.s32 $0x11200  }
0x12f: {  	[tilespmem:s18], [sflag:$0x2] =	stream.indirect_vreg.gather [hbm4b:s5+s3], $0x80, v3, vm0, $0xb8;
	[tilespmem:$0x18200] =	vst v63  }
0x130: {  	s20 =	simm.s32 $0x11A00  }
0x131: {  	[tilespmem:s20], [sflag:$0x2] =	stream.indirect_vreg.gather [hbm4b:s6+s3], $0x80, v3, vm0, $0xb8;
	[tilespmem:$0x18200] =	vst v63  }
0x132: {  	v3 =	vld [tilespmem:$0xE0];
	_ =	sdelay $0x4  }
0x133: {  	v46 =	vshrl.u32 v3, $0x3  }
0x134: {  	v4 =	vmul.u32 $0x30, v46  }
0x135: {  	v3 =	vand.u32 $0x7, v3  }
0x136: {  	v3 =	vor.u32 v3, v4  }
0x137: {  	v4 =	vperm.xlane v3, v0;
	_ =	sdelay $0x1  }
0x138: {  	v4 =	vadd.s32 v1, v4;
	_ =	sdelay $0x3  }
0x139: {  	s18 =	simm.s32 $0x12200;
	v3 =	vperm.xlane v3, v2  }
0x13a: {  	[tilespmem:s18], [sflag:$0x2] =	stream.indirect_vreg.gather [hbm4b:s2+s3], $0x80, v4, vm0, $0xb8;
	[tilespmem:$0x18200] =	vst v63  }
0x13b: {  	s20 =	simm.s32 $0x12A00;
	v3 =	vadd.s32 v1, v3  }
0x13c: {  	[tilespmem:s20], [sflag:$0x2] =	stream.indirect_vreg.gather [hbm4b:s5+s3], $0x80, v4, vm0, $0xb8;
	[tilespmem:$0x18200] =	vst v63  }
0x13d: {  	s18 =	simm.s32 $0x13200  }
0x13e: {  	[tilespmem:s18], [sflag:$0x2] =	stream.indirect_vreg.gather [hbm4b:s6+s3], $0x80, v4, vm0, $0xb8;
	[tilespmem:$0x18200] =	vst v63  }
0x13f: {  	s20 =	simm.s32 $0x13A00  }
0x140: {  	[tilespmem:s20], [sflag:$0x2] =	stream.indirect_vreg.gather [hbm4b:s2+s3], $0x80, v3, vm0, $0xb8;
	[tilespmem:$0x18200] =	vst v63  }
0x141: {  	s18 =	simm.s32 $0x14200  }
0x142: {  	[tilespmem:s18], [sflag:$0x2] =	stream.indirect_vreg.gather [hbm4b:s5+s3], $0x80, v3, vm0, $0xb8;
	[tilespmem:$0x18200] =	vst v63  }
0x143: {  	s20 =	simm.s32 $0x14A00  }
0x144: {  	[tilespmem:s20], [sflag:$0x2] =	stream.indirect_vreg.gather [hbm4b:s6+s3], $0x80, v3, vm0, $0xb8;
	[tilespmem:$0x18200] =	vst v63  }
0x145: {  	v3 =	vld [tilespmem:$0xF0];
	_ =	sdelay $0x4  }
0x146: {  	v47 =	vshrl.u32 v3, $0x3  }
0x147: {  	v4 =	vmul.u32 $0x30, v47  }
0x148: {  	v3 =	vand.u32 $0x7, v3  }
0x149: {  	v3 =	vor.u32 v3, v4  }
0x14a: {  	v4 =	vperm.xlane v3, v0;
	_ =	sdelay $0x1  }
0x14b: {  	v4 =	vadd.s32 v1, v4;
	_ =	sdelay $0x3  }
0x14c: {  	s18 =	simm.s32 $0x15200;
	v3 =	vperm.xlane v3, v2  }
0x14d: {  	[tilespmem:s18], [sflag:$0x2] =	stream.indirect_vreg.gather [hbm4b:s2+s3], $0x80, v4, vm0, $0xb8;
	[tilespmem:$0x18200] =	vst v63  }
0x14e: {  	s20 =	simm.s32 $0x15A00;
	v3 =	vadd.s32 v1, v3  }
0x14f: {  	[tilespmem:s20], [sflag:$0x2] =	stream.indirect_vreg.gather [hbm4b:s5+s3], $0x80, v4, vm0, $0xb8;
	[tilespmem:$0x18200] =	vst v63  }
0x150: {  	s18 =	simm.s32 $0x16200  }
0x151: {  	[tilespmem:s18], [sflag:$0x2] =	stream.indirect_vreg.gather [hbm4b:s6+s3], $0x80, v4, vm0, $0xb8;
	[tilespmem:$0x18200] =	vst v63  }
0x152: {  	s20 =	simm.s32 $0x16A00  }
0x153: {  	[tilespmem:s20], [sflag:$0x2] =	stream.indirect_vreg.gather [hbm4b:s2+s3], $0x80, v3, vm0, $0xb8;
	[tilespmem:$0x18200] =	vst v63  }
0x154: {  	s18 =	simm.s32 $0x17200  }
0x155: {  	[tilespmem:s18], [sflag:$0x2] =	stream.indirect_vreg.gather [hbm4b:s5+s3], $0x80, v3, vm0, $0xb8;
	[tilespmem:$0x18200] =	vst v63  }
0x156: {  	s20 =	simm.s32 $0x17A00  }
0x157: {  	[tilespmem:s20], [sflag:$0x2] =	stream.indirect_vreg.gather [hbm4b:s6+s3], $0x80, v3, vm0, $0xb8;
	[tilespmem:$0x18200] =	vst v63  }
0x158: {  	_ =	swait.ge [sflag:s10], $0xC000  }
0x159: {  	[sflag:s10] =	ssyncset.done $0x0  }
0x15a: {  	s18 =	rddreg [dreg:$0x6];
	[sflag:s10] =	ssyncadd.s32 $0xFFFF4000  }
0x15b: {  	[hbm4b:s18+s3] =	stream.linear.scatter [tilespmem:s8], [sflag:$0x4], $0xC000, $0x38;
	[tilespmem:$0x18200] =	vst v63  }
0x15c: {  	_ =	swait.ge [sflag:s11], $0xC000  }
0x15d: {  	[sflag:s11] =	ssyncset.done $0x0  }
0x15e: {  	[sflag:s11] =	ssyncadd.s32 $0xFFFF4000  }
0x15f: {  	v3 =	vld [tilespmem:$0x100];
	_ =	sdelay $0x4  }
0x160: {  	v48 =	vshrl.u32 v3, $0x3  }
0x161: {  	v4 =	vmul.u32 $0x30, v48  }
0x162: {  	v3 =	vand.u32 $0x7, v3  }
0x163: {  	v3 =	vor.u32 v3, v4  }
0x164: {  	v4 =	vperm.xlane v3, v0;
	_ =	sdelay $0x1  }
0x165: {  	v4 =	vadd.s32 v1, v4;
	_ =	sdelay $0x3  }
0x166: {  	v3 =	vperm.xlane v3, v2  }
0x167: {  	[tilespmem:s19], [sflag:$0x1] =	stream.indirect_vreg.gather [hbm4b:s2+s3], $0x80, v4, vm0, $0xb8;
	[tilespmem:$0x18200] =	vst v63  }
0x168: {  	v3 =	vadd.s32 v1, v3  }
0x169: {  	[tilespmem:s0], [sflag:$0x1] =	stream.indirect_vreg.gather [hbm4b:s5+s3], $0x80, v4, vm0, $0xb8;
	[tilespmem:$0x18200] =	vst v63  }
0x16a: {  	_ = 	snop  }
0x16b: {  	[tilespmem:s1], [sflag:$0x1] =	stream.indirect_vreg.gather [hbm4b:s6+s3], $0x80, v4, vm0, $0xb8;
	[tilespmem:$0x18200] =	vst v63  }
0x16c: {  	_ = 	snop  }
0x16d: {  	[tilespmem:s9], [sflag:$0x1] =	stream.indirect_vreg.gather [hbm4b:s2+s3], $0x80, v3, vm0, $0xb8;
	[tilespmem:$0x18200] =	vst v63  }
0x16e: {  	_ = 	snop  }
0x16f: {  	[tilespmem:s21], [sflag:$0x1] =	stream.indirect_vreg.gather [hbm4b:s5+s3], $0x80, v3, vm0, $0xb8;
	[tilespmem:$0x18200] =	vst v63  }
0x170: {  	s20 =	simm.s32 $0x2A00  }
0x171: {  	[tilespmem:s20], [sflag:$0x1] =	stream.indirect_vreg.gather [hbm4b:s6+s3], $0x80, v3, vm0, $0xb8;
	[tilespmem:$0x18200] =	vst v63  }
0x172: {  	v3 =	vld [tilespmem:$0x110];
	_ =	sdelay $0x4  }
0x173: {  	v49 =	vshrl.u32 v3, $0x3  }
0x174: {  	v4 =	vmul.u32 $0x30, v49  }
0x175: {  	v3 =	vand.u32 $0x7, v3  }
0x176: {  	v3 =	vor.u32 v3, v4  }
0x177: {  	v4 =	vperm.xlane v3, v0;
	_ =	sdelay $0x1  }
0x178: {  	v4 =	vadd.s32 v1, v4;
	_ =	sdelay $0x3  }
0x179: {  	s21 =	simm.s32 $0x3200;
	v3 =	vperm.xlane v3, v2  }
0x17a: {  	[tilespmem:s21], [sflag:$0x1] =	stream.indirect_vreg.gather [hbm4b:s2+s3], $0x80, v4, vm0, $0xb8;
	[tilespmem:$0x18200] =	vst v63  }
0x17b: {  	v3 =	vadd.s32 v1, v3  }
0x17c: {  	[tilespmem:s22], [sflag:$0x1] =	stream.indirect_vreg.gather [hbm4b:s5+s3], $0x80, v4, vm0, $0xb8;
	[tilespmem:$0x18200] =	vst v63  }
0x17d: {  	_ = 	snop  }
0x17e: {  	[tilespmem:s23], [sflag:$0x1] =	stream.indirect_vreg.gather [hbm4b:s6+s3], $0x80, v4, vm0, $0xb8;
	[tilespmem:$0x18200] =	vst v63  }
0x17f: {  	_ = 	snop  }
0x180: {  	[tilespmem:s24], [sflag:$0x1] =	stream.indirect_vreg.gather [hbm4b:s2+s3], $0x80, v3, vm0, $0xb8;
	[tilespmem:$0x18200] =	vst v63  }
0x181: {  	_ = 	snop  }
0x182: {  	[tilespmem:s25], [sflag:$0x1] =	stream.indirect_vreg.gather [hbm4b:s5+s3], $0x80, v3, vm0, $0xb8;
	[tilespmem:$0x18200] =	vst v63  }
0x183: {  	s20 =	simm.s32 $0x5A00  }
0x184: {  	[tilespmem:s20], [sflag:$0x1] =	stream.indirect_vreg.gather [hbm4b:s6+s3], $0x80, v3, vm0, $0xb8;
	[tilespmem:$0x18200] =	vst v63  }
0x185: {  	v3 =	vld [tilespmem:$0x120];
	_ =	sdelay $0x4  }
0x186: {  	v50 =	vshrl.u32 v3, $0x3  }
0x187: {  	v4 =	vmul.u32 $0x30, v50  }
0x188: {  	v3 =	vand.u32 $0x7, v3  }
0x189: {  	v3 =	vor.u32 v3, v4  }
0x18a: {  	v4 =	vperm.xlane v3, v0;
	_ =	sdelay $0x1  }
0x18b: {  	v4 =	vadd.s32 v1, v4;
	_ =	sdelay $0x3  }
0x18c: {  	s25 =	simm.s32 $0x6200;
	v3 =	vperm.xlane v3, v2  }
0x18d: {  	[tilespmem:s25], [sflag:$0x1] =	stream.indirect_vreg.gather [hbm4b:s2+s3], $0x80, v4, vm0, $0xb8;
	[tilespmem:$0x18200] =	vst v63  }
0x18e: {  	v3 =	vadd.s32 v1, v3  }
0x18f: {  	[tilespmem:s26], [sflag:$0x1] =	stream.indirect_vreg.gather [hbm4b:s5+s3], $0x80, v4, vm0, $0xb8;
	[tilespmem:$0x18200] =	vst v63  }
0x190: {  	_ = 	snop  }
0x191: {  	[tilespmem:s28], [sflag:$0x1] =	stream.indirect_vreg.gather [hbm4b:s6+s3], $0x80, v4, vm0, $0xb8;
	[tilespmem:$0x18200] =	vst v63  }
0x192: {  	_ = 	snop  }
0x193: {  	[tilespmem:s29], [sflag:$0x1] =	stream.indirect_vreg.gather [hbm4b:s2+s3], $0x80, v3, vm0, $0xb8;
	[tilespmem:$0x18200] =	vst v63  }
0x194: {  	_ = 	snop  }
0x195: {  	[tilespmem:s30], [sflag:$0x1] =	stream.indirect_vreg.gather [hbm4b:s5+s3], $0x80, v3, vm0, $0xb8;
	[tilespmem:$0x18200] =	vst v63  }
0x196: {  	s30 =	simm.s32 $0x8A00  }
0x197: {  	[tilespmem:s30], [sflag:$0x1] =	stream.indirect_vreg.gather [hbm4b:s6+s3], $0x80, v3, vm0, $0xb8;
	[tilespmem:$0x18200] =	vst v63  }
0x198: {  	v3 =	vld [tilespmem:$0x130];
	_ =	sdelay $0x4  }
0x199: {  	v51 =	vshrl.u32 v3, $0x3  }
0x19a: {  	v4 =	vmul.u32 $0x30, v51  }
0x19b: {  	v3 =	vand.u32 $0x7, v3  }
0x19c: {  	v3 =	vor.u32 v3, v4  }
0x19d: {  	v4 =	vperm.xlane v3, v0;
	_ =	sdelay $0x1  }
0x19e: {  	v4 =	vadd.s32 v1, v4;
	_ =	sdelay $0x3  }
0x19f: {  	v3 =	vperm.xlane v3, v2  }
0x1a0: {  	[tilespmem:s17], [sflag:$0x1] =	stream.indirect_vreg.gather [hbm4b:s2+s3], $0x80, v4, vm0, $0xb8;
	[tilespmem:$0x18200] =	vst v63  }
0x1a1: {  	v3 =	vadd.s32 v1, v3  }
0x1a2: {  	[tilespmem:s31], [sflag:$0x1] =	stream.indirect_vreg.gather [hbm4b:s5+s3], $0x80, v4, vm0, $0xb8;
	[tilespmem:$0x18200] =	vst v63  }
0x1a3: {  	_ = 	snop  }
0x1a4: {  	[tilespmem:s14], [sflag:$0x1] =	stream.indirect_vreg.gather [hbm4b:s6+s3], $0x80, v4, vm0, $0xb8;
	[tilespmem:$0x18200] =	vst v63  }
0x1a5: {  	_ = 	snop  }
0x1a6: {  	[tilespmem:s15], [sflag:$0x1] =	stream.indirect_vreg.gather [hbm4b:s2+s3], $0x80, v3, vm0, $0xb8;
	[tilespmem:$0x18200] =	vst v63  }
0x1a7: {  	_ = 	snop  }
0x1a8: {  	[tilespmem:s16], [sflag:$0x1] =	stream.indirect_vreg.gather [hbm4b:s5+s3], $0x80, v3, vm0, $0xb8;
	[tilespmem:$0x18200] =	vst v63  }
0x1a9: {  	s31 =	simm.s32 $0xBA00  }
0x1aa: {  	[tilespmem:s31], [sflag:$0x1] =	stream.indirect_vreg.gather [hbm4b:s6+s3], $0x80, v3, vm0, $0xb8;
	[tilespmem:$0x18200] =	vst v63  }
0x1ab: {  	_ =	swait.ge [sflag:s4], $0xC000  }
0x1ac: {  	[sflag:s4] =	ssyncset.done $0x0  }
0x1ad: {  	s20 =	rddreg [dreg:$0x7];
	[sflag:s4] =	ssyncadd.s32 $0xFFFF4000  }
0x1ae: {  	[hbm4b:s20+s3] =	stream.linear.scatter [tilespmem:s19], [sflag:$0x3], $0xC000, $0x38;
	[tilespmem:$0x18200] =	vst v63  }
0x1af: {  	_ =	swait.ge [sflag:s12], $0xC000  }
0x1b0: {  	[sflag:s12] =	ssyncset.done $0x0  }
0x1b1: {  	[sflag:s12] =	ssyncadd.s32 $0xFFFF4000  }
0x1b2: {  	v3 =	vld [tilespmem:$0x140];
	_ =	sdelay $0x4  }
0x1b3: {  	v52 =	vshrl.u32 v3, $0x3  }
0x1b4: {  	v4 =	vmul.u32 $0x30, v52  }
0x1b5: {  	v3 =	vand.u32 $0x7, v3  }
0x1b6: {  	v3 =	vor.u32 v3, v4  }
0x1b7: {  	v4 =	vperm.xlane v3, v0;
	_ =	sdelay $0x1  }
0x1b8: {  	v4 =	vadd.s32 v1, v4;
	_ =	sdelay $0x3  }
0x1b9: {  	v3 =	vperm.xlane v3, v2  }
0x1ba: {  	[tilespmem:s8], [sflag:$0x2] =	stream.indirect_vreg.gather [hbm4b:s2+s3], $0x80, v4, vm0, $0xb8;
	[tilespmem:$0x18200] =	vst v63  }
0x1bb: {  	s31 =	simm.s32 $0xCA00;
	v3 =	vadd.s32 v1, v3  }
0x1bc: {  	[tilespmem:s31], [sflag:$0x2] =	stream.indirect_vreg.gather [hbm4b:s5+s3], $0x80, v4, vm0, $0xb8;
	[tilespmem:$0x18200] =	vst v63  }
0x1bd: {  	s20 =	simm.s32 $0xD200  }
0x1be: {  	[tilespmem:s20], [sflag:$0x2] =	stream.indirect_vreg.gather [hbm4b:s6+s3], $0x80, v4, vm0, $0xb8;
	[tilespmem:$0x18200] =	vst v63  }
0x1bf: {  	s13 =	simm.s32 $0xDA00  }
0x1c0: {  	[tilespmem:s13], [sflag:$0x2] =	stream.indirect_vreg.gather [hbm4b:s2+s3], $0x80, v3, vm0, $0xb8;
	[tilespmem:$0x18200] =	vst v63  }
0x1c1: {  	s13 =	simm.s32 $0xE200  }
0x1c2: {  	[tilespmem:s13], [sflag:$0x2] =	stream.indirect_vreg.gather [hbm4b:s5+s3], $0x80, v3, vm0, $0xb8;
	[tilespmem:$0x18200] =	vst v63  }
0x1c3: {  	s13 =	simm.s32 $0xEA00  }
0x1c4: {  	[tilespmem:s13], [sflag:$0x2] =	stream.indirect_vreg.gather [hbm4b:s6+s3], $0x80, v3, vm0, $0xb8;
	[tilespmem:$0x18200] =	vst v63  }
0x1c5: {  	v3 =	vld [tilespmem:$0x150];
	_ =	sdelay $0x4  }
0x1c6: {  	v53 =	vshrl.u32 v3, $0x3  }
0x1c7: {  	v4 =	vmul.u32 $0x30, v53  }
0x1c8: {  	v3 =	vand.u32 $0x7, v3  }
0x1c9: {  	v3 =	vor.u32 v3, v4  }
0x1ca: {  	v4 =	vperm.xlane v3, v0;
	_ =	sdelay $0x1  }
0x1cb: {  	v4 =	vadd.s32 v1, v4;
	_ =	sdelay $0x3  }
0x1cc: {  	s13 =	simm.s32 $0xF200;
	v3 =	vperm.xlane v3, v2  }
0x1cd: {  	[tilespmem:s13], [sflag:$0x2] =	stream.indirect_vreg.gather [hbm4b:s2+s3], $0x80, v4, vm0, $0xb8;
	[tilespmem:$0x18200] =	vst v63  }
0x1ce: {  	v3 =	vadd.s32 v1, v3;
	s13 =	simm.s32 $0xFA00  }
0x1cf: {  	[tilespmem:s13], [sflag:$0x2] =	stream.indirect_vreg.gather [hbm4b:s5+s3], $0x80, v4, vm0, $0xb8;
	[tilespmem:$0x18200] =	vst v63  }
0x1d0: {  	s13 =	simm.s32 $0x10200  }
0x1d1: {  	[tilespmem:s13], [sflag:$0x2] =	stream.indirect_vreg.gather [hbm4b:s6+s3], $0x80, v4, vm0, $0xb8;
	[tilespmem:$0x18200] =	vst v63  }
0x1d2: {  	s13 =	simm.s32 $0x10A00  }
0x1d3: {  	[tilespmem:s13], [sflag:$0x2] =	stream.indirect_vreg.gather [hbm4b:s2+s3], $0x80, v3, vm0, $0xb8;
	[tilespmem:$0x18200] =	vst v63  }
0x1d4: {  	s13 =	simm.s32 $0x11200  }
0x1d5: {  	[tilespmem:s13], [sflag:$0x2] =	stream.indirect_vreg.gather [hbm4b:s5+s3], $0x80, v3, vm0, $0xb8;
	[tilespmem:$0x18200] =	vst v63  }
0x1d6: {  	s13 =	simm.s32 $0x11A00  }
0x1d7: {  	[tilespmem:s13], [sflag:$0x2] =	stream.indirect_vreg.gather [hbm4b:s6+s3], $0x80, v3, vm0, $0xb8;
	[tilespmem:$0x18200] =	vst v63  }
0x1d8: {  	v3 =	vld [tilespmem:$0x160];
	_ =	sdelay $0x4  }
0x1d9: {  	v54 =	vshrl.u32 v3, $0x3  }
0x1da: {  	v4 =	vmul.u32 $0x30, v54  }
0x1db: {  	v3 =	vand.u32 $0x7, v3  }
0x1dc: {  	v3 =	vor.u32 v3, v4  }
0x1dd: {  	v4 =	vperm.xlane v3, v0;
	_ =	sdelay $0x1  }
0x1de: {  	v4 =	vadd.s32 v1, v4;
	_ =	sdelay $0x3  }
0x1df: {  	s13 =	simm.s32 $0x12200;
	v3 =	vperm.xlane v3, v2  }
0x1e0: {  	[tilespmem:s13], [sflag:$0x2] =	stream.indirect_vreg.gather [hbm4b:s2+s3], $0x80, v4, vm0, $0xb8;
	[tilespmem:$0x18200] =	vst v63  }
0x1e1: {  	v3 =	vadd.s32 v1, v3;
	s13 =	simm.s32 $0x12A00  }
0x1e2: {  	[tilespmem:s13], [sflag:$0x2] =	stream.indirect_vreg.gather [hbm4b:s5+s3], $0x80, v4, vm0, $0xb8;
	[tilespmem:$0x18200] =	vst v63  }
0x1e3: {  	s13 =	simm.s32 $0x13200  }
0x1e4: {  	[tilespmem:s13], [sflag:$0x2] =	stream.indirect_vreg.gather [hbm4b:s6+s3], $0x80, v4, vm0, $0xb8;
	[tilespmem:$0x18200] =	vst v63  }
0x1e5: {  	s13 =	simm.s32 $0x13A00  }
0x1e6: {  	[tilespmem:s13], [sflag:$0x2] =	stream.indirect_vreg.gather [hbm4b:s2+s3], $0x80, v3, vm0, $0xb8;
	[tilespmem:$0x18200] =	vst v63  }
0x1e7: {  	s13 =	simm.s32 $0x14200  }
0x1e8: {  	[tilespmem:s13], [sflag:$0x2] =	stream.indirect_vreg.gather [hbm4b:s5+s3], $0x80, v3, vm0, $0xb8;
	[tilespmem:$0x18200] =	vst v63  }
0x1e9: {  	s13 =	simm.s32 $0x14A00  }
0x1ea: {  	[tilespmem:s13], [sflag:$0x2] =	stream.indirect_vreg.gather [hbm4b:s6+s3], $0x80, v3, vm0, $0xb8;
	[tilespmem:$0x18200] =	vst v63  }
0x1eb: {  	v3 =	vld [tilespmem:$0x170];
	_ =	sdelay $0x4  }
0x1ec: {  	v55 =	vshrl.u32 v3, $0x3  }
0x1ed: {  	v4 =	vmul.u32 $0x30, v55  }
0x1ee: {  	v3 =	vand.u32 $0x7, v3  }
0x1ef: {  	v3 =	vor.u32 v3, v4  }
0x1f0: {  	v4 =	vperm.xlane v3, v0;
	_ =	sdelay $0x1  }
0x1f1: {  	v4 =	vadd.s32 v1, v4;
	_ =	sdelay $0x3  }
0x1f2: {  	s13 =	simm.s32 $0x15200;
	v3 =	vperm.xlane v3, v2  }
0x1f3: {  	[tilespmem:s13], [sflag:$0x2] =	stream.indirect_vreg.gather [hbm4b:s2+s3], $0x80, v4, vm0, $0xb8;
	[tilespmem:$0x18200] =	vst v63  }
0x1f4: {  	v3 =	vadd.s32 v1, v3;
	s13 =	simm.s32 $0x15A00  }
0x1f5: {  	[tilespmem:s13], [sflag:$0x2] =	stream.indirect_vreg.gather [hbm4b:s5+s3], $0x80, v4, vm0, $0xb8;
	[tilespmem:$0x18200] =	vst v63  }
0x1f6: {  	s13 =	simm.s32 $0x16200  }
0x1f7: {  	[tilespmem:s13], [sflag:$0x2] =	stream.indirect_vreg.gather [hbm4b:s6+s3], $0x80, v4, vm0, $0xb8;
	[tilespmem:$0x18200] =	vst v63  }
0x1f8: {  	s13 =	simm.s32 $0x16A00  }
0x1f9: {  	[tilespmem:s13], [sflag:$0x2] =	stream.indirect_vreg.gather [hbm4b:s2+s3], $0x80, v3, vm0, $0xb8;
	[tilespmem:$0x18200] =	vst v63  }
0x1fa: {  	s13 =	simm.s32 $0x17200  }
0x1fb: {  	[tilespmem:s13], [sflag:$0x2] =	stream.indirect_vreg.gather [hbm4b:s5+s3], $0x80, v3, vm0, $0xb8;
	[tilespmem:$0x18200] =	vst v63  }
0x1fc: {  	s13 =	simm.s32 $0x17A00  }
0x1fd: {  	[tilespmem:s13], [sflag:$0x2] =	stream.indirect_vreg.gather [hbm4b:s6+s3], $0x80, v3, vm0, $0xb8;
	[tilespmem:$0x18200] =	vst v63  }
0x1fe: {  	_ =	swait.ge [sflag:s10], $0xC000  }
0x1ff: {  	[sflag:s10] =	ssyncset.done $0x0  }
0x200: {  	s13 =	rddreg [dreg:$0x8];
	[sflag:s10] =	ssyncadd.s32 $0xFFFF4000  }
0x201: {  	[hbm4b:s13+s3] =	stream.linear.scatter [tilespmem:s8], [sflag:$0x4], $0xC000, $0x38;
	[tilespmem:$0x18200] =	vst v63  }
0x202: {  	_ =	swait.ge [sflag:s11], $0xC000  }
0x203: {  	[sflag:s11] =	ssyncset.done $0x0  }
0x204: {  	[sflag:s11] =	ssyncadd.s32 $0xFFFF4000  }
0x205: {  	v3 =	vld [tilespmem:$0x180];
	_ =	sdelay $0x4  }
0x206: {  	v56 =	vshrl.u32 v3, $0x3  }
0x207: {  	v4 =	vmul.u32 $0x30, v56  }
0x208: {  	v3 =	vand.u32 $0x7, v3  }
0x209: {  	v3 =	vor.u32 v3, v4  }
0x20a: {  	v4 =	vperm.xlane v3, v0;
	_ =	sdelay $0x1  }
0x20b: {  	v4 =	vadd.s32 v1, v4;
	_ =	sdelay $0x3  }
0x20c: {  	v3 =	vperm.xlane v3, v2  }
0x20d: {  	[tilespmem:s19], [sflag:$0x1] =	stream.indirect_vreg.gather [hbm4b:s2+s3], $0x80, v4, vm0, $0xb8;
	[tilespmem:$0x18200] =	vst v63  }
0x20e: {  	s0 =	simm.s32 $0xA00;
	v3 =	vadd.s32 v1, v3  }
0x20f: {  	[tilespmem:s0], [sflag:$0x1] =	stream.indirect_vreg.gather [hbm4b:s5+s3], $0x80, v4, vm0, $0xb8;
	[tilespmem:$0x18200] =	vst v63  }
0x210: {  	s1 =	simm.s32 $0x1200  }
0x211: {  	[tilespmem:s1], [sflag:$0x1] =	stream.indirect_vreg.gather [hbm4b:s6+s3], $0x80, v4, vm0, $0xb8;
	[tilespmem:$0x18200] =	vst v63  }
0x212: {  	s9 =	simm.s32 $0x1A00  }
0x213: {  	[tilespmem:s9], [sflag:$0x1] =	stream.indirect_vreg.gather [hbm4b:s2+s3], $0x80, v3, vm0, $0xb8;
	[tilespmem:$0x18200] =	vst v63  }
0x214: {  	s18 =	simm.s32 $0x2200  }
0x215: {  	[tilespmem:s18], [sflag:$0x1] =	stream.indirect_vreg.gather [hbm4b:s5+s3], $0x80, v3, vm0, $0xb8;
	[tilespmem:$0x18200] =	vst v63  }
0x216: {  	s13 =	simm.s32 $0x2A00  }
0x217: {  	[tilespmem:s13], [sflag:$0x1] =	stream.indirect_vreg.gather [hbm4b:s6+s3], $0x80, v3, vm0, $0xb8;
	[tilespmem:$0x18200] =	vst v63  }
0x218: {  	v3 =	vld [tilespmem:$0x190];
	_ =	sdelay $0x4  }
0x219: {  	v57 =	vshrl.u32 v3, $0x3  }
0x21a: {  	v4 =	vmul.u32 $0x30, v57  }
0x21b: {  	v3 =	vand.u32 $0x7, v3  }
0x21c: {  	v3 =	vor.u32 v3, v4  }
0x21d: {  	v4 =	vperm.xlane v3, v0;
	_ =	sdelay $0x1  }
0x21e: {  	v4 =	vadd.s32 v1, v4;
	_ =	sdelay $0x3  }
0x21f: {  	s18 =	simm.s32 $0x3200;
	v3 =	vperm.xlane v3, v2  }
0x220: {  	[tilespmem:s18], [sflag:$0x1] =	stream.indirect_vreg.gather [hbm4b:s2+s3], $0x80, v4, vm0, $0xb8;
	[tilespmem:$0x18200] =	vst v63  }
0x221: {  	s21 =	simm.s32 $0x3A00;
	v3 =	vadd.s32 v1, v3  }
0x222: {  	[tilespmem:s21], [sflag:$0x1] =	stream.indirect_vreg.gather [hbm4b:s5+s3], $0x80, v4, vm0, $0xb8;
	[tilespmem:$0x18200] =	vst v63  }
0x223: {  	s22 =	simm.s32 $0x4200  }
0x224: {  	[tilespmem:s22], [sflag:$0x1] =	stream.indirect_vreg.gather [hbm4b:s6+s3], $0x80, v4, vm0, $0xb8;
	[tilespmem:$0x18200] =	vst v63  }
0x225: {  	s23 =	simm.s32 $0x4A00  }
0x226: {  	[tilespmem:s23], [sflag:$0x1] =	stream.indirect_vreg.gather [hbm4b:s2+s3], $0x80, v3, vm0, $0xb8;
	[tilespmem:$0x18200] =	vst v63  }
0x227: {  	s24 =	simm.s32 $0x5200  }
0x228: {  	[tilespmem:s24], [sflag:$0x1] =	stream.indirect_vreg.gather [hbm4b:s5+s3], $0x80, v3, vm0, $0xb8;
	[tilespmem:$0x18200] =	vst v63  }
0x229: {  	s23 =	simm.s32 $0x5A00  }
0x22a: {  	[tilespmem:s23], [sflag:$0x1] =	stream.indirect_vreg.gather [hbm4b:s6+s3], $0x80, v3, vm0, $0xb8;
	[tilespmem:$0x18200] =	vst v63  }
0x22b: {  	v3 =	vld [tilespmem:$0x1A0];
	_ =	sdelay $0x4  }
0x22c: {  	v58 =	vshrl.u32 v3, $0x3  }
0x22d: {  	v4 =	vmul.u32 $0x30, v58  }
0x22e: {  	v3 =	vand.u32 $0x7, v3  }
0x22f: {  	v3 =	vor.u32 v3, v4  }
0x230: {  	v4 =	vperm.xlane v3, v0;
	_ =	sdelay $0x1  }
0x231: {  	v4 =	vadd.s32 v1, v4;
	_ =	sdelay $0x3  }
0x232: {  	s24 =	simm.s32 $0x6200;
	v3 =	vperm.xlane v3, v2  }
0x233: {  	[tilespmem:s24], [sflag:$0x1] =	stream.indirect_vreg.gather [hbm4b:s2+s3], $0x80, v4, vm0, $0xb8;
	[tilespmem:$0x18200] =	vst v63  }
0x234: {  	s25 =	simm.s32 $0x6A00;
	v3 =	vadd.s32 v1, v3  }
0x235: {  	[tilespmem:s25], [sflag:$0x1] =	stream.indirect_vreg.gather [hbm4b:s5+s3], $0x80, v4, vm0, $0xb8;
	[tilespmem:$0x18200] =	vst v63  }
0x236: {  	s26 =	simm.s32 $0x7200  }
0x237: {  	[tilespmem:s26], [sflag:$0x1] =	stream.indirect_vreg.gather [hbm4b:s6+s3], $0x80, v4, vm0, $0xb8;
	[tilespmem:$0x18200] =	vst v63  }
0x238: {  	s28 =	simm.s32 $0x7A00  }
0x239: {  	[tilespmem:s28], [sflag:$0x1] =	stream.indirect_vreg.gather [hbm4b:s2+s3], $0x80, v3, vm0, $0xb8;
	[tilespmem:$0x18200] =	vst v63  }
0x23a: {  	s29 =	simm.s32 $0x8200  }
0x23b: {  	[tilespmem:s29], [sflag:$0x1] =	stream.indirect_vreg.gather [hbm4b:s5+s3], $0x80, v3, vm0, $0xb8;
	[tilespmem:$0x18200] =	vst v63  }
0x23c: {  	s25 =	simm.s32 $0x8A00  }
0x23d: {  	[tilespmem:s25], [sflag:$0x1] =	stream.indirect_vreg.gather [hbm4b:s6+s3], $0x80, v3, vm0, $0xb8;
	[tilespmem:$0x18200] =	vst v63  }
0x23e: {  	v3 =	vld [tilespmem:$0x1B0];
	_ =	sdelay $0x4  }
0x23f: {  	v59 =	vshrl.u32 v3, $0x3  }
0x240: {  	v4 =	vmul.u32 $0x30, v59  }
0x241: {  	v3 =	vand.u32 $0x7, v3  }
0x242: {  	v3 =	vor.u32 v3, v4  }
0x243: {  	v4 =	vperm.xlane v3, v0;
	_ =	sdelay $0x1  }
0x244: {  	v4 =	vadd.s32 v1, v4;
	_ =	sdelay $0x3  }
0x245: {  	s17 =	simm.s32 $0x9200;
	v3 =	vperm.xlane v3, v2  }
0x246: {  	[tilespmem:s17], [sflag:$0x1] =	stream.indirect_vreg.gather [hbm4b:s2+s3], $0x80, v4, vm0, $0xb8;
	[tilespmem:$0x18200] =	vst v63  }
0x247: {  	s30 =	simm.s32 $0x9A00;
	v3 =	vadd.s32 v1, v3  }
0x248: {  	[tilespmem:s30], [sflag:$0x1] =	stream.indirect_vreg.gather [hbm4b:s5+s3], $0x80, v4, vm0, $0xb8;
	[tilespmem:$0x18200] =	vst v63  }
0x249: {  	s14 =	simm.s32 $0xA200  }
0x24a: {  	[tilespmem:s14], [sflag:$0x1] =	stream.indirect_vreg.gather [hbm4b:s6+s3], $0x80, v4, vm0, $0xb8;
	[tilespmem:$0x18200] =	vst v63  }
0x24b: {  	s15 =	simm.s32 $0xAA00  }
0x24c: {  	[tilespmem:s15], [sflag:$0x1] =	stream.indirect_vreg.gather [hbm4b:s2+s3], $0x80, v3, vm0, $0xb8;
	[tilespmem:$0x18200] =	vst v63  }
0x24d: {  	s16 =	simm.s32 $0xB200  }
0x24e: {  	[tilespmem:s16], [sflag:$0x1] =	stream.indirect_vreg.gather [hbm4b:s5+s3], $0x80, v3, vm0, $0xb8;
	[tilespmem:$0x18200] =	vst v63  }
0x24f: {  	s26 =	simm.s32 $0xBA00  }
0x250: {  	[tilespmem:s26], [sflag:$0x1] =	stream.indirect_vreg.gather [hbm4b:s6+s3], $0x80, v3, vm0, $0xb8;
	[tilespmem:$0x18200] =	vst v63  }
0x251: {  	_ =	swait.ge [sflag:s4], $0xC000  }
0x252: {  	[sflag:s4] =	ssyncset.done $0x0  }
0x253: {  	s28 =	rddreg [dreg:$0x9];
	[sflag:s4] =	ssyncadd.s32 $0xFFFF4000  }
0x254: {  	[hbm4b:s28+s3] =	stream.linear.scatter [tilespmem:s19], [sflag:$0x3], $0xC000, $0x38;
	[tilespmem:$0x18200] =	vst v63  }
0x255: {  	_ =	swait.ge [sflag:s12], $0xC000  }
0x256: {  	[sflag:s12] =	ssyncset.done $0x0  }
0x257: {  	[sflag:s12] =	ssyncadd.s32 $0xFFFF4000  }
0x258: {  	v3 =	vld [tilespmem:$0x1C0];
	_ =	sdelay $0x4  }
0x259: {  	v60 =	vshrl.u32 v3, $0x3  }
0x25a: {  	v4 =	vmul.u32 $0x30, v60  }
0x25b: {  	v3 =	vand.u32 $0x7, v3  }
0x25c: {  	v3 =	vor.u32 v3, v4  }
0x25d: {  	v4 =	vperm.xlane v3, v0;
	_ =	sdelay $0x1  }
0x25e: {  	v4 =	vadd.s32 v1, v4;
	_ =	sdelay $0x3  }
0x25f: {  	v3 =	vperm.xlane v3, v2  }
0x260: {  	[tilespmem:s8], [sflag:$0x2] =	stream.indirect_vreg.gather [hbm4b:s2+s3], $0x80, v4, vm0, $0xb8;
	[tilespmem:$0x18200] =	vst v63  }
0x261: {  	s31 =	simm.s32 $0xCA00;
	v3 =	vadd.s32 v1, v3  }
0x262: {  	[tilespmem:s31], [sflag:$0x2] =	stream.indirect_vreg.gather [hbm4b:s5+s3], $0x80, v4, vm0, $0xb8;
	[tilespmem:$0x18200] =	vst v63  }
0x263: {  	s20 =	simm.s32 $0xD200  }
0x264: {  	[tilespmem:s20], [sflag:$0x2] =	stream.indirect_vreg.gather [hbm4b:s6+s3], $0x80, v4, vm0, $0xb8;
	[tilespmem:$0x18200] =	vst v63  }
0x265: {  	s29 =	simm.s32 $0xDA00  }
0x266: {  	[tilespmem:s29], [sflag:$0x2] =	stream.indirect_vreg.gather [hbm4b:s2+s3], $0x80, v3, vm0, $0xb8;
	[tilespmem:$0x18200] =	vst v63  }
0x267: {  	s30 =	simm.s32 $0xE200  }
0x268: {  	[tilespmem:s30], [sflag:$0x2] =	stream.indirect_vreg.gather [hbm4b:s5+s3], $0x80, v3, vm0, $0xb8;
	[tilespmem:$0x18200] =	vst v63  }
0x269: {  	s31 =	simm.s32 $0xEA00  }
0x26a: {  	[tilespmem:s31], [sflag:$0x2] =	stream.indirect_vreg.gather [hbm4b:s6+s3], $0x80, v3, vm0, $0xb8;
	[tilespmem:$0x18200] =	vst v63  }
0x26b: {  	v3 =	vld [tilespmem:$0x1D0];
	_ =	sdelay $0x4  }
0x26c: {  	v61 =	vshrl.u32 v3, $0x3  }
0x26d: {  	v4 =	vmul.u32 $0x30, v61  }
0x26e: {  	v3 =	vand.u32 $0x7, v3  }
0x26f: {  	v3 =	vor.u32 v3, v4  }
0x270: {  	v4 =	vperm.xlane v3, v0;
	_ =	sdelay $0x1  }
0x271: {  	v4 =	vadd.s32 v1, v4;
	_ =	sdelay $0x3  }
0x272: {  	s1 =	simm.s32 $0xF200;
	v3 =	vperm.xlane v3, v2  }
0x273: {  	[tilespmem:s1], [sflag:$0x2] =	stream.indirect_vreg.gather [hbm4b:s2+s3], $0x80, v4, vm0, $0xb8;
	[tilespmem:$0x18200] =	vst v63  }
0x274: {  	s9 =	simm.s32 $0xFA00;
	v3 =	vadd.s32 v1, v3  }
0x275: {  	[tilespmem:s9], [sflag:$0x2] =	stream.indirect_vreg.gather [hbm4b:s5+s3], $0x80, v4, vm0, $0xb8;
	[tilespmem:$0x18200] =	vst v63  }
0x276: {  	s13 =	simm.s32 $0x10200  }
0x277: {  	[tilespmem:s13], [sflag:$0x2] =	stream.indirect_vreg.gather [hbm4b:s6+s3], $0x80, v4, vm0, $0xb8;
	[tilespmem:$0x18200] =	vst v63  }
0x278: {  	s14 =	simm.s32 $0x10A00  }
0x279: {  	[tilespmem:s14], [sflag:$0x2] =	stream.indirect_vreg.gather [hbm4b:s2+s3], $0x80, v3, vm0, $0xb8;
	[tilespmem:$0x18200] =	vst v63  }
0x27a: {  	s15 =	simm.s32 $0x11200  }
0x27b: {  	[tilespmem:s15], [sflag:$0x2] =	stream.indirect_vreg.gather [hbm4b:s5+s3], $0x80, v3, vm0, $0xb8;
	[tilespmem:$0x18200] =	vst v63  }
0x27c: {  	s16 =	simm.s32 $0x11A00  }
0x27d: {  	[tilespmem:s16], [sflag:$0x2] =	stream.indirect_vreg.gather [hbm4b:s6+s3], $0x80, v3, vm0, $0xb8;
	[tilespmem:$0x18200] =	vst v63  }
0x27e: {  	v3 =	vld [tilespmem:$0x1E0];
	_ =	sdelay $0x4  }
0x27f: {  	v62 =	vshrl.u32 v3, $0x3  }
0x280: {  	v4 =	vmul.u32 $0x30, v62  }
0x281: {  	v3 =	vand.u32 $0x7, v3  }
0x282: {  	v3 =	vor.u32 v3, v4  }
0x283: {  	v4 =	vperm.xlane v3, v0;
	_ =	sdelay $0x1  }
0x284: {  	v4 =	vadd.s32 v1, v4;
	_ =	sdelay $0x3  }
0x285: {  	s17 =	simm.s32 $0x12200;
	v3 =	vperm.xlane v3, v2  }
0x286: {  	[tilespmem:s17], [sflag:$0x2] =	stream.indirect_vreg.gather [hbm4b:s2+s3], $0x80, v4, vm0, $0xb8;
	[tilespmem:$0x18200] =	vst v63  }
0x287: {  	s18 =	simm.s32 $0x12A00;
	v3 =	vadd.s32 v1, v3  }
0x288: {  	[tilespmem:s18], [sflag:$0x2] =	stream.indirect_vreg.gather [hbm4b:s5+s3], $0x80, v4, vm0, $0xb8;
	[tilespmem:$0x18200] =	vst v63  }
0x289: {  	s20 =	simm.s32 $0x13200  }
0x28a: {  	[tilespmem:s20], [sflag:$0x2] =	stream.indirect_vreg.gather [hbm4b:s6+s3], $0x80, v4, vm0, $0xb8;
	[tilespmem:$0x18200] =	vst v63  }
0x28b: {  	s21 =	simm.s32 $0x13A00  }
0x28c: {  	[tilespmem:s21], [sflag:$0x2] =	stream.indirect_vreg.gather [hbm4b:s2+s3], $0x80, v3, vm0, $0xb8;
	[tilespmem:$0x18200] =	vst v63  }
0x28d: {  	s22 =	simm.s32 $0x14200  }
0x28e: {  	[tilespmem:s22], [sflag:$0x2] =	stream.indirect_vreg.gather [hbm4b:s5+s3], $0x80, v3, vm0, $0xb8;
	[tilespmem:$0x18200] =	vst v63  }
0x28f: {  	s23 =	simm.s32 $0x14A00  }
0x290: {  	[tilespmem:s23], [sflag:$0x2] =	stream.indirect_vreg.gather [hbm4b:s6+s3], $0x80, v3, vm0, $0xb8;
	[tilespmem:$0x18200] =	vst v63  }
0x291: {  	v3 =	vld [tilespmem:$0x1F0];
	_ =	sdelay $0x4  }
0x292: {  	v63 =	vshrl.u32 v3, $0x3  }
0x293: {  	v4 =	vmul.u32 $0x30, v63  }
0x294: {  	v3 =	vand.u32 $0x7, v3  }
0x295: {  	v3 =	vor.u32 v3, v4  }
0x296: {  	v4 =	vperm.xlane v3, v0;
	_ =	sdelay $0x1  }
0x297: {  	v4 =	vadd.s32 v1, v4;
	_ =	sdelay $0x3  }
0x298: {  	s24 =	simm.s32 $0x15200;
	v3 =	vperm.xlane v3, v2  }
0x299: {  	[tilespmem:s24], [sflag:$0x2] =	stream.indirect_vreg.gather [hbm4b:s2+s3], $0x80, v4, vm0, $0xb8;
	[tilespmem:$0x18200] =	vst v63  }
0x29a: {  	s25 =	simm.s32 $0x15A00;
	v3 =	vadd.s32 v1, v3  }
0x29b: {  	[tilespmem:s25], [sflag:$0x2] =	stream.indirect_vreg.gather [hbm4b:s5+s3], $0x80, v4, vm0, $0xb8;
	[tilespmem:$0x18200] =	vst v63  }
0x29c: {  	s26 =	simm.s32 $0x16200  }
0x29d: {  	[tilespmem:s26], [sflag:$0x2] =	stream.indirect_vreg.gather [hbm4b:s6+s3], $0x80, v4, vm0, $0xb8;
	[tilespmem:$0x18200] =	vst v63  }
0x29e: {  	s28 =	simm.s32 $0x16A00  }
0x29f: {  	[tilespmem:s28], [sflag:$0x2] =	stream.indirect_vreg.gather [hbm4b:s2+s3], $0x80, v3, vm0, $0xb8;
	[tilespmem:$0x18200] =	vst v63  }
0x2a0: {  	s29 =	simm.s32 $0x17200  }
0x2a1: {  	[tilespmem:s29], [sflag:$0x2] =	stream.indirect_vreg.gather [hbm4b:s5+s3], $0x80, v3, vm0, $0xb8;
	[tilespmem:$0x18200] =	vst v63  }
0x2a2: {  	s30 =	simm.s32 $0x17A00  }
0x2a3: {  	[tilespmem:s30], [sflag:$0x2] =	stream.indirect_vreg.gather [hbm4b:s6+s3], $0x80, v3, vm0, $0xb8;
	[tilespmem:$0x18200] =	vst v63  }
0x2a4: {  	_ =	swait.ge [sflag:s10], $0xC000  }
0x2a5: {  	[sflag:s10] =	ssyncset.done $0x0  }
0x2a6: {  	s31 =	rddreg [dreg:$0xa];
	[sflag:s10] =	ssyncadd.s32 $0xFFFF4000  }
0x2a7: {  	[hbm4b:s31+s3] =	stream.linear.scatter [tilespmem:s8], [sflag:$0x4], $0xC000, $0x38;
	[tilespmem:$0x18200] =	vst v63  }
0x2a8: {  	p0 =	sne.s32 s7, $0x1;
	_ =	swait.ge [sflag:s11], $0xC000  }
.Ltmp0:
0x2a9: {  	[sflag:s11] =	ssyncset.done $0x0;
	(pc) =	sbr.rel @p0 .LBB2_1-.Ltmp0, $4  }
0x2aa: {  	[sflag:s11] =	ssyncadd.s32 $0xFFFF4000  }
0x2ab: {  	_ =	swait.ge [sflag:s12], $0xC000  }
0x2ac: {  	[sflag:s12] =	ssyncset.done $0x0  }
0x2ad: {  	s7 =	sadd.s32 $0xFFFFFFFF, s7;
	[sflag:s12] =	ssyncadd.s32 $0xFFFF4000  }
0x2ae: {  	_ =	sfence.sel $0x180000  }
0x2af: {  	[bflag:$0x0] =	sbarrier.arrive $0xFFFF  }
0x2b0: {  	_ =	strace $0x9000004A  }
0x2b1: {  	s0 =	stileid.u32;
	[bflag:$0x2] =	sbarrier.arrive $0xFFFF  }
0x2b2: {  	p0 =	sne.s32 s0, $0x0;
	s0 =	rddreg [dreg:$0x2]  }
0x2b3: {  	s0 =	sadd.s32 @!p0 $0x100000, s0  }
0x2b4: {  	[sflag:s0] =	ssyncadd.tile.s32 @!p0 $0x1;
	_ =	shalt  }
.Lfunc_end2:
_tile_overlayer_lowered:
.L_overlay_start_2:
0x2b5: {  	(tag) =	ssettag $0x2  }
0x2b6: {  	s0 =	rddreg [dreg:$0x0];
	s2 =	stileid.u32  }
0x2b7: {  	s1 =	rddreg [dreg:$0x1];
	p0 =	sne.s32 s2, $0x0  }
0x2b8: {  	s3 =	rddreg [dreg:$0x2];
	[bflag:$0x3] =	sbarrier.arrive $0xFFFF;
	s2 =	simm.s32 @!p0 $0x1C05  }
0x2b9: {  	[timem:s3], [sflag:s2] =	dma.local @!p0 [hbm:s0], s1  }
0x2ba: {  	s0 =	simm.s32 @!p0 $0x5  }
0x2bb: {  	_ =	swait.ge @!p0 [sflag:s0], s1  }
0x2bc: {  	s1 =	ssub.s32 @!p0 $0x0, s1;
	[sflag:s0] =	ssyncset.done @!p0 $0x0  }
0x2bd: {  	[sflag:s0] =	ssyncadd.s32 @!p0 s1  }
0x2be: {  	[bflag:$0x3] =	sbarrier.arrive $0xFFFF  }
0x2bf: {  	_ =	shalt  }

// kernel: kernel.9.cloned.1.call-start
scs
__scs_entry_jumppad:
0x0: {  	(pc) =	sbr.rel $0x88, $3  }
0x1: {  	(tag) =	ssettag $0x0;
	lr =	simm.s32 $0x1  }
0x2: {  	[smem:$0x3F9C] =	sst lr;
	_ =	strace $0xD0000000  }
0x3: {  	_ = 	snop  }
0x4: {  	_ = 	snop  }
0x5: {  	_ = 	snop  }
0x6: {  	_ = 	snop  }
0x7: {  	_ = 	snop  }
__scs_overlays_trampoline_lowered:
0x8: {  	[smem:$0x3FAB] =	sst s0  }
0x9: {  	[smem:$0x3FAC] =	sst s1  }
0xa: {  	[smem:$0x3FAD] =	sst s2  }
0xb: {  	[smem:$0x3FAE] =	sst s3  }
0xc: {  	[smem:$0x3FAF] =	sst s4  }
0xd: {  	[smem:$0x3FB0] =	sst s5  }
0xe: {  	[smem:$0x3FB1] =	sst s6  }
0xf: {  	[smem:$0x3FB2] =	sst s7  }
0x10: {  	[smem:$0x3FB3] =	sst s8  }
0x11: {  	[smem:$0x3FB4] =	sst s9;
	s0 =	simm.s32 @!p0 $0x0  }
0x12: {  	s1 =	sld [smem:$0x3F9A];
	s0 =	simm.s32 @p0 $0x1  }
0x13: {  	[smem:$0x3FB5] =	sst s0;
	s0 =	simm.s32 @!p1 $0x0  }
0x14: {  	s2 =	sld [smem:$0x3F99];
	s0 =	simm.s32 @p1 $0x1  }
0x15: {  	[smem:$0x3FB6] =	sst s0;
	s0 =	simm.s32 @!p2 $0x0  }
0x16: {  	s3 =	sld [smem:$0x3FDB];
	s0 =	simm.s32 @p2 $0x1  }
0x17: {  	s4 =	simm.s32 $0x1BF5;
	[smem:$0x3FB8] =	sst s0  }
0x18: {  	s0 =	sld [smem:$0x3F9B];
	_ =	swait.ge [sflag:s4], $0x0  }
0x19: {  	s7 =	sld [smem:$0x3F9C]  }
0x1a: {  	s8 =	sadd.s32 $0xFFFFE003, lr  }
0x1b: {  	s9 =	sadd.s32 $0xFFFFFEF7, lr;
	s5 =	simm.s32 $0xFFFFFFFF;
	p2 =	slt.u32 s8, $0xFFFFF086  }
0x1c: {  	p1 =	slt.u32 s9, $0xF7A;
	s5 =	simm.s32 @!p2 $0x0  }
0x1d: {  	s5 =	simm.s32 @p1 $0x1;
	p0 =	seq.s32 s7, s2  }
0x1e: {  	s7 =	smul.u32 @!p0 $0xF7A, s2;
	p2 =	seq.s32 @!p0 s5, $0x0  }
0x1f: {  	s9 =	smul.u32 $0xF7A, s1;
	s8 =	simm.s32 @!p0 $0x1BF5;
	p2 =	por !p2, p0  }
0x20: {  	[sflag:s8] =	ssyncset.s32 @!p0 $0xFFFFF086;
	s6 =	sadd.s32 @!p0 s3, s7;
	s7 =	simm.s32 @!p0 $0x108  }
0x21: {  	s3 =	sadd.s32 s3, s9;
	s6 =	sadd.s32 @!p0 $0x88, s6;
	s7 =	simm.s32 @p2 $0x1082  }
0x22: {  	[simem:s7], [sflag:s8] =	dma.local @!p0 [hbm:s6], $0xF7A  }
0x23: {  	s9 =	sor.u32 $0xD0000000, s2;
	s6 =	simm.s32 $0x108;
	_ =	swait.ge @!p0 [sflag:s8], $0x0  }
0x24: {  	s3 =	sadd.s32 $0x88, s3;
	s6 =	simm.s32 @!p1 $0x1082;
	[sflag:s4] =	ssyncset.s32 $0xFFFFF086  }
0x25: {  	[simem:s6], [sflag:s4] =	dma.local [hbm:s3], $0xF7A  }
0x26: {  	[smem:$0x3F9C] =	sst s1;
	(tag) =	ssettag s2;
	_ =	strace s9  }
0x27: {  	s1 =	sld [smem:$0x3FAC]  }
0x28: {  	s2 =	sld [smem:$0x3FAD]  }
0x29: {  	s4 =	sld [smem:$0x3FAF]  }
0x2a: {  	p0 =	seq.s32 s5, $0x0;
	s5 =	sld [smem:$0x3FB0]  }
0x2b: {  	s6 =	sld [smem:$0x3FB1]  }
0x2c: {  	s7 =	sld [smem:$0x3FB2]  }
0x2d: {  	s3 =	simm.s32 $0x108;
	s8 =	sld [smem:$0x3FB3]  }
0x2e: {  	s3 =	simm.s32 @!p0 $0x1082;
	s9 =	sld [smem:$0x3FB4]  }
0x2f: {  	lr =	sadd.s32 s0, s3;
	s0 =	sld [smem:$0x3FAB]  }
0x30: {  	s3 =	sld [smem:$0x3FAE]  }
0x31: {  	[smem:$0x3FB7] =	sst s10  }
0x32: {  	s10 =	sld [smem:$0x3FB5];
	_ =	sdelay $0x3  }
0x33: {  	p0 =	seq.s32 s10, $0x1;
	s10 =	sld [smem:$0x3FB7];
	_ =	sdelay $0x3  }
0x34: {  	[smem:$0x3FB7] =	sst s10  }
0x35: {  	s10 =	sld [smem:$0x3FB6];
	_ =	sdelay $0x3  }
0x36: {  	p1 =	seq.s32 s10, $0x1;
	s10 =	sld [smem:$0x3FB7];
	_ =	sdelay $0x3  }
0x37: {  	[smem:$0x3FB7] =	sst s10  }
0x38: {  	s10 =	sld [smem:$0x3FB8]  }
0x39: {  	_ = 	snop;
	(pc) =	sbr.ind lr, $3  }
0x3a: {  	_ = 	snop  }
0x3b: {  	_ = 	snop  }
0x3c: {  	p2 =	seq.s32 s10, $0x1;
	s10 =	sld [smem:$0x3FB7]  }
0x3d: {  	_ =	shalt  }
0x3e: {  	_ =	shalt  }
0x3f: {  	_ =	shalt  }
0x40: {  	_ =	shalt  }
0x41: {  	_ =	shalt  }
0x42: {  	_ =	shalt  }
0x43: {  	_ =	shalt  }
0x44: {  	_ =	shalt  }
0x45: {  	_ =	shalt  }
0x46: {  	_ =	shalt  }
0x47: {  	_ =	shalt  }
0x48: {  	_ =	shalt  }
0x49: {  	_ =	shalt  }
0x4a: {  	_ =	shalt  }
0x4b: {  	_ =	shalt  }
0x4c: {  	_ =	shalt  }
0x4d: {  	_ =	shalt  }
0x4e: {  	_ =	shalt  }
0x4f: {  	_ =	shalt  }
0x50: {  	_ =	shalt  }
0x51: {  	_ =	shalt  }
0x52: {  	_ =	shalt  }
0x53: {  	_ =	shalt  }
0x54: {  	_ =	shalt  }
0x55: {  	_ =	shalt  }
0x56: {  	_ =	shalt  }
0x57: {  	_ =	shalt  }
0x58: {  	_ =	shalt  }
0x59: {  	_ =	shalt  }
0x5a: {  	_ =	shalt  }
0x5b: {  	_ =	shalt  }
0x5c: {  	_ =	shalt  }
0x5d: {  	_ =	shalt  }
0x5e: {  	_ =	shalt  }
0x5f: {  	_ =	shalt  }
0x60: {  	_ =	shalt  }
0x61: {  	_ =	shalt  }
0x62: {  	_ =	shalt  }
0x63: {  	_ =	shalt  }
0x64: {  	_ =	shalt  }
0x65: {  	_ =	shalt  }
0x66: {  	_ =	shalt  }
0x67: {  	_ =	shalt  }
0x68: {  	_ =	shalt  }
0x69: {  	_ =	shalt  }
0x6a: {  	_ =	shalt  }
0x6b: {  	_ =	shalt  }
0x6c: {  	_ =	shalt  }
0x6d: {  	_ =	shalt  }
0x6e: {  	_ =	shalt  }
0x6f: {  	_ =	shalt  }
0x70: {  	_ =	shalt  }
0x71: {  	_ =	shalt  }
0x72: {  	_ =	shalt  }
0x73: {  	_ =	shalt  }
0x74: {  	_ =	shalt  }
0x75: {  	_ =	shalt  }
0x76: {  	_ =	shalt  }
0x77: {  	_ =	shalt  }
0x78: {  	_ =	shalt  }
0x79: {  	_ =	shalt  }
0x7a: {  	_ =	shalt  }
0x7b: {  	_ =	shalt  }
0x7c: {  	_ =	shalt  }
0x7d: {  	_ =	shalt  }
0x7e: {  	_ =	shalt  }
0x7f: {  	_ =	shalt  }
0x80: {  	_ =	shalt  }
0x81: {  	_ =	shalt  }
0x82: {  	_ =	shalt  }
0x83: {  	_ =	shalt  }
0x84: {  	_ =	shalt  }
0x85: {  	_ =	shalt  }
0x86: {  	_ =	shalt  }
0x87: {  	_ =	shalt  }
.Lfunc_end0:
.L_simem_size_0:
called_computation_lowered:
.L_overlay_start_0:
0x88: {  	s2 =	sld [smem:$0x3FD9]  }
0x89: {  	s3 =	sld [smem:$0x3FFE];
	_ =	sdelay $0x1  }
0x8a: {  	s1 =	srdreg.scid  }
0x8b: {  	s0 =	sand.u32 $0x1, s1  }
0x8c: {  	s14 =	sshll.u32 s0, $0xA;
	s2 =	sadd.s32 s3, s2  }
0x8d: {  	s2 =	sadd.s32 s2, s14  }
0x8e: {  	[smem:$0x3FC3] =	sst s2  }
0x8f: {  	_ = 	snop  }
0x90: {  	s2 =	sld [smem:$0x3FD0];
	_ =	sdelay $0x2  }
0x91: {  	s4 =	simm.s32 $0xB;
	s5 =	simm.s32 $0x10;
	s15 =	sld [smem:$0x3FC7]  }
0x92: {  	[smem:s5], [sflag:s4] =	dma.local [hbm:s2], $0x1  }
0x93: {  	_ =	swait.eq [sflag:s4], $0x1  }
0x94: {  	[sflag:s4] =	ssyncset.done $0x0  }
0x95: {  	[sflag:s4] =	ssyncadd.s32 $0xFFFFFFFF  }
0x96: {  	s16 =	sld [smem:$0x11];
	(tm) =	ssettm $0x1  }
0x97: {  	s17 =	sld [smem:$0x3FFB];
	_ =	sdelay $0x3  }
0x98: {  	_ =	strace s17  }
0x99: {  	s4 =	sld [smem:$0x3FFC];
	_ =	sdelay $0x3  }
0x9a: {  	_ =	strace s4  }
0x9b: {  	s4 =	sld [smem:$0x3FFD];
	_ =	sdelay $0x3  }
0x9c: {  	_ =	strace s4  }
0x9d: {  	_ =	strace $0x8FFFFFFF  }
0x9e: {  	s18 =	sld [smem:$0x3FDB];
	_ =	sdelay $0x1  }
0x9f: {  	s19 =	simm.s32 $_scs_section_size  }
0xa0: {  	s6 =	simm.s32 $_size__tile_overlayer_lowered;
	s7 =	simm.s32 $_tile_overlayer_lowered  }
0xa1: {  	s22 =	simm.s32 $0x1BFF;
	s21 =	sshll.u32 s7, $0x1;
	s4 =	sadd.s32 s19, s18  }
0xa2: {  	s8 =	simm.s32 $0x0;
	s20 =	sshll.u32 s6, $0x1;
	s6 =	sadd.s32 s21, s4  }
0xa3: {  	[timem:s8], [sflag:s22] =	dma.local [hbm:s6], s20  }
0xa4: {  	_ =	swait.ge [sflag:s22], s20  }
0xa5: {  	s5 =	ssub.s32 $0x0, s20;
	[sflag:s22] =	ssyncset.done $0x0  }
0xa6: {  	[sflag:s22] =	ssyncadd.s32 s5;
	_ =	sdelay $0x1  }
0xa7: {  	s23 =	simm.s32 $0x1B8B  }
0xa8: {  	_ =	swait.ge [sflag:s23], $0x1  }
0xa9: {  	[sflag:s23] =	ssyncset.done $0x0  }
0xaa: {  	s25 =	simm.s32 $0x1B8E;
	s24 =	sld [smem:$0x3FFE];
	[sflag:s23] =	ssyncadd.s32 $0xFFFFFFFF  }
0xab: {  	s26 =	simm.s32 $execute0_lowered;
	[smem:$0x3FD2] =	sst s25  }
0xac: {  	s6 =	sshll.u32 s26, $0x1;
	_ =	strace $0x80000046;
	[dreg:$0x1] =	wrdreg $0xFFFFFFFF  }
0xad: {  	s28 =	simm.s32 $_size_execute0_lowered;
	s4 =	sadd.s32 s4, s6;
	[dreg:$0x0] =	wrdreg $0x0  }
0xae: {  	s6 =	sshll.u32 s28, $0x1;
	[dreg:$0x2] =	wrdreg s4  }
0xaf: {  	[dreg:$0x3] =	wrdreg s6  }
0xb0: {  	[dreg:$0x4] =	wrdreg $0xC0  }
0xb1: {  	_ =	task [dreg:s8], $0x5FFFF  }
0xb2: {  	[dreg:$0x1] =	wrdreg $0xFFFFFFFF  }
0xb3: {  	[dreg:$0x0] =	wrdreg $0x60  }
0xb4: {  	[dreg:$0x2] =	wrdreg s15  }
0xb5: {  	[dreg:$0x3] =	wrdreg s16  }
0xb6: {  	[dreg:$0x4] =	wrdreg s24  }
0xb7: {  	[dreg:$0x5] =	wrdreg $0x9  }
0xb8: {  	_ =	task.clear_ibuf [dreg:s8], $0x6FFFF;
	_ =	strace $0x90000046  }
0xb9: {  	s29 =	simm.s32 $0x9;
	_ =	strace $0x80000048  }
0xba: {  	_ =	swait.ge [sflag:s29], $0x1  }
0xbb: {  	[sflag:s29] =	ssyncadd.s32 $0xFFFFFFFF  }
0xbc: {  	_ =	strace $0x90000048  }
0xbd: {  	_ =	sfence  }
0xbe: {  	s30 =	sld [smem:$0x0];
	_ =	sdelay $0x2  }
0xbf: {  	s31 =	sshll.u32 s1, $0xD;
	s1 =	sshrl.u32 s1, $0x2  }
0xc0: {  	s3 =	sand.u32 $0x4000, s31;
	s1 =	sadd.s32 s1, s30  }
0xc1: {  	s0 =	sor.u32 s3, s0;
	s1 =	sshll.u32 s1, $0x11  }
0xc2: {  	s0 =	sor.u32 s1, s0  }
0xc3: {  	s0 =	sadd.s32 $0x8F2B, s0  }
0xc4: {  	[sflag:s0] =	ssyncadd.remote.s32 $0x1  }
0xc5: {  	_ =	sfence.sel $0xFFFF  }
0xc6: {  	[dreg:$0x0] =	wrdreg $0xFFFFFFFF;
	(pc) =	sbr.abs _section_cstart, $3  }
0xc7: {  	[dreg:$0x1] =	wrdreg $0xFFFFFFFF  }
0xc8: {  	_ =	task.clear_ibuf [dreg:s8], $0x2FFFF;
	_ =	strace $0x9FFFFFFF  }
0xc9: {  	(tm) =	ssettm $0x7FFFFFFF  }
tec
execute0_lowered:
.L_overlay_start_1:
0x0: {  	(tag) =	ssettag $0x1  }
0x1: {  	s1 =	rddreg [dreg:$0x0]  }
0x2: {  	s0 =	srdreg.scid;
	s2 =	rddreg [dreg:$0x1]  }
0x3: {  	s3 =	stileid.u32;
	s5 =	rddreg [dreg:$0x2]  }
0x4: {  	s19 =	simm.s32 $0x200;
	s8 =	simm.s32 $0xC200;
	s0 =	sand.u32 $0x1, s0  }
0x5: {  	s10 =	simm.s32 $0x2;
	s3 =	sshll.u32 s3, $0x7;
	s4 =	sshll.u32 s0, $0x6  }
0x6: {  	s11 =	simm.s32 $0x3;
	s12 =	simm.s32 $0x4;
	s4 =	sor.u32 s4, s3  }
0x7: {  	s5 =	sadd.s32 $0x800, s5;
	s3 =	simm.s32 $0x0;
	s6 =	smul.u32 $0x300, s4  }
0x8: {  	[smem:$0x7FF] =	sst s3;
	s7 =	smul.u32 $0x1800, s4;
	s2 =	sadd.s32 s2, s4  }
0x9: {  	_ =	strace $0x80000047;
	[dreg:$0x4] =	wrdreg s2;
	s6 =	sadd.s32 s5, s6  }
0xa: {  	s23 =	sshrl.u32 s7, $0x3;
	s22 =	sadd.s32 $0x1800, s6;
	[dreg:$0xc] =	wrdreg s6  }
0xb: {  	s24 =	sadd.s32 $0x3000, s6;
	s4 =	sadd.s32 s5, s23;
	[dreg:$0x5] =	wrdreg s22  }
0xc: {  	s0 =	ssub.s32 $0x2, s0;
	[dreg:$0x6] =	wrdreg s24;
	s25 =	sadd.s32 $0x4800, s4  }
0xd: {  	s29 =	sshrl.u32 s0, $0x1;
	s26 =	sadd.s32 $0x6000, s4;
	[dreg:$0x7] =	wrdreg s25  }
0xe: {  	s0 =	ssub.s32 s0, s29;
	s28 =	sadd.s32 $0x7800, s4;
	[dreg:$0x8] =	wrdreg s26  }
0xf: {  	v2 =	vlaneseq.u32;
	s7 =	smax.u32 s0, $0x1;
	s30 =	sadd.s32 $0x9000, s4;
	[dreg:$0x9] =	wrdreg s28  }
0x10: {  	vm0 =	vmmov $0xffff;
	v1 =	vshrl.u32 v2, $0x3;
	s5 =	sadd.s32 $0x100, s1;
	s31 =	sadd.s32 $0xA800, s4;
	[dreg:$0xa] =	wrdreg s30  }
0x11: {  	v0 =	vand.u32 $0x7, v2;
	v2 =	vor.u32 $0x8, v2;
	v1 =	vmul.u32 $0x8, v1;
	s6 =	sadd.s32 $0x200, s1;
	s4 =	simm.s32 $0x1;
	[dreg:$0xb] =	wrdreg s31  }
.LBB2_1:
0x12: {  	s13 =	rddreg [dreg:$0x4];
	s0 =	simm.s32 $0x5  }
0x13: {  	[tilespmem:s3], [sflag:$0x5] =	stream.linear.gather [hbm4b:s13+s3], $0x200, $0x38;
	[tilespmem:$0x18200] =	vst v63  }
0x14: {  	_ =	swait.ge [sflag:s0], $0x200  }
0x15: {  	[sflag:s0] =	ssyncset.done $0x0  }
0x16: {  	[sflag:s0] =	ssyncadd.s32 $0xFFFFFE00  }
0x17: {  	v3 =	vld [tilespmem:$0x0];
	_ =	sdelay $0x4  }
0x18: {  	v4 =	vshrl.u32 v3, $0x3  }
0x19: {  	v4 =	vmul.u32 $0x30, v4  }
0x1a: {  	v3 =	vand.u32 $0x7, v3  }
0x1b: {  	v3 =	vor.u32 v3, v4  }
0x1c: {  	v4 =	vperm.xlane v3, v0;
	_ =	sdelay $0x1  }
0x1d: {  	v4 =	vadd.s32 v1, v4;
	_ =	sdelay $0x3  }
0x1e: {  	v3 =	vperm.xlane v3, v2  }
0x1f: {  	[tilespmem:s19], [sflag:$0x1] =	stream.indirect_vreg.gather [hbm4b:s1+s3], $0x80, v4, vm0, $0xb8;
	[tilespmem:$0x18200] =	vst v63  }
0x20: {  	s0 =	simm.s32 $0xA00;
	v3 =	vadd.s32 v1, v3  }
0x21: {  	[tilespmem:s0], [sflag:$0x1] =	stream.indirect_vreg.gather [hbm4b:s5+s3], $0x80, v4, vm0, $0xb8;
	[tilespmem:$0x18200] =	vst v63  }
0x22: {  	s2 =	simm.s32 $0x1200  }
0x23: {  	[tilespmem:s2], [sflag:$0x1] =	stream.indirect_vreg.gather [hbm4b:s6+s3], $0x80, v4, vm0, $0xb8;
	[tilespmem:$0x18200] =	vst v63  }
0x24: {  	s9 =	simm.s32 $0x1A00  }
0x25: {  	[tilespmem:s9], [sflag:$0x1] =	stream.indirect_vreg.gather [hbm4b:s1+s3], $0x80, v3, vm0, $0xb8;
	[tilespmem:$0x18200] =	vst v63  }
0x26: {  	s13 =	simm.s32 $0x2200  }
0x27: {  	[tilespmem:s13], [sflag:$0x1] =	stream.indirect_vreg.gather [hbm4b:s5+s3], $0x80, v3, vm0, $0xb8;
	[tilespmem:$0x18200] =	vst v63  }
0x28: {  	s14 =	simm.s32 $0x2A00  }
0x29: {  	[tilespmem:s14], [sflag:$0x1] =	stream.indirect_vreg.gather [hbm4b:s6+s3], $0x80, v3, vm0, $0xb8;
	[tilespmem:$0x18200] =	vst v63  }
0x2a: {  	v3 =	vld [tilespmem:$0x10];
	_ =	sdelay $0x4  }
0x2b: {  	v33 =	vshrl.u32 v3, $0x3  }
0x2c: {  	v4 =	vmul.u32 $0x30, v33  }
0x2d: {  	v3 =	vand.u32 $0x7, v3  }
0x2e: {  	v3 =	vor.u32 v3, v4  }
0x2f: {  	v4 =	vperm.xlane v3, v0;
	_ =	sdelay $0x1  }
0x30: {  	v4 =	vadd.s32 v1, v4;
	_ =	sdelay $0x3  }
0x31: {  	s15 =	simm.s32 $0x3200;
	v3 =	vperm.xlane v3, v2  }
0x32: {  	[tilespmem:s15], [sflag:$0x1] =	stream.indirect_vreg.gather [hbm4b:s1+s3], $0x80, v4, vm0, $0xb8;
	[tilespmem:$0x18200] =	vst v63  }
0x33: {  	s16 =	simm.s32 $0x3A00;
	v3 =	vadd.s32 v1, v3  }
0x34: {  	[tilespmem:s16], [sflag:$0x1] =	stream.indirect_vreg.gather [hbm4b:s5+s3], $0x80, v4, vm0, $0xb8;
	[tilespmem:$0x18200] =	vst v63  }
0x35: {  	s17 =	simm.s32 $0x4200  }
0x36: {  	[tilespmem:s17], [sflag:$0x1] =	stream.indirect_vreg.gather [hbm4b:s6+s3], $0x80, v4, vm0, $0xb8;
	[tilespmem:$0x18200] =	vst v63  }
0x37: {  	s18 =	simm.s32 $0x4A00  }
0x38: {  	[tilespmem:s18], [sflag:$0x1] =	stream.indirect_vreg.gather [hbm4b:s1+s3], $0x80, v3, vm0, $0xb8;
	[tilespmem:$0x18200] =	vst v63  }
0x39: {  	s20 =	simm.s32 $0x5200  }
0x3a: {  	[tilespmem:s20], [sflag:$0x1] =	stream.indirect_vreg.gather [hbm4b:s5+s3], $0x80, v3, vm0, $0xb8;
	[tilespmem:$0x18200] =	vst v63  }
0x3b: {  	s21 =	simm.s32 $0x5A00  }
0x3c: {  	[tilespmem:s21], [sflag:$0x1] =	stream.indirect_vreg.gather [hbm4b:s6+s3], $0x80, v3, vm0, $0xb8;
	[tilespmem:$0x18200] =	vst v63  }
0x3d: {  	v3 =	vld [tilespmem:$0x20];
	_ =	sdelay $0x4  }
0x3e: {  	v34 =	vshrl.u32 v3, $0x3  }
0x3f: {  	v4 =	vmul.u32 $0x30, v34  }
0x40: {  	v3 =	vand.u32 $0x7, v3  }
0x41: {  	v3 =	vor.u32 v3, v4  }
0x42: {  	v4 =	vperm.xlane v3, v0;
	_ =	sdelay $0x1  }
0x43: {  	v4 =	vadd.s32 v1, v4;
	_ =	sdelay $0x3  }
0x44: {  	s22 =	simm.s32 $0x6200;
	v3 =	vperm.xlane v3, v2  }
0x45: {  	[tilespmem:s22], [sflag:$0x1] =	stream.indirect_vreg.gather [hbm4b:s1+s3], $0x80, v4, vm0, $0xb8;
	[tilespmem:$0x18200] =	vst v63  }
0x46: {  	s23 =	simm.s32 $0x6A00;
	v3 =	vadd.s32 v1, v3  }
0x47: {  	[tilespmem:s23], [sflag:$0x1] =	stream.indirect_vreg.gather [hbm4b:s5+s3], $0x80, v4, vm0, $0xb8;
	[tilespmem:$0x18200] =	vst v63  }
0x48: {  	s24 =	simm.s32 $0x7200  }
0x49: {  	[tilespmem:s24], [sflag:$0x1] =	stream.indirect_vreg.gather [hbm4b:s6+s3], $0x80, v4, vm0, $0xb8;
	[tilespmem:$0x18200] =	vst v63  }
0x4a: {  	s25 =	simm.s32 $0x7A00  }
0x4b: {  	[tilespmem:s25], [sflag:$0x1] =	stream.indirect_vreg.gather [hbm4b:s1+s3], $0x80, v3, vm0, $0xb8;
	[tilespmem:$0x18200] =	vst v63  }
0x4c: {  	s28 =	simm.s32 $0x8200  }
0x4d: {  	[tilespmem:s28], [sflag:$0x1] =	stream.indirect_vreg.gather [hbm4b:s5+s3], $0x80, v3, vm0, $0xb8;
	[tilespmem:$0x18200] =	vst v63  }
0x4e: {  	s29 =	simm.s32 $0x8A00  }
0x4f: {  	[tilespmem:s29], [sflag:$0x1] =	stream.indirect_vreg.gather [hbm4b:s6+s3], $0x80, v3, vm0, $0xb8;
	[tilespmem:$0x18200] =	vst v63  }
0x50: {  	v3 =	vld [tilespmem:$0x30];
	_ =	sdelay $0x4  }
0x51: {  	v35 =	vshrl.u32 v3, $0x3  }
0x52: {  	v4 =	vmul.u32 $0x30, v35  }
0x53: {  	v3 =	vand.u32 $0x7, v3  }
0x54: {  	v3 =	vor.u32 v3, v4  }
0x55: {  	v4 =	vperm.xlane v3, v0;
	_ =	sdelay $0x1  }
0x56: {  	v4 =	vadd.s32 v1, v4;
	_ =	sdelay $0x3  }
0x57: {  	s30 =	simm.s32 $0x9200;
	v3 =	vperm.xlane v3, v2  }
0x58: {  	[tilespmem:s30], [sflag:$0x1] =	stream.indirect_vreg.gather [hbm4b:s1+s3], $0x80, v4, vm0, $0xb8;
	[tilespmem:$0x18200] =	vst v63  }
0x59: {  	s2 =	simm.s32 $0x9A00;
	v3 =	vadd.s32 v1, v3  }
0x5a: {  	[tilespmem:s2], [sflag:$0x1] =	stream.indirect_vreg.gather [hbm4b:s5+s3], $0x80, v4, vm0, $0xb8;
	[tilespmem:$0x18200] =	vst v63  }
0x5b: {  	s9 =	simm.s32 $0xA200  }
0x5c: {  	[tilespmem:s9], [sflag:$0x1] =	stream.indirect_vreg.gather [hbm4b:s6+s3], $0x80, v4, vm0, $0xb8;
	[tilespmem:$0x18200] =	vst v63  }
0x5d: {  	s13 =	simm.s32 $0xAA00  }
0x5e: {  	[tilespmem:s13], [sflag:$0x1] =	stream.indirect_vreg.gather [hbm4b:s1+s3], $0x80, v3, vm0, $0xb8;
	[tilespmem:$0x18200] =	vst v63  }
0x5f: {  	s17 =	simm.s32 $0xB200  }
0x60: {  	[tilespmem:s17], [sflag:$0x1] =	stream.indirect_vreg.gather [hbm4b:s5+s3], $0x80, v3, vm0, $0xb8;
	[tilespmem:$0x18200] =	vst v63  }
0x61: {  	s18 =	simm.s32 $0xBA00  }
0x62: {  	[tilespmem:s18], [sflag:$0x1] =	stream.indirect_vreg.gather [hbm4b:s6+s3], $0x80, v3, vm0, $0xb8;
	[tilespmem:$0x18200] =	vst v63  }
0x63: {  	_ =	swait.ge [sflag:s4], $0xC000  }
0x64: {  	[sflag:s4] =	ssyncset.done $0x0  }
0x65: {  	s20 =	rddreg [dreg:$0xc];
	[sflag:s4] =	ssyncadd.s32 $0xFFFF4000  }
0x66: {  	[hbm4b:s20+s3] =	stream.linear.scatter [tilespmem:s19], [sflag:$0x3], $0xC000, $0x38;
	[tilespmem:$0x18200] =	vst v63  }
0x67: {  	v3 =	vld [tilespmem:$0x40];
	_ =	sdelay $0x4  }
0x68: {  	v36 =	vshrl.u32 v3, $0x3  }
0x69: {  	v4 =	vmul.u32 $0x30, v36  }
0x6a: {  	v3 =	vand.u32 $0x7, v3  }
0x6b: {  	v3 =	vor.u32 v3, v4  }
0x6c: {  	v4 =	vperm.xlane v3, v0;
	_ =	sdelay $0x1  }
0x6d: {  	v4 =	vadd.s32 v1, v4;
	_ =	sdelay $0x3  }
0x6e: {  	v3 =	vperm.xlane v3, v2  }
0x6f: {  	[tilespmem:s8], [sflag:$0x2] =	stream.indirect_vreg.gather [hbm4b:s1+s3], $0x80, v4, vm0, $0xb8;
	[tilespmem:$0x18200] =	vst v63  }
0x70: {  	s21 =	simm.s32 $0xCA00;
	v3 =	vadd.s32 v1, v3  }
0x71: {  	[tilespmem:s21], [sflag:$0x2] =	stream.indirect_vreg.gather [hbm4b:s5+s3], $0x80, v4, vm0, $0xb8;
	[tilespmem:$0x18200] =	vst v63  }
0x72: {  	s22 =	simm.s32 $0xD200  }
0x73: {  	[tilespmem:s22], [sflag:$0x2] =	stream.indirect_vreg.gather [hbm4b:s6+s3], $0x80, v4, vm0, $0xb8;
	[tilespmem:$0x18200] =	vst v63  }
0x74: {  	s23 =	simm.s32 $0xDA00  }
0x75: {  	[tilespmem:s23], [sflag:$0x2] =	stream.indirect_vreg.gather [hbm4b:s1+s3], $0x80, v3, vm0, $0xb8;
	[tilespmem:$0x18200] =	vst v63  }
0x76: {  	s24 =	simm.s32 $0xE200  }
0x77: {  	[tilespmem:s24], [sflag:$0x2] =	stream.indirect_vreg.gather [hbm4b:s5+s3], $0x80, v3, vm0, $0xb8;
	[tilespmem:$0x18200] =	vst v63  }
0x78: {  	s25 =	simm.s32 $0xEA00  }
0x79: {  	[tilespmem:s25], [sflag:$0x2] =	stream.indirect_vreg.gather [hbm4b:s6+s3], $0x80, v3, vm0, $0xb8;
	[tilespmem:$0x18200] =	vst v63  }
0x7a: {  	v3 =	vld [tilespmem:$0x50];
	_ =	sdelay $0x4  }
0x7b: {  	v37 =	vshrl.u32 v3, $0x3  }
0x7c: {  	v4 =	vmul.u32 $0x30, v37  }
0x7d: {  	v3 =	vand.u32 $0x7, v3  }
0x7e: {  	v3 =	vor.u32 v3, v4  }
0x7f: {  	v4 =	vperm.xlane v3, v0;
	_ =	sdelay $0x1  }
0x80: {  	v4 =	vadd.s32 v1, v4;
	_ =	sdelay $0x3  }
0x81: {  	s28 =	simm.s32 $0xF200;
	v3 =	vperm.xlane v3, v2  }
0x82: {  	[tilespmem:s28], [sflag:$0x2] =	stream.indirect_vreg.gather [hbm4b:s1+s3], $0x80, v4, vm0, $0xb8;
	[tilespmem:$0x18200] =	vst v63  }
0x83: {  	s29 =	simm.s32 $0xFA00;
	v3 =	vadd.s32 v1, v3  }
0x84: {  	[tilespmem:s29], [sflag:$0x2] =	stream.indirect_vreg.gather [hbm4b:s5+s3], $0x80, v4, vm0, $0xb8;
	[tilespmem:$0x18200] =	vst v63  }
0x85: {  	s30 =	simm.s32 $0x10200  }
0x86: {  	[tilespmem:s30], [sflag:$0x2] =	stream.indirect_vreg.gather [hbm4b:s6+s3], $0x80, v4, vm0, $0xb8;
	[tilespmem:$0x18200] =	vst v63  }
0x87: {  	s0 =	simm.s32 $0x10A00  }
0x88: {  	[tilespmem:s0], [sflag:$0x2] =	stream.indirect_vreg.gather [hbm4b:s1+s3], $0x80, v3, vm0, $0xb8;
	[tilespmem:$0x18200] =	vst v63  }
0x89: {  	s2 =	simm.s32 $0x11200  }
0x8a: {  	[tilespmem:s2], [sflag:$0x2] =	stream.indirect_vreg.gather [hbm4b:s5+s3], $0x80, v3, vm0, $0xb8;
	[tilespmem:$0x18200] =	vst v63  }
0x8b: {  	s9 =	simm.s32 $0x11A00  }
0x8c: {  	[tilespmem:s9], [sflag:$0x2] =	stream.indirect_vreg.gather [hbm4b:s6+s3], $0x80, v3, vm0, $0xb8;
	[tilespmem:$0x18200] =	vst v63  }
0x8d: {  	v3 =	vld [tilespmem:$0x60];
	_ =	sdelay $0x4  }
0x8e: {  	v38 =	vshrl.u32 v3, $0x3  }
0x8f: {  	v4 =	vmul.u32 $0x30, v38  }
0x90: {  	v3 =	vand.u32 $0x7, v3  }
0x91: {  	v3 =	vor.u32 v3, v4  }
0x92: {  	v4 =	vperm.xlane v3, v0;
	_ =	sdelay $0x1  }
0x93: {  	v4 =	vadd.s32 v1, v4;
	_ =	sdelay $0x3  }
0x94: {  	s17 =	simm.s32 $0x12200;
	v3 =	vperm.xlane v3, v2  }
0x95: {  	[tilespmem:s17], [sflag:$0x2] =	stream.indirect_vreg.gather [hbm4b:s1+s3], $0x80, v4, vm0, $0xb8;
	[tilespmem:$0x18200] =	vst v63  }
0x96: {  	s21 =	simm.s32 $0x12A00;
	v3 =	vadd.s32 v1, v3  }
0x97: {  	[tilespmem:s21], [sflag:$0x2] =	stream.indirect_vreg.gather [hbm4b:s5+s3], $0x80, v4, vm0, $0xb8;
	[tilespmem:$0x18200] =	vst v63  }
0x98: {  	s22 =	simm.s32 $0x13200  }
0x99: {  	[tilespmem:s22], [sflag:$0x2] =	stream.indirect_vreg.gather [hbm4b:s6+s3], $0x80, v4, vm0, $0xb8;
	[tilespmem:$0x18200] =	vst v63  }
0x9a: {  	s23 =	simm.s32 $0x13A00  }
0x9b: {  	[tilespmem:s23], [sflag:$0x2] =	stream.indirect_vreg.gather [hbm4b:s1+s3], $0x80, v3, vm0, $0xb8;
	[tilespmem:$0x18200] =	vst v63  }
0x9c: {  	s24 =	simm.s32 $0x14200  }
0x9d: {  	[tilespmem:s24], [sflag:$0x2] =	stream.indirect_vreg.gather [hbm4b:s5+s3], $0x80, v3, vm0, $0xb8;
	[tilespmem:$0x18200] =	vst v63  }
0x9e: {  	s25 =	simm.s32 $0x14A00  }
0x9f: {  	[tilespmem:s25], [sflag:$0x2] =	stream.indirect_vreg.gather [hbm4b:s6+s3], $0x80, v3, vm0, $0xb8;
	[tilespmem:$0x18200] =	vst v63  }
0xa0: {  	v3 =	vld [tilespmem:$0x70];
	_ =	sdelay $0x4  }
0xa1: {  	v39 =	vshrl.u32 v3, $0x3  }
0xa2: {  	v4 =	vmul.u32 $0x30, v39  }
0xa3: {  	v3 =	vand.u32 $0x7, v3  }
0xa4: {  	v3 =	vor.u32 v3, v4  }
0xa5: {  	v4 =	vperm.xlane v3, v0;
	_ =	sdelay $0x1  }
0xa6: {  	v4 =	vadd.s32 v1, v4;
	_ =	sdelay $0x3  }
0xa7: {  	s28 =	simm.s32 $0x15200;
	v3 =	vperm.xlane v3, v2  }
0xa8: {  	[tilespmem:s28], [sflag:$0x2] =	stream.indirect_vreg.gather [hbm4b:s1+s3], $0x80, v4, vm0, $0xb8;
	[tilespmem:$0x18200] =	vst v63  }
0xa9: {  	s29 =	simm.s32 $0x15A00;
	v3 =	vadd.s32 v1, v3  }
0xaa: {  	[tilespmem:s29], [sflag:$0x2] =	stream.indirect_vreg.gather [hbm4b:s5+s3], $0x80, v4, vm0, $0xb8;
	[tilespmem:$0x18200] =	vst v63  }
0xab: {  	s30 =	simm.s32 $0x16200  }
0xac: {  	[tilespmem:s30], [sflag:$0x2] =	stream.indirect_vreg.gather [hbm4b:s6+s3], $0x80, v4, vm0, $0xb8;
	[tilespmem:$0x18200] =	vst v63  }
0xad: {  	s0 =	simm.s32 $0x16A00  }
0xae: {  	[tilespmem:s0], [sflag:$0x2] =	stream.indirect_vreg.gather [hbm4b:s1+s3], $0x80, v3, vm0, $0xb8;
	[tilespmem:$0x18200] =	vst v63  }
0xaf: {  	s2 =	simm.s32 $0x17200  }
0xb0: {  	[tilespmem:s2], [sflag:$0x2] =	stream.indirect_vreg.gather [hbm4b:s5+s3], $0x80, v3, vm0, $0xb8;
	[tilespmem:$0x18200] =	vst v63  }
0xb1: {  	s9 =	simm.s32 $0x17A00  }
0xb2: {  	[tilespmem:s9], [sflag:$0x2] =	stream.indirect_vreg.gather [hbm4b:s6+s3], $0x80, v3, vm0, $0xb8;
	[tilespmem:$0x18200] =	vst v63  }
0xb3: {  	_ =	swait.ge [sflag:s10], $0xC000  }
0xb4: {  	[sflag:s10] =	ssyncset.done $0x0  }
0xb5: {  	s17 =	rddreg [dreg:$0x5];
	[sflag:s10] =	ssyncadd.s32 $0xFFFF4000  }
0xb6: {  	[hbm4b:s17+s3] =	stream.linear.scatter [tilespmem:s8], [sflag:$0x4], $0xC000, $0x38;
	[tilespmem:$0x18200] =	vst v63  }
0xb7: {  	_ =	swait.ge [sflag:s11], $0xC000  }
0xb8: {  	[sflag:s11] =	ssyncset.done $0x0  }
0xb9: {  	[sflag:s11] =	ssyncadd.s32 $0xFFFF4000  }
0xba: {  	v3 =	vld [tilespmem:$0x80];
	_ =	sdelay $0x4  }
0xbb: {  	v40 =	vshrl.u32 v3, $0x3  }
0xbc: {  	v4 =	vmul.u32 $0x30, v40  }
0xbd: {  	v3 =	vand.u32 $0x7, v3  }
0xbe: {  	v3 =	vor.u32 v3, v4  }
0xbf: {  	v4 =	vperm.xlane v3, v0;
	_ =	sdelay $0x1  }
0xc0: {  	v4 =	vadd.s32 v1, v4;
	_ =	sdelay $0x3  }
0xc1: {  	v3 =	vperm.xlane v3, v2  }
0xc2: {  	[tilespmem:s19], [sflag:$0x1] =	stream.indirect_vreg.gather [hbm4b:s1+s3], $0x80, v4, vm0, $0xb8;
	[tilespmem:$0x18200] =	vst v63  }
0xc3: {  	s0 =	simm.s32 $0xA00;
	v3 =	vadd.s32 v1, v3  }
0xc4: {  	[tilespmem:s0], [sflag:$0x1] =	stream.indirect_vreg.gather [hbm4b:s5+s3], $0x80, v4, vm0, $0xb8;
	[tilespmem:$0x18200] =	vst v63  }
0xc5: {  	s2 =	simm.s32 $0x1200  }
0xc6: {  	[tilespmem:s2], [sflag:$0x1] =	stream.indirect_vreg.gather [hbm4b:s6+s3], $0x80, v4, vm0, $0xb8;
	[tilespmem:$0x18200] =	vst v63  }
0xc7: {  	s9 =	simm.s32 $0x1A00  }
0xc8: {  	[tilespmem:s9], [sflag:$0x1] =	stream.indirect_vreg.gather [hbm4b:s1+s3], $0x80, v3, vm0, $0xb8;
	[tilespmem:$0x18200] =	vst v63  }
0xc9: {  	s21 =	simm.s32 $0x2200  }
0xca: {  	[tilespmem:s21], [sflag:$0x1] =	stream.indirect_vreg.gather [hbm4b:s5+s3], $0x80, v3, vm0, $0xb8;
	[tilespmem:$0x18200] =	vst v63  }
0xcb: {  	s14 =	simm.s32 $0x2A00  }
0xcc: {  	[tilespmem:s14], [sflag:$0x1] =	stream.indirect_vreg.gather [hbm4b:s6+s3], $0x80, v3, vm0, $0xb8;
	[tilespmem:$0x18200] =	vst v63  }
0xcd: {  	v3 =	vld [tilespmem:$0x90];
	_ =	sdelay $0x4  }
0xce: {  	v41 =	vshrl.u32 v3, $0x3  }
0xcf: {  	v4 =	vmul.u32 $0x30, v41  }
0xd0: {  	v3 =	vand.u32 $0x7, v3  }
0xd1: {  	v3 =	vor.u32 v3, v4  }
0xd2: {  	v4 =	vperm.xlane v3, v0;
	_ =	sdelay $0x1  }
0xd3: {  	v4 =	vadd.s32 v1, v4;
	_ =	sdelay $0x3  }
0xd4: {  	s15 =	simm.s32 $0x3200;
	v3 =	vperm.xlane v3, v2  }
0xd5: {  	[tilespmem:s15], [sflag:$0x1] =	stream.indirect_vreg.gather [hbm4b:s1+s3], $0x80, v4, vm0, $0xb8;
	[tilespmem:$0x18200] =	vst v63  }
0xd6: {  	s22 =	simm.s32 $0x3A00;
	v3 =	vadd.s32 v1, v3  }
0xd7: {  	[tilespmem:s22], [sflag:$0x1] =	stream.indirect_vreg.gather [hbm4b:s5+s3], $0x80, v4, vm0, $0xb8;
	[tilespmem:$0x18200] =	vst v63  }
0xd8: {  	s23 =	simm.s32 $0x4200  }
0xd9: {  	[tilespmem:s23], [sflag:$0x1] =	stream.indirect_vreg.gather [hbm4b:s6+s3], $0x80, v4, vm0, $0xb8;
	[tilespmem:$0x18200] =	vst v63  }
0xda: {  	s24 =	simm.s32 $0x4A00  }
0xdb: {  	[tilespmem:s24], [sflag:$0x1] =	stream.indirect_vreg.gather [hbm4b:s1+s3], $0x80, v3, vm0, $0xb8;
	[tilespmem:$0x18200] =	vst v63  }
0xdc: {  	s25 =	simm.s32 $0x5200  }
0xdd: {  	[tilespmem:s25], [sflag:$0x1] =	stream.indirect_vreg.gather [hbm4b:s5+s3], $0x80, v3, vm0, $0xb8;
	[tilespmem:$0x18200] =	vst v63  }
0xde: {  	s16 =	simm.s32 $0x5A00  }
0xdf: {  	[tilespmem:s16], [sflag:$0x1] =	stream.indirect_vreg.gather [hbm4b:s6+s3], $0x80, v3, vm0, $0xb8;
	[tilespmem:$0x18200] =	vst v63  }
0xe0: {  	v3 =	vld [tilespmem:$0xA0];
	_ =	sdelay $0x4  }
0xe1: {  	v42 =	vshrl.u32 v3, $0x3  }
0xe2: {  	v4 =	vmul.u32 $0x30, v42  }
0xe3: {  	v3 =	vand.u32 $0x7, v3  }
0xe4: {  	v3 =	vor.u32 v3, v4  }
0xe5: {  	v4 =	vperm.xlane v3, v0;
	_ =	sdelay $0x1  }
0xe6: {  	v4 =	vadd.s32 v1, v4;
	_ =	sdelay $0x3  }
0xe7: {  	s26 =	simm.s32 $0x6200;
	v3 =	vperm.xlane v3, v2  }
0xe8: {  	[tilespmem:s26], [sflag:$0x1] =	stream.indirect_vreg.gather [hbm4b:s1+s3], $0x80, v4, vm0, $0xb8;
	[tilespmem:$0x18200] =	vst v63  }
0xe9: {  	v3 =	vadd.s32 v1, v3;
	s26 =	simm.s32 $0x6A00  }
0xea: {  	[tilespmem:s26], [sflag:$0x1] =	stream.indirect_vreg.gather [hbm4b:s5+s3], $0x80, v4, vm0, $0xb8;
	[tilespmem:$0x18200] =	vst v63  }
0xeb: {  	s28 =	simm.s32 $0x7200  }
0xec: {  	[tilespmem:s28], [sflag:$0x1] =	stream.indirect_vreg.gather [hbm4b:s6+s3], $0x80, v4, vm0, $0xb8;
	[tilespmem:$0x18200] =	vst v63  }
0xed: {  	s29 =	simm.s32 $0x7A00  }
0xee: {  	[tilespmem:s29], [sflag:$0x1] =	stream.indirect_vreg.gather [hbm4b:s1+s3], $0x80, v3, vm0, $0xb8;
	[tilespmem:$0x18200] =	vst v63  }
0xef: {  	s30 =	simm.s32 $0x8200  }
0xf0: {  	[tilespmem:s30], [sflag:$0x1] =	stream.indirect_vreg.gather [hbm4b:s5+s3], $0x80, v3, vm0, $0xb8;
	[tilespmem:$0x18200] =	vst v63  }
0xf1: {  	s31 =	simm.s32 $0x8A00  }
0xf2: {  	[tilespmem:s31], [sflag:$0x1] =	stream.indirect_vreg.gather [hbm4b:s6+s3], $0x80, v3, vm0, $0xb8;
	[tilespmem:$0x18200] =	vst v63  }
0xf3: {  	v3 =	vld [tilespmem:$0xB0];
	_ =	sdelay $0x4  }
0xf4: {  	v43 =	vshrl.u32 v3, $0x3  }
0xf5: {  	v4 =	vmul.u32 $0x30, v43  }
0xf6: {  	v3 =	vand.u32 $0x7, v3  }
0xf7: {  	v3 =	vor.u32 v3, v4  }
0xf8: {  	v4 =	vperm.xlane v3, v0;
	_ =	sdelay $0x1  }
0xf9: {  	v4 =	vadd.s32 v1, v4;
	_ =	sdelay $0x3  }
0xfa: {  	s17 =	simm.s32 $0x9200;
	v3 =	vperm.xlane v3, v2  }
0xfb: {  	[tilespmem:s17], [sflag:$0x1] =	stream.indirect_vreg.gather [hbm4b:s1+s3], $0x80, v4, vm0, $0xb8;
	[tilespmem:$0x18200] =	vst v63  }
0xfc: {  	s31 =	simm.s32 $0x9A00;
	v3 =	vadd.s32 v1, v3  }
0xfd: {  	[tilespmem:s31], [sflag:$0x1] =	stream.indirect_vreg.gather [hbm4b:s5+s3], $0x80, v4, vm0, $0xb8;
	[tilespmem:$0x18200] =	vst v63  }
0xfe: {  	s14 =	simm.s32 $0xA200  }
0xff: {  	[tilespmem:s14], [sflag:$0x1] =	stream.indirect_vreg.gather [hbm4b:s6+s3], $0x80, v4, vm0, $0xb8;
	[tilespmem:$0x18200] =	vst v63  }
0x100: {  	s15 =	simm.s32 $0xAA00  }
0x101: {  	[tilespmem:s15], [sflag:$0x1] =	stream.indirect_vreg.gather [hbm4b:s1+s3], $0x80, v3, vm0, $0xb8;
	[tilespmem:$0x18200] =	vst v63  }
0x102: {  	s16 =	simm.s32 $0xB200  }
0x103: {  	[tilespmem:s16], [sflag:$0x1] =	stream.indirect_vreg.gather [hbm4b:s5+s3], $0x80, v3, vm0, $0xb8;
	[tilespmem:$0x18200] =	vst v63  }
0x104: {  	s18 =	simm.s32 $0xBA00  }
0x105: {  	[tilespmem:s18], [sflag:$0x1] =	stream.indirect_vreg.gather [hbm4b:s6+s3], $0x80, v3, vm0, $0xb8;
	[tilespmem:$0x18200] =	vst v63  }
0x106: {  	_ =	swait.ge [sflag:s4], $0xC000  }
0x107: {  	[sflag:s4] =	ssyncset.done $0x0  }
0x108: {  	s18 =	rddreg [dreg:$0x6];
	[sflag:s4] =	ssyncadd.s32 $0xFFFF4000  }
0x109: {  	[hbm4b:s18+s3] =	stream.linear.scatter [tilespmem:s19], [sflag:$0x3], $0xC000, $0x38;
	[tilespmem:$0x18200] =	vst v63  }
0x10a: {  	_ =	swait.ge [sflag:s12], $0xC000  }
0x10b: {  	[sflag:s12] =	ssyncset.done $0x0  }
0x10c: {  	[sflag:s12] =	ssyncadd.s32 $0xFFFF4000  }
0x10d: {  	v3 =	vld [tilespmem:$0xC0];
	_ =	sdelay $0x4  }
0x10e: {  	v44 =	vshrl.u32 v3, $0x3  }
0x10f: {  	v4 =	vmul.u32 $0x30, v44  }
0x110: {  	v3 =	vand.u32 $0x7, v3  }
0x111: {  	v3 =	vor.u32 v3, v4  }
0x112: {  	v4 =	vperm.xlane v3, v0;
	_ =	sdelay $0x1  }
0x113: {  	v4 =	vadd.s32 v1, v4;
	_ =	sdelay $0x3  }
0x114: {  	v3 =	vperm.xlane v3, v2  }
0x115: {  	[tilespmem:s8], [sflag:$0x2] =	stream.indirect_vreg.gather [hbm4b:s1+s3], $0x80, v4, vm0, $0xb8;
	[tilespmem:$0x18200] =	vst v63  }
0x116: {  	s18 =	simm.s32 $0xCA00;
	v3 =	vadd.s32 v1, v3  }
0x117: {  	[tilespmem:s18], [sflag:$0x2] =	stream.indirect_vreg.gather [hbm4b:s5+s3], $0x80, v4, vm0, $0xb8;
	[tilespmem:$0x18200] =	vst v63  }
0x118: {  	s18 =	simm.s32 $0xD200  }
0x119: {  	[tilespmem:s18], [sflag:$0x2] =	stream.indirect_vreg.gather [hbm4b:s6+s3], $0x80, v4, vm0, $0xb8;
	[tilespmem:$0x18200] =	vst v63  }
0x11a: {  	s18 =	simm.s32 $0xDA00  }
0x11b: {  	[tilespmem:s18], [sflag:$0x2] =	stream.indirect_vreg.gather [hbm4b:s1+s3], $0x80, v3, vm0, $0xb8;
	[tilespmem:$0x18200] =	vst v63  }
0x11c: {  	s18 =	simm.s32 $0xE200  }
0x11d: {  	[tilespmem:s18], [sflag:$0x2] =	stream.indirect_vreg.gather [hbm4b:s5+s3], $0x80, v3, vm0, $0xb8;
	[tilespmem:$0x18200] =	vst v63  }
0x11e: {  	s18 =	simm.s32 $0xEA00  }
0x11f: {  	[tilespmem:s18], [sflag:$0x2] =	stream.indirect_vreg.gather [hbm4b:s6+s3], $0x80, v3, vm0, $0xb8;
	[tilespmem:$0x18200] =	vst v63  }
0x120: {  	v3 =	vld [tilespmem:$0xD0];
	_ =	sdelay $0x4  }
0x121: {  	v45 =	vshrl.u32 v3, $0x3  }
0x122: {  	v4 =	vmul.u32 $0x30, v45  }
0x123: {  	v3 =	vand.u32 $0x7, v3  }
0x124: {  	v3 =	vor.u32 v3, v4  }
0x125: {  	v4 =	vperm.xlane v3, v0;
	_ =	sdelay $0x1  }
0x126: {  	v4 =	vadd.s32 v1, v4;
	_ =	sdelay $0x3  }
0x127: {  	s20 =	simm.s32 $0xF200;
	v3 =	vperm.xlane v3, v2  }
0x128: {  	[tilespmem:s20], [sflag:$0x2] =	stream.indirect_vreg.gather [hbm4b:s1+s3], $0x80, v4, vm0, $0xb8;
	[tilespmem:$0x18200] =	vst v63  }
0x129: {  	v3 =	vadd.s32 v1, v3;
	s20 =	simm.s32 $0xFA00  }
0x12a: {  	[tilespmem:s20], [sflag:$0x2] =	stream.indirect_vreg.gather [hbm4b:s5+s3], $0x80, v4, vm0, $0xb8;
	[tilespmem:$0x18200] =	vst v63  }
0x12b: {  	s18 =	simm.s32 $0x10200  }
0x12c: {  	[tilespmem:s18], [sflag:$0x2] =	stream.indirect_vreg.gather [hbm4b:s6+s3], $0x80, v4, vm0, $0xb8;
	[tilespmem:$0x18200] =	vst v63  }
0x12d: {  	s20 =	simm.s32 $0x10A00  }
0x12e: {  	[tilespmem:s20], [sflag:$0x2] =	stream.indirect_vreg.gather [hbm4b:s1+s3], $0x80, v3, vm0, $0xb8;
	[tilespmem:$0x18200] =	vst v63  }
0x12f: {  	s18 =	simm.s32 $0x11200  }
0x130: {  	[tilespmem:s18], [sflag:$0x2] =	stream.indirect_vreg.gather [hbm4b:s5+s3], $0x80, v3, vm0, $0xb8;
	[tilespmem:$0x18200] =	vst v63  }
0x131: {  	s20 =	simm.s32 $0x11A00  }
0x132: {  	[tilespmem:s20], [sflag:$0x2] =	stream.indirect_vreg.gather [hbm4b:s6+s3], $0x80, v3, vm0, $0xb8;
	[tilespmem:$0x18200] =	vst v63  }
0x133: {  	v3 =	vld [tilespmem:$0xE0];
	_ =	sdelay $0x4  }
0x134: {  	v46 =	vshrl.u32 v3, $0x3  }
0x135: {  	v4 =	vmul.u32 $0x30, v46  }
0x136: {  	v3 =	vand.u32 $0x7, v3  }
0x137: {  	v3 =	vor.u32 v3, v4  }
0x138: {  	v4 =	vperm.xlane v3, v0;
	_ =	sdelay $0x1  }
0x139: {  	v4 =	vadd.s32 v1, v4;
	_ =	sdelay $0x3  }
0x13a: {  	s18 =	simm.s32 $0x12200;
	v3 =	vperm.xlane v3, v2  }
0x13b: {  	[tilespmem:s18], [sflag:$0x2] =	stream.indirect_vreg.gather [hbm4b:s1+s3], $0x80, v4, vm0, $0xb8;
	[tilespmem:$0x18200] =	vst v63  }
0x13c: {  	s20 =	simm.s32 $0x12A00;
	v3 =	vadd.s32 v1, v3  }
0x13d: {  	[tilespmem:s20], [sflag:$0x2] =	stream.indirect_vreg.gather [hbm4b:s5+s3], $0x80, v4, vm0, $0xb8;
	[tilespmem:$0x18200] =	vst v63  }
0x13e: {  	s18 =	simm.s32 $0x13200  }
0x13f: {  	[tilespmem:s18], [sflag:$0x2] =	stream.indirect_vreg.gather [hbm4b:s6+s3], $0x80, v4, vm0, $0xb8;
	[tilespmem:$0x18200] =	vst v63  }
0x140: {  	s20 =	simm.s32 $0x13A00  }
0x141: {  	[tilespmem:s20], [sflag:$0x2] =	stream.indirect_vreg.gather [hbm4b:s1+s3], $0x80, v3, vm0, $0xb8;
	[tilespmem:$0x18200] =	vst v63  }
0x142: {  	s18 =	simm.s32 $0x14200  }
0x143: {  	[tilespmem:s18], [sflag:$0x2] =	stream.indirect_vreg.gather [hbm4b:s5+s3], $0x80, v3, vm0, $0xb8;
	[tilespmem:$0x18200] =	vst v63  }
0x144: {  	s20 =	simm.s32 $0x14A00  }
0x145: {  	[tilespmem:s20], [sflag:$0x2] =	stream.indirect_vreg.gather [hbm4b:s6+s3], $0x80, v3, vm0, $0xb8;
	[tilespmem:$0x18200] =	vst v63  }
0x146: {  	v3 =	vld [tilespmem:$0xF0];
	_ =	sdelay $0x4  }
0x147: {  	v47 =	vshrl.u32 v3, $0x3  }
0x148: {  	v4 =	vmul.u32 $0x30, v47  }
0x149: {  	v3 =	vand.u32 $0x7, v3  }
0x14a: {  	v3 =	vor.u32 v3, v4  }
0x14b: {  	v4 =	vperm.xlane v3, v0;
	_ =	sdelay $0x1  }
0x14c: {  	v4 =	vadd.s32 v1, v4;
	_ =	sdelay $0x3  }
0x14d: {  	s18 =	simm.s32 $0x15200;
	v3 =	vperm.xlane v3, v2  }
0x14e: {  	[tilespmem:s18], [sflag:$0x2] =	stream.indirect_vreg.gather [hbm4b:s1+s3], $0x80, v4, vm0, $0xb8;
	[tilespmem:$0x18200] =	vst v63  }
0x14f: {  	s20 =	simm.s32 $0x15A00;
	v3 =	vadd.s32 v1, v3  }
0x150: {  	[tilespmem:s20], [sflag:$0x2] =	stream.indirect_vreg.gather [hbm4b:s5+s3], $0x80, v4, vm0, $0xb8;
	[tilespmem:$0x18200] =	vst v63  }
0x151: {  	s18 =	simm.s32 $0x16200  }
0x152: {  	[tilespmem:s18], [sflag:$0x2] =	stream.indirect_vreg.gather [hbm4b:s6+s3], $0x80, v4, vm0, $0xb8;
	[tilespmem:$0x18200] =	vst v63  }
0x153: {  	s20 =	simm.s32 $0x16A00  }
0x154: {  	[tilespmem:s20], [sflag:$0x2] =	stream.indirect_vreg.gather [hbm4b:s1+s3], $0x80, v3, vm0, $0xb8;
	[tilespmem:$0x18200] =	vst v63  }
0x155: {  	s18 =	simm.s32 $0x17200  }
0x156: {  	[tilespmem:s18], [sflag:$0x2] =	stream.indirect_vreg.gather [hbm4b:s5+s3], $0x80, v3, vm0, $0xb8;
	[tilespmem:$0x18200] =	vst v63  }
0x157: {  	s20 =	simm.s32 $0x17A00  }
0x158: {  	[tilespmem:s20], [sflag:$0x2] =	stream.indirect_vreg.gather [hbm4b:s6+s3], $0x80, v3, vm0, $0xb8;
	[tilespmem:$0x18200] =	vst v63  }
0x159: {  	_ =	swait.ge [sflag:s10], $0xC000  }
0x15a: {  	[sflag:s10] =	ssyncset.done $0x0  }
0x15b: {  	s18 =	rddreg [dreg:$0x7];
	[sflag:s10] =	ssyncadd.s32 $0xFFFF4000  }
0x15c: {  	[hbm4b:s18+s3] =	stream.linear.scatter [tilespmem:s8], [sflag:$0x4], $0xC000, $0x38;
	[tilespmem:$0x18200] =	vst v63  }
0x15d: {  	_ =	swait.ge [sflag:s11], $0xC000  }
0x15e: {  	[sflag:s11] =	ssyncset.done $0x0  }
0x15f: {  	[sflag:s11] =	ssyncadd.s32 $0xFFFF4000  }
0x160: {  	v3 =	vld [tilespmem:$0x100];
	_ =	sdelay $0x4  }
0x161: {  	v48 =	vshrl.u32 v3, $0x3  }
0x162: {  	v4 =	vmul.u32 $0x30, v48  }
0x163: {  	v3 =	vand.u32 $0x7, v3  }
0x164: {  	v3 =	vor.u32 v3, v4  }
0x165: {  	v4 =	vperm.xlane v3, v0;
	_ =	sdelay $0x1  }
0x166: {  	v4 =	vadd.s32 v1, v4;
	_ =	sdelay $0x3  }
0x167: {  	v3 =	vperm.xlane v3, v2  }
0x168: {  	[tilespmem:s19], [sflag:$0x1] =	stream.indirect_vreg.gather [hbm4b:s1+s3], $0x80, v4, vm0, $0xb8;
	[tilespmem:$0x18200] =	vst v63  }
0x169: {  	v3 =	vadd.s32 v1, v3  }
0x16a: {  	[tilespmem:s0], [sflag:$0x1] =	stream.indirect_vreg.gather [hbm4b:s5+s3], $0x80, v4, vm0, $0xb8;
	[tilespmem:$0x18200] =	vst v63  }
0x16b: {  	_ = 	snop  }
0x16c: {  	[tilespmem:s2], [sflag:$0x1] =	stream.indirect_vreg.gather [hbm4b:s6+s3], $0x80, v4, vm0, $0xb8;
	[tilespmem:$0x18200] =	vst v63  }
0x16d: {  	_ = 	snop  }
0x16e: {  	[tilespmem:s9], [sflag:$0x1] =	stream.indirect_vreg.gather [hbm4b:s1+s3], $0x80, v3, vm0, $0xb8;
	[tilespmem:$0x18200] =	vst v63  }
0x16f: {  	_ = 	snop  }
0x170: {  	[tilespmem:s21], [sflag:$0x1] =	stream.indirect_vreg.gather [hbm4b:s5+s3], $0x80, v3, vm0, $0xb8;
	[tilespmem:$0x18200] =	vst v63  }
0x171: {  	s20 =	simm.s32 $0x2A00  }
0x172: {  	[tilespmem:s20], [sflag:$0x1] =	stream.indirect_vreg.gather [hbm4b:s6+s3], $0x80, v3, vm0, $0xb8;
	[tilespmem:$0x18200] =	vst v63  }
0x173: {  	v3 =	vld [tilespmem:$0x110];
	_ =	sdelay $0x4  }
0x174: {  	v49 =	vshrl.u32 v3, $0x3  }
0x175: {  	v4 =	vmul.u32 $0x30, v49  }
0x176: {  	v3 =	vand.u32 $0x7, v3  }
0x177: {  	v3 =	vor.u32 v3, v4  }
0x178: {  	v4 =	vperm.xlane v3, v0;
	_ =	sdelay $0x1  }
0x179: {  	v4 =	vadd.s32 v1, v4;
	_ =	sdelay $0x3  }
0x17a: {  	s21 =	simm.s32 $0x3200;
	v3 =	vperm.xlane v3, v2  }
0x17b: {  	[tilespmem:s21], [sflag:$0x1] =	stream.indirect_vreg.gather [hbm4b:s1+s3], $0x80, v4, vm0, $0xb8;
	[tilespmem:$0x18200] =	vst v63  }
0x17c: {  	v3 =	vadd.s32 v1, v3  }
0x17d: {  	[tilespmem:s22], [sflag:$0x1] =	stream.indirect_vreg.gather [hbm4b:s5+s3], $0x80, v4, vm0, $0xb8;
	[tilespmem:$0x18200] =	vst v63  }
0x17e: {  	_ = 	snop  }
0x17f: {  	[tilespmem:s23], [sflag:$0x1] =	stream.indirect_vreg.gather [hbm4b:s6+s3], $0x80, v4, vm0, $0xb8;
	[tilespmem:$0x18200] =	vst v63  }
0x180: {  	_ = 	snop  }
0x181: {  	[tilespmem:s24], [sflag:$0x1] =	stream.indirect_vreg.gather [hbm4b:s1+s3], $0x80, v3, vm0, $0xb8;
	[tilespmem:$0x18200] =	vst v63  }
0x182: {  	_ = 	snop  }
0x183: {  	[tilespmem:s25], [sflag:$0x1] =	stream.indirect_vreg.gather [hbm4b:s5+s3], $0x80, v3, vm0, $0xb8;
	[tilespmem:$0x18200] =	vst v63  }
0x184: {  	s20 =	simm.s32 $0x5A00  }
0x185: {  	[tilespmem:s20], [sflag:$0x1] =	stream.indirect_vreg.gather [hbm4b:s6+s3], $0x80, v3, vm0, $0xb8;
	[tilespmem:$0x18200] =	vst v63  }
0x186: {  	v3 =	vld [tilespmem:$0x120];
	_ =	sdelay $0x4  }
0x187: {  	v50 =	vshrl.u32 v3, $0x3  }
0x188: {  	v4 =	vmul.u32 $0x30, v50  }
0x189: {  	v3 =	vand.u32 $0x7, v3  }
0x18a: {  	v3 =	vor.u32 v3, v4  }
0x18b: {  	v4 =	vperm.xlane v3, v0;
	_ =	sdelay $0x1  }
0x18c: {  	v4 =	vadd.s32 v1, v4;
	_ =	sdelay $0x3  }
0x18d: {  	s25 =	simm.s32 $0x6200;
	v3 =	vperm.xlane v3, v2  }
0x18e: {  	[tilespmem:s25], [sflag:$0x1] =	stream.indirect_vreg.gather [hbm4b:s1+s3], $0x80, v4, vm0, $0xb8;
	[tilespmem:$0x18200] =	vst v63  }
0x18f: {  	v3 =	vadd.s32 v1, v3  }
0x190: {  	[tilespmem:s26], [sflag:$0x1] =	stream.indirect_vreg.gather [hbm4b:s5+s3], $0x80, v4, vm0, $0xb8;
	[tilespmem:$0x18200] =	vst v63  }
0x191: {  	_ = 	snop  }
0x192: {  	[tilespmem:s28], [sflag:$0x1] =	stream.indirect_vreg.gather [hbm4b:s6+s3], $0x80, v4, vm0, $0xb8;
	[tilespmem:$0x18200] =	vst v63  }
0x193: {  	_ = 	snop  }
0x194: {  	[tilespmem:s29], [sflag:$0x1] =	stream.indirect_vreg.gather [hbm4b:s1+s3], $0x80, v3, vm0, $0xb8;
	[tilespmem:$0x18200] =	vst v63  }
0x195: {  	_ = 	snop  }
0x196: {  	[tilespmem:s30], [sflag:$0x1] =	stream.indirect_vreg.gather [hbm4b:s5+s3], $0x80, v3, vm0, $0xb8;
	[tilespmem:$0x18200] =	vst v63  }
0x197: {  	s30 =	simm.s32 $0x8A00  }
0x198: {  	[tilespmem:s30], [sflag:$0x1] =	stream.indirect_vreg.gather [hbm4b:s6+s3], $0x80, v3, vm0, $0xb8;
	[tilespmem:$0x18200] =	vst v63  }
0x199: {  	v3 =	vld [tilespmem:$0x130];
	_ =	sdelay $0x4  }
0x19a: {  	v51 =	vshrl.u32 v3, $0x3  }
0x19b: {  	v4 =	vmul.u32 $0x30, v51  }
0x19c: {  	v3 =	vand.u32 $0x7, v3  }
0x19d: {  	v3 =	vor.u32 v3, v4  }
0x19e: {  	v4 =	vperm.xlane v3, v0;
	_ =	sdelay $0x1  }
0x19f: {  	v4 =	vadd.s32 v1, v4;
	_ =	sdelay $0x3  }
0x1a0: {  	v3 =	vperm.xlane v3, v2  }
0x1a1: {  	[tilespmem:s17], [sflag:$0x1] =	stream.indirect_vreg.gather [hbm4b:s1+s3], $0x80, v4, vm0, $0xb8;
	[tilespmem:$0x18200] =	vst v63  }
0x1a2: {  	v3 =	vadd.s32 v1, v3  }
0x1a3: {  	[tilespmem:s31], [sflag:$0x1] =	stream.indirect_vreg.gather [hbm4b:s5+s3], $0x80, v4, vm0, $0xb8;
	[tilespmem:$0x18200] =	vst v63  }
0x1a4: {  	_ = 	snop  }
0x1a5: {  	[tilespmem:s14], [sflag:$0x1] =	stream.indirect_vreg.gather [hbm4b:s6+s3], $0x80, v4, vm0, $0xb8;
	[tilespmem:$0x18200] =	vst v63  }
0x1a6: {  	_ = 	snop  }
0x1a7: {  	[tilespmem:s15], [sflag:$0x1] =	stream.indirect_vreg.gather [hbm4b:s1+s3], $0x80, v3, vm0, $0xb8;
	[tilespmem:$0x18200] =	vst v63  }
0x1a8: {  	_ = 	snop  }
0x1a9: {  	[tilespmem:s16], [sflag:$0x1] =	stream.indirect_vreg.gather [hbm4b:s5+s3], $0x80, v3, vm0, $0xb8;
	[tilespmem:$0x18200] =	vst v63  }
0x1aa: {  	s31 =	simm.s32 $0xBA00  }
0x1ab: {  	[tilespmem:s31], [sflag:$0x1] =	stream.indirect_vreg.gather [hbm4b:s6+s3], $0x80, v3, vm0, $0xb8;
	[tilespmem:$0x18200] =	vst v63  }
0x1ac: {  	_ =	swait.ge [sflag:s4], $0xC000  }
0x1ad: {  	[sflag:s4] =	ssyncset.done $0x0  }
0x1ae: {  	s20 =	rddreg [dreg:$0x8];
	[sflag:s4] =	ssyncadd.s32 $0xFFFF4000  }
0x1af: {  	[hbm4b:s20+s3] =	stream.linear.scatter [tilespmem:s19], [sflag:$0x3], $0xC000, $0x38;
	[tilespmem:$0x18200] =	vst v63  }
0x1b0: {  	_ =	swait.ge [sflag:s12], $0xC000  }
0x1b1: {  	[sflag:s12] =	ssyncset.done $0x0  }
0x1b2: {  	[sflag:s12] =	ssyncadd.s32 $0xFFFF4000  }
0x1b3: {  	v3 =	vld [tilespmem:$0x140];
	_ =	sdelay $0x4  }
0x1b4: {  	v52 =	vshrl.u32 v3, $0x3  }
0x1b5: {  	v4 =	vmul.u32 $0x30, v52  }
0x1b6: {  	v3 =	vand.u32 $0x7, v3  }
0x1b7: {  	v3 =	vor.u32 v3, v4  }
0x1b8: {  	v4 =	vperm.xlane v3, v0;
	_ =	sdelay $0x1  }
0x1b9: {  	v4 =	vadd.s32 v1, v4;
	_ =	sdelay $0x3  }
0x1ba: {  	v3 =	vperm.xlane v3, v2  }
0x1bb: {  	[tilespmem:s8], [sflag:$0x2] =	stream.indirect_vreg.gather [hbm4b:s1+s3], $0x80, v4, vm0, $0xb8;
	[tilespmem:$0x18200] =	vst v63  }
0x1bc: {  	s31 =	simm.s32 $0xCA00;
	v3 =	vadd.s32 v1, v3  }
0x1bd: {  	[tilespmem:s31], [sflag:$0x2] =	stream.indirect_vreg.gather [hbm4b:s5+s3], $0x80, v4, vm0, $0xb8;
	[tilespmem:$0x18200] =	vst v63  }
0x1be: {  	s20 =	simm.s32 $0xD200  }
0x1bf: {  	[tilespmem:s20], [sflag:$0x2] =	stream.indirect_vreg.gather [hbm4b:s6+s3], $0x80, v4, vm0, $0xb8;
	[tilespmem:$0x18200] =	vst v63  }
0x1c0: {  	s13 =	simm.s32 $0xDA00  }
0x1c1: {  	[tilespmem:s13], [sflag:$0x2] =	stream.indirect_vreg.gather [hbm4b:s1+s3], $0x80, v3, vm0, $0xb8;
	[tilespmem:$0x18200] =	vst v63  }
0x1c2: {  	s13 =	simm.s32 $0xE200  }
0x1c3: {  	[tilespmem:s13], [sflag:$0x2] =	stream.indirect_vreg.gather [hbm4b:s5+s3], $0x80, v3, vm0, $0xb8;
	[tilespmem:$0x18200] =	vst v63  }
0x1c4: {  	s13 =	simm.s32 $0xEA00  }
0x1c5: {  	[tilespmem:s13], [sflag:$0x2] =	stream.indirect_vreg.gather [hbm4b:s6+s3], $0x80, v3, vm0, $0xb8;
	[tilespmem:$0x18200] =	vst v63  }
0x1c6: {  	v3 =	vld [tilespmem:$0x150];
	_ =	sdelay $0x4  }
0x1c7: {  	v53 =	vshrl.u32 v3, $0x3  }
0x1c8: {  	v4 =	vmul.u32 $0x30, v53  }
0x1c9: {  	v3 =	vand.u32 $0x7, v3  }
0x1ca: {  	v3 =	vor.u32 v3, v4  }
0x1cb: {  	v4 =	vperm.xlane v3, v0;
	_ =	sdelay $0x1  }
0x1cc: {  	v4 =	vadd.s32 v1, v4;
	_ =	sdelay $0x3  }
0x1cd: {  	s13 =	simm.s32 $0xF200;
	v3 =	vperm.xlane v3, v2  }
0x1ce: {  	[tilespmem:s13], [sflag:$0x2] =	stream.indirect_vreg.gather [hbm4b:s1+s3], $0x80, v4, vm0, $0xb8;
	[tilespmem:$0x18200] =	vst v63  }
0x1cf: {  	v3 =	vadd.s32 v1, v3;
	s13 =	simm.s32 $0xFA00  }
0x1d0: {  	[tilespmem:s13], [sflag:$0x2] =	stream.indirect_vreg.gather [hbm4b:s5+s3], $0x80, v4, vm0, $0xb8;
	[tilespmem:$0x18200] =	vst v63  }
0x1d1: {  	s13 =	simm.s32 $0x10200  }
0x1d2: {  	[tilespmem:s13], [sflag:$0x2] =	stream.indirect_vreg.gather [hbm4b:s6+s3], $0x80, v4, vm0, $0xb8;
	[tilespmem:$0x18200] =	vst v63  }
0x1d3: {  	s13 =	simm.s32 $0x10A00  }
0x1d4: {  	[tilespmem:s13], [sflag:$0x2] =	stream.indirect_vreg.gather [hbm4b:s1+s3], $0x80, v3, vm0, $0xb8;
	[tilespmem:$0x18200] =	vst v63  }
0x1d5: {  	s13 =	simm.s32 $0x11200  }
0x1d6: {  	[tilespmem:s13], [sflag:$0x2] =	stream.indirect_vreg.gather [hbm4b:s5+s3], $0x80, v3, vm0, $0xb8;
	[tilespmem:$0x18200] =	vst v63  }
0x1d7: {  	s13 =	simm.s32 $0x11A00  }
0x1d8: {  	[tilespmem:s13], [sflag:$0x2] =	stream.indirect_vreg.gather [hbm4b:s6+s3], $0x80, v3, vm0, $0xb8;
	[tilespmem:$0x18200] =	vst v63  }
0x1d9: {  	v3 =	vld [tilespmem:$0x160];
	_ =	sdelay $0x4  }
0x1da: {  	v54 =	vshrl.u32 v3, $0x3  }
0x1db: {  	v4 =	vmul.u32 $0x30, v54  }
0x1dc: {  	v3 =	vand.u32 $0x7, v3  }
0x1dd: {  	v3 =	vor.u32 v3, v4  }
0x1de: {  	v4 =	vperm.xlane v3, v0;
	_ =	sdelay $0x1  }
0x1df: {  	v4 =	vadd.s32 v1, v4;
	_ =	sdelay $0x3  }
0x1e0: {  	s13 =	simm.s32 $0x12200;
	v3 =	vperm.xlane v3, v2  }
0x1e1: {  	[tilespmem:s13], [sflag:$0x2] =	stream.indirect_vreg.gather [hbm4b:s1+s3], $0x80, v4, vm0, $0xb8;
	[tilespmem:$0x18200] =	vst v63  }
0x1e2: {  	v3 =	vadd.s32 v1, v3;
	s13 =	simm.s32 $0x12A00  }
0x1e3: {  	[tilespmem:s13], [sflag:$0x2] =	stream.indirect_vreg.gather [hbm4b:s5+s3], $0x80, v4, vm0, $0xb8;
	[tilespmem:$0x18200] =	vst v63  }
0x1e4: {  	s13 =	simm.s32 $0x13200  }
0x1e5: {  	[tilespmem:s13], [sflag:$0x2] =	stream.indirect_vreg.gather [hbm4b:s6+s3], $0x80, v4, vm0, $0xb8;
	[tilespmem:$0x18200] =	vst v63  }
0x1e6: {  	s13 =	simm.s32 $0x13A00  }
0x1e7: {  	[tilespmem:s13], [sflag:$0x2] =	stream.indirect_vreg.gather [hbm4b:s1+s3], $0x80, v3, vm0, $0xb8;
	[tilespmem:$0x18200] =	vst v63  }
0x1e8: {  	s13 =	simm.s32 $0x14200  }
0x1e9: {  	[tilespmem:s13], [sflag:$0x2] =	stream.indirect_vreg.gather [hbm4b:s5+s3], $0x80, v3, vm0, $0xb8;
	[tilespmem:$0x18200] =	vst v63  }
0x1ea: {  	s13 =	simm.s32 $0x14A00  }
0x1eb: {  	[tilespmem:s13], [sflag:$0x2] =	stream.indirect_vreg.gather [hbm4b:s6+s3], $0x80, v3, vm0, $0xb8;
	[tilespmem:$0x18200] =	vst v63  }
0x1ec: {  	v3 =	vld [tilespmem:$0x170];
	_ =	sdelay $0x4  }
0x1ed: {  	v55 =	vshrl.u32 v3, $0x3  }
0x1ee: {  	v4 =	vmul.u32 $0x30, v55  }
0x1ef: {  	v3 =	vand.u32 $0x7, v3  }
0x1f0: {  	v3 =	vor.u32 v3, v4  }
0x1f1: {  	v4 =	vperm.xlane v3, v0;
	_ =	sdelay $0x1  }
0x1f2: {  	v4 =	vadd.s32 v1, v4;
	_ =	sdelay $0x3  }
0x1f3: {  	s13 =	simm.s32 $0x15200;
	v3 =	vperm.xlane v3, v2  }
0x1f4: {  	[tilespmem:s13], [sflag:$0x2] =	stream.indirect_vreg.gather [hbm4b:s1+s3], $0x80, v4, vm0, $0xb8;
	[tilespmem:$0x18200] =	vst v63  }
0x1f5: {  	v3 =	vadd.s32 v1, v3;
	s13 =	simm.s32 $0x15A00  }
0x1f6: {  	[tilespmem:s13], [sflag:$0x2] =	stream.indirect_vreg.gather [hbm4b:s5+s3], $0x80, v4, vm0, $0xb8;
	[tilespmem:$0x18200] =	vst v63  }
0x1f7: {  	s13 =	simm.s32 $0x16200  }
0x1f8: {  	[tilespmem:s13], [sflag:$0x2] =	stream.indirect_vreg.gather [hbm4b:s6+s3], $0x80, v4, vm0, $0xb8;
	[tilespmem:$0x18200] =	vst v63  }
0x1f9: {  	s13 =	simm.s32 $0x16A00  }
0x1fa: {  	[tilespmem:s13], [sflag:$0x2] =	stream.indirect_vreg.gather [hbm4b:s1+s3], $0x80, v3, vm0, $0xb8;
	[tilespmem:$0x18200] =	vst v63  }
0x1fb: {  	s13 =	simm.s32 $0x17200  }
0x1fc: {  	[tilespmem:s13], [sflag:$0x2] =	stream.indirect_vreg.gather [hbm4b:s5+s3], $0x80, v3, vm0, $0xb8;
	[tilespmem:$0x18200] =	vst v63  }
0x1fd: {  	s13 =	simm.s32 $0x17A00  }
0x1fe: {  	[tilespmem:s13], [sflag:$0x2] =	stream.indirect_vreg.gather [hbm4b:s6+s3], $0x80, v3, vm0, $0xb8;
	[tilespmem:$0x18200] =	vst v63  }
0x1ff: {  	_ =	swait.ge [sflag:s10], $0xC000  }
0x200: {  	[sflag:s10] =	ssyncset.done $0x0  }
0x201: {  	s13 =	rddreg [dreg:$0x9];
	[sflag:s10] =	ssyncadd.s32 $0xFFFF4000  }
0x202: {  	[hbm4b:s13+s3] =	stream.linear.scatter [tilespmem:s8], [sflag:$0x4], $0xC000, $0x38;
	[tilespmem:$0x18200] =	vst v63  }
0x203: {  	_ =	swait.ge [sflag:s11], $0xC000  }
0x204: {  	[sflag:s11] =	ssyncset.done $0x0  }
0x205: {  	[sflag:s11] =	ssyncadd.s32 $0xFFFF4000  }
0x206: {  	v3 =	vld [tilespmem:$0x180];
	_ =	sdelay $0x4  }
0x207: {  	v56 =	vshrl.u32 v3, $0x3  }
0x208: {  	v4 =	vmul.u32 $0x30, v56  }
0x209: {  	v3 =	vand.u32 $0x7, v3  }
0x20a: {  	v3 =	vor.u32 v3, v4  }
0x20b: {  	v4 =	vperm.xlane v3, v0;
	_ =	sdelay $0x1  }
0x20c: {  	v4 =	vadd.s32 v1, v4;
	_ =	sdelay $0x3  }
0x20d: {  	v3 =	vperm.xlane v3, v2  }
0x20e: {  	[tilespmem:s19], [sflag:$0x1] =	stream.indirect_vreg.gather [hbm4b:s1+s3], $0x80, v4, vm0, $0xb8;
	[tilespmem:$0x18200] =	vst v63  }
0x20f: {  	s0 =	simm.s32 $0xA00;
	v3 =	vadd.s32 v1, v3  }
0x210: {  	[tilespmem:s0], [sflag:$0x1] =	stream.indirect_vreg.gather [hbm4b:s5+s3], $0x80, v4, vm0, $0xb8;
	[tilespmem:$0x18200] =	vst v63  }
0x211: {  	s2 =	simm.s32 $0x1200  }
0x212: {  	[tilespmem:s2], [sflag:$0x1] =	stream.indirect_vreg.gather [hbm4b:s6+s3], $0x80, v4, vm0, $0xb8;
	[tilespmem:$0x18200] =	vst v63  }
0x213: {  	s9 =	simm.s32 $0x1A00  }
0x214: {  	[tilespmem:s9], [sflag:$0x1] =	stream.indirect_vreg.gather [hbm4b:s1+s3], $0x80, v3, vm0, $0xb8;
	[tilespmem:$0x18200] =	vst v63  }
0x215: {  	s18 =	simm.s32 $0x2200  }
0x216: {  	[tilespmem:s18], [sflag:$0x1] =	stream.indirect_vreg.gather [hbm4b:s5+s3], $0x80, v3, vm0, $0xb8;
	[tilespmem:$0x18200] =	vst v63  }
0x217: {  	s13 =	simm.s32 $0x2A00  }
0x218: {  	[tilespmem:s13], [sflag:$0x1] =	stream.indirect_vreg.gather [hbm4b:s6+s3], $0x80, v3, vm0, $0xb8;
	[tilespmem:$0x18200] =	vst v63  }
0x219: {  	v3 =	vld [tilespmem:$0x190];
	_ =	sdelay $0x4  }
0x21a: {  	v57 =	vshrl.u32 v3, $0x3  }
0x21b: {  	v4 =	vmul.u32 $0x30, v57  }
0x21c: {  	v3 =	vand.u32 $0x7, v3  }
0x21d: {  	v3 =	vor.u32 v3, v4  }
0x21e: {  	v4 =	vperm.xlane v3, v0;
	_ =	sdelay $0x1  }
0x21f: {  	v4 =	vadd.s32 v1, v4;
	_ =	sdelay $0x3  }
0x220: {  	s18 =	simm.s32 $0x3200;
	v3 =	vperm.xlane v3, v2  }
0x221: {  	[tilespmem:s18], [sflag:$0x1] =	stream.indirect_vreg.gather [hbm4b:s1+s3], $0x80, v4, vm0, $0xb8;
	[tilespmem:$0x18200] =	vst v63  }
0x222: {  	s21 =	simm.s32 $0x3A00;
	v3 =	vadd.s32 v1, v3  }
0x223: {  	[tilespmem:s21], [sflag:$0x1] =	stream.indirect_vreg.gather [hbm4b:s5+s3], $0x80, v4, vm0, $0xb8;
	[tilespmem:$0x18200] =	vst v63  }
0x224: {  	s22 =	simm.s32 $0x4200  }
0x225: {  	[tilespmem:s22], [sflag:$0x1] =	stream.indirect_vreg.gather [hbm4b:s6+s3], $0x80, v4, vm0, $0xb8;
	[tilespmem:$0x18200] =	vst v63  }
0x226: {  	s23 =	simm.s32 $0x4A00  }
0x227: {  	[tilespmem:s23], [sflag:$0x1] =	stream.indirect_vreg.gather [hbm4b:s1+s3], $0x80, v3, vm0, $0xb8;
	[tilespmem:$0x18200] =	vst v63  }
0x228: {  	s24 =	simm.s32 $0x5200  }
0x229: {  	[tilespmem:s24], [sflag:$0x1] =	stream.indirect_vreg.gather [hbm4b:s5+s3], $0x80, v3, vm0, $0xb8;
	[tilespmem:$0x18200] =	vst v63  }
0x22a: {  	s23 =	simm.s32 $0x5A00  }
0x22b: {  	[tilespmem:s23], [sflag:$0x1] =	stream.indirect_vreg.gather [hbm4b:s6+s3], $0x80, v3, vm0, $0xb8;
	[tilespmem:$0x18200] =	vst v63  }
0x22c: {  	v3 =	vld [tilespmem:$0x1A0];
	_ =	sdelay $0x4  }
0x22d: {  	v58 =	vshrl.u32 v3, $0x3  }
0x22e: {  	v4 =	vmul.u32 $0x30, v58  }
0x22f: {  	v3 =	vand.u32 $0x7, v3  }
0x230: {  	v3 =	vor.u32 v3, v4  }
0x231: {  	v4 =	vperm.xlane v3, v0;
	_ =	sdelay $0x1  }
0x232: {  	v4 =	vadd.s32 v1, v4;
	_ =	sdelay $0x3  }
0x233: {  	s24 =	simm.s32 $0x6200;
	v3 =	vperm.xlane v3, v2  }
0x234: {  	[tilespmem:s24], [sflag:$0x1] =	stream.indirect_vreg.gather [hbm4b:s1+s3], $0x80, v4, vm0, $0xb8;
	[tilespmem:$0x18200] =	vst v63  }
0x235: {  	s25 =	simm.s32 $0x6A00;
	v3 =	vadd.s32 v1, v3  }
0x236: {  	[tilespmem:s25], [sflag:$0x1] =	stream.indirect_vreg.gather [hbm4b:s5+s3], $0x80, v4, vm0, $0xb8;
	[tilespmem:$0x18200] =	vst v63  }
0x237: {  	s26 =	simm.s32 $0x7200  }
0x238: {  	[tilespmem:s26], [sflag:$0x1] =	stream.indirect_vreg.gather [hbm4b:s6+s3], $0x80, v4, vm0, $0xb8;
	[tilespmem:$0x18200] =	vst v63  }
0x239: {  	s28 =	simm.s32 $0x7A00  }
0x23a: {  	[tilespmem:s28], [sflag:$0x1] =	stream.indirect_vreg.gather [hbm4b:s1+s3], $0x80, v3, vm0, $0xb8;
	[tilespmem:$0x18200] =	vst v63  }
0x23b: {  	s29 =	simm.s32 $0x8200  }
0x23c: {  	[tilespmem:s29], [sflag:$0x1] =	stream.indirect_vreg.gather [hbm4b:s5+s3], $0x80, v3, vm0, $0xb8;
	[tilespmem:$0x18200] =	vst v63  }
0x23d: {  	s25 =	simm.s32 $0x8A00  }
0x23e: {  	[tilespmem:s25], [sflag:$0x1] =	stream.indirect_vreg.gather [hbm4b:s6+s3], $0x80, v3, vm0, $0xb8;
	[tilespmem:$0x18200] =	vst v63  }
0x23f: {  	v3 =	vld [tilespmem:$0x1B0];
	_ =	sdelay $0x4  }
0x240: {  	v59 =	vshrl.u32 v3, $0x3  }
0x241: {  	v4 =	vmul.u32 $0x30, v59  }
0x242: {  	v3 =	vand.u32 $0x7, v3  }
0x243: {  	v3 =	vor.u32 v3, v4  }
0x244: {  	v4 =	vperm.xlane v3, v0;
	_ =	sdelay $0x1  }
0x245: {  	v4 =	vadd.s32 v1, v4;
	_ =	sdelay $0x3  }
0x246: {  	s17 =	simm.s32 $0x9200;
	v3 =	vperm.xlane v3, v2  }
0x247: {  	[tilespmem:s17], [sflag:$0x1] =	stream.indirect_vreg.gather [hbm4b:s1+s3], $0x80, v4, vm0, $0xb8;
	[tilespmem:$0x18200] =	vst v63  }
0x248: {  	s30 =	simm.s32 $0x9A00;
	v3 =	vadd.s32 v1, v3  }
0x249: {  	[tilespmem:s30], [sflag:$0x1] =	stream.indirect_vreg.gather [hbm4b:s5+s3], $0x80, v4, vm0, $0xb8;
	[tilespmem:$0x18200] =	vst v63  }
0x24a: {  	s14 =	simm.s32 $0xA200  }
0x24b: {  	[tilespmem:s14], [sflag:$0x1] =	stream.indirect_vreg.gather [hbm4b:s6+s3], $0x80, v4, vm0, $0xb8;
	[tilespmem:$0x18200] =	vst v63  }
0x24c: {  	s15 =	simm.s32 $0xAA00  }
0x24d: {  	[tilespmem:s15], [sflag:$0x1] =	stream.indirect_vreg.gather [hbm4b:s1+s3], $0x80, v3, vm0, $0xb8;
	[tilespmem:$0x18200] =	vst v63  }
0x24e: {  	s16 =	simm.s32 $0xB200  }
0x24f: {  	[tilespmem:s16], [sflag:$0x1] =	stream.indirect_vreg.gather [hbm4b:s5+s3], $0x80, v3, vm0, $0xb8;
	[tilespmem:$0x18200] =	vst v63  }
0x250: {  	s26 =	simm.s32 $0xBA00  }
0x251: {  	[tilespmem:s26], [sflag:$0x1] =	stream.indirect_vreg.gather [hbm4b:s6+s3], $0x80, v3, vm0, $0xb8;
	[tilespmem:$0x18200] =	vst v63  }
0x252: {  	_ =	swait.ge [sflag:s4], $0xC000  }
0x253: {  	[sflag:s4] =	ssyncset.done $0x0  }
0x254: {  	s28 =	rddreg [dreg:$0xa];
	[sflag:s4] =	ssyncadd.s32 $0xFFFF4000  }
0x255: {  	[hbm4b:s28+s3] =	stream.linear.scatter [tilespmem:s19], [sflag:$0x3], $0xC000, $0x38;
	[tilespmem:$0x18200] =	vst v63  }
0x256: {  	_ =	swait.ge [sflag:s12], $0xC000  }
0x257: {  	[sflag:s12] =	ssyncset.done $0x0  }
0x258: {  	[sflag:s12] =	ssyncadd.s32 $0xFFFF4000  }
0x259: {  	v3 =	vld [tilespmem:$0x1C0];
	_ =	sdelay $0x4  }
0x25a: {  	v60 =	vshrl.u32 v3, $0x3  }
0x25b: {  	v4 =	vmul.u32 $0x30, v60  }
0x25c: {  	v3 =	vand.u32 $0x7, v3  }
0x25d: {  	v3 =	vor.u32 v3, v4  }
0x25e: {  	v4 =	vperm.xlane v3, v0;
	_ =	sdelay $0x1  }
0x25f: {  	v4 =	vadd.s32 v1, v4;
	_ =	sdelay $0x3  }
0x260: {  	v3 =	vperm.xlane v3, v2  }
0x261: {  	[tilespmem:s8], [sflag:$0x2] =	stream.indirect_vreg.gather [hbm4b:s1+s3], $0x80, v4, vm0, $0xb8;
	[tilespmem:$0x18200] =	vst v63  }
0x262: {  	s31 =	simm.s32 $0xCA00;
	v3 =	vadd.s32 v1, v3  }
0x263: {  	[tilespmem:s31], [sflag:$0x2] =	stream.indirect_vreg.gather [hbm4b:s5+s3], $0x80, v4, vm0, $0xb8;
	[tilespmem:$0x18200] =	vst v63  }
0x264: {  	s20 =	simm.s32 $0xD200  }
0x265: {  	[tilespmem:s20], [sflag:$0x2] =	stream.indirect_vreg.gather [hbm4b:s6+s3], $0x80, v4, vm0, $0xb8;
	[tilespmem:$0x18200] =	vst v63  }
0x266: {  	s29 =	simm.s32 $0xDA00  }
0x267: {  	[tilespmem:s29], [sflag:$0x2] =	stream.indirect_vreg.gather [hbm4b:s1+s3], $0x80, v3, vm0, $0xb8;
	[tilespmem:$0x18200] =	vst v63  }
0x268: {  	s30 =	simm.s32 $0xE200  }
0x269: {  	[tilespmem:s30], [sflag:$0x2] =	stream.indirect_vreg.gather [hbm4b:s5+s3], $0x80, v3, vm0, $0xb8;
	[tilespmem:$0x18200] =	vst v63  }
0x26a: {  	s31 =	simm.s32 $0xEA00  }
0x26b: {  	[tilespmem:s31], [sflag:$0x2] =	stream.indirect_vreg.gather [hbm4b:s6+s3], $0x80, v3, vm0, $0xb8;
	[tilespmem:$0x18200] =	vst v63  }
0x26c: {  	v3 =	vld [tilespmem:$0x1D0];
	_ =	sdelay $0x4  }
0x26d: {  	v61 =	vshrl.u32 v3, $0x3  }
0x26e: {  	v4 =	vmul.u32 $0x30, v61  }
0x26f: {  	v3 =	vand.u32 $0x7, v3  }
0x270: {  	v3 =	vor.u32 v3, v4  }
0x271: {  	v4 =	vperm.xlane v3, v0;
	_ =	sdelay $0x1  }
0x272: {  	v4 =	vadd.s32 v1, v4;
	_ =	sdelay $0x3  }
0x273: {  	s2 =	simm.s32 $0xF200;
	v3 =	vperm.xlane v3, v2  }
0x274: {  	[tilespmem:s2], [sflag:$0x2] =	stream.indirect_vreg.gather [hbm4b:s1+s3], $0x80, v4, vm0, $0xb8;
	[tilespmem:$0x18200] =	vst v63  }
0x275: {  	s9 =	simm.s32 $0xFA00;
	v3 =	vadd.s32 v1, v3  }
0x276: {  	[tilespmem:s9], [sflag:$0x2] =	stream.indirect_vreg.gather [hbm4b:s5+s3], $0x80, v4, vm0, $0xb8;
	[tilespmem:$0x18200] =	vst v63  }
0x277: {  	s13 =	simm.s32 $0x10200  }
0x278: {  	[tilespmem:s13], [sflag:$0x2] =	stream.indirect_vreg.gather [hbm4b:s6+s3], $0x80, v4, vm0, $0xb8;
	[tilespmem:$0x18200] =	vst v63  }
0x279: {  	s14 =	simm.s32 $0x10A00  }
0x27a: {  	[tilespmem:s14], [sflag:$0x2] =	stream.indirect_vreg.gather [hbm4b:s1+s3], $0x80, v3, vm0, $0xb8;
	[tilespmem:$0x18200] =	vst v63  }
0x27b: {  	s15 =	simm.s32 $0x11200  }
0x27c: {  	[tilespmem:s15], [sflag:$0x2] =	stream.indirect_vreg.gather [hbm4b:s5+s3], $0x80, v3, vm0, $0xb8;
	[tilespmem:$0x18200] =	vst v63  }
0x27d: {  	s16 =	simm.s32 $0x11A00  }
0x27e: {  	[tilespmem:s16], [sflag:$0x2] =	stream.indirect_vreg.gather [hbm4b:s6+s3], $0x80, v3, vm0, $0xb8;
	[tilespmem:$0x18200] =	vst v63  }
0x27f: {  	v3 =	vld [tilespmem:$0x1E0];
	_ =	sdelay $0x4  }
0x280: {  	v62 =	vshrl.u32 v3, $0x3  }
0x281: {  	v4 =	vmul.u32 $0x30, v62  }
0x282: {  	v3 =	vand.u32 $0x7, v3  }
0x283: {  	v3 =	vor.u32 v3, v4  }
0x284: {  	v4 =	vperm.xlane v3, v0;
	_ =	sdelay $0x1  }
0x285: {  	v4 =	vadd.s32 v1, v4;
	_ =	sdelay $0x3  }
0x286: {  	s17 =	simm.s32 $0x12200;
	v3 =	vperm.xlane v3, v2  }
0x287: {  	[tilespmem:s17], [sflag:$0x2] =	stream.indirect_vreg.gather [hbm4b:s1+s3], $0x80, v4, vm0, $0xb8;
	[tilespmem:$0x18200] =	vst v63  }
0x288: {  	s18 =	simm.s32 $0x12A00;
	v3 =	vadd.s32 v1, v3  }
0x289: {  	[tilespmem:s18], [sflag:$0x2] =	stream.indirect_vreg.gather [hbm4b:s5+s3], $0x80, v4, vm0, $0xb8;
	[tilespmem:$0x18200] =	vst v63  }
0x28a: {  	s20 =	simm.s32 $0x13200  }
0x28b: {  	[tilespmem:s20], [sflag:$0x2] =	stream.indirect_vreg.gather [hbm4b:s6+s3], $0x80, v4, vm0, $0xb8;
	[tilespmem:$0x18200] =	vst v63  }
0x28c: {  	s21 =	simm.s32 $0x13A00  }
0x28d: {  	[tilespmem:s21], [sflag:$0x2] =	stream.indirect_vreg.gather [hbm4b:s1+s3], $0x80, v3, vm0, $0xb8;
	[tilespmem:$0x18200] =	vst v63  }
0x28e: {  	s22 =	simm.s32 $0x14200  }
0x28f: {  	[tilespmem:s22], [sflag:$0x2] =	stream.indirect_vreg.gather [hbm4b:s5+s3], $0x80, v3, vm0, $0xb8;
	[tilespmem:$0x18200] =	vst v63  }
0x290: {  	s23 =	simm.s32 $0x14A00  }
0x291: {  	[tilespmem:s23], [sflag:$0x2] =	stream.indirect_vreg.gather [hbm4b:s6+s3], $0x80, v3, vm0, $0xb8;
	[tilespmem:$0x18200] =	vst v63  }
0x292: {  	v3 =	vld [tilespmem:$0x1F0];
	_ =	sdelay $0x4  }
0x293: {  	v63 =	vshrl.u32 v3, $0x3  }
0x294: {  	v4 =	vmul.u32 $0x30, v63  }
0x295: {  	v3 =	vand.u32 $0x7, v3  }
0x296: {  	v3 =	vor.u32 v3, v4  }
0x297: {  	v4 =	vperm.xlane v3, v0;
	_ =	sdelay $0x1  }
0x298: {  	v4 =	vadd.s32 v1, v4;
	_ =	sdelay $0x3  }
0x299: {  	s24 =	simm.s32 $0x15200;
	v3 =	vperm.xlane v3, v2  }
0x29a: {  	[tilespmem:s24], [sflag:$0x2] =	stream.indirect_vreg.gather [hbm4b:s1+s3], $0x80, v4, vm0, $0xb8;
	[tilespmem:$0x18200] =	vst v63  }
0x29b: {  	s25 =	simm.s32 $0x15A00;
	v3 =	vadd.s32 v1, v3  }
0x29c: {  	[tilespmem:s25], [sflag:$0x2] =	stream.indirect_vreg.gather [hbm4b:s5+s3], $0x80, v4, vm0, $0xb8;
	[tilespmem:$0x18200] =	vst v63  }
0x29d: {  	s26 =	simm.s32 $0x16200  }
0x29e: {  	[tilespmem:s26], [sflag:$0x2] =	stream.indirect_vreg.gather [hbm4b:s6+s3], $0x80, v4, vm0, $0xb8;
	[tilespmem:$0x18200] =	vst v63  }
0x29f: {  	s28 =	simm.s32 $0x16A00  }
0x2a0: {  	[tilespmem:s28], [sflag:$0x2] =	stream.indirect_vreg.gather [hbm4b:s1+s3], $0x80, v3, vm0, $0xb8;
	[tilespmem:$0x18200] =	vst v63  }
0x2a1: {  	s29 =	simm.s32 $0x17200  }
0x2a2: {  	[tilespmem:s29], [sflag:$0x2] =	stream.indirect_vreg.gather [hbm4b:s5+s3], $0x80, v3, vm0, $0xb8;
	[tilespmem:$0x18200] =	vst v63  }
0x2a3: {  	s30 =	simm.s32 $0x17A00  }
0x2a4: {  	[tilespmem:s30], [sflag:$0x2] =	stream.indirect_vreg.gather [hbm4b:s6+s3], $0x80, v3, vm0, $0xb8;
	[tilespmem:$0x18200] =	vst v63  }
0x2a5: {  	_ =	swait.ge [sflag:s10], $0xC000  }
0x2a6: {  	[sflag:s10] =	ssyncset.done $0x0  }
0x2a7: {  	s31 =	rddreg [dreg:$0xb];
	[sflag:s10] =	ssyncadd.s32 $0xFFFF4000  }
0x2a8: {  	[hbm4b:s31+s3] =	stream.linear.scatter [tilespmem:s8], [sflag:$0x4], $0xC000, $0x38;
	[tilespmem:$0x18200] =	vst v63  }
0x2a9: {  	p0 =	sne.s32 s7, $0x1;
	_ =	swait.ge [sflag:s11], $0xC000  }
.Ltmp0:
0x2aa: {  	[sflag:s11] =	ssyncset.done $0x0;
	(pc) =	sbr.rel @p0 .LBB2_1-.Ltmp0, $4  }
0x2ab: {  	[sflag:s11] =	ssyncadd.s32 $0xFFFF4000  }
0x2ac: {  	_ =	swait.ge [sflag:s12], $0xC000  }
0x2ad: {  	[sflag:s12] =	ssyncset.done $0x0  }
0x2ae: {  	s7 =	sadd.s32 $0xFFFFFFFF, s7;
	[sflag:s12] =	ssyncadd.s32 $0xFFFF4000  }
0x2af: {  	_ =	sfence.sel $0x180000  }
0x2b0: {  	[bflag:$0x0] =	sbarrier.arrive $0xFFFF  }
0x2b1: {  	_ =	strace $0x90000047  }
0x2b2: {  	s0 =	stileid.u32;
	[bflag:$0x2] =	sbarrier.arrive $0xFFFF  }
0x2b3: {  	p0 =	sne.s32 s0, $0x0;
	s0 =	rddreg [dreg:$0x3]  }
0x2b4: {  	s0 =	sadd.s32 @!p0 $0x100000, s0  }
0x2b5: {  	[sflag:s0] =	ssyncadd.tile.s32 @!p0 $0x1;
	_ =	shalt  }
.Lfunc_end2:
_tile_overlayer_lowered:
.L_overlay_start_2:
0x2b6: {  	(tag) =	ssettag $0x2  }
0x2b7: {  	s0 =	rddreg [dreg:$0x0];
	s2 =	stileid.u32  }
0x2b8: {  	s1 =	rddreg [dreg:$0x1];
	p0 =	sne.s32 s2, $0x0  }
0x2b9: {  	s3 =	rddreg [dreg:$0x2];
	[bflag:$0x3] =	sbarrier.arrive $0xFFFF;
	s2 =	simm.s32 @!p0 $0x1C05  }
0x2ba: {  	[timem:s3], [sflag:s2] =	dma.local @!p0 [hbm:s0], s1  }
0x2bb: {  	s0 =	simm.s32 @!p0 $0x5  }
0x2bc: {  	_ =	swait.ge @!p0 [sflag:s0], s1  }
0x2bd: {  	s1 =	ssub.s32 @!p0 $0x0, s1;
	[sflag:s0] =	ssyncset.done @!p0 $0x0  }
0x2be: {  	[sflag:s0] =	ssyncadd.s32 @!p0 s1  }
0x2bf: {  	[bflag:$0x3] =	sbarrier.arrive $0xFFFF  }
0x2c0: {  	_ =	shalt  }

</sc_bundles>
